<compile_context>
chip_gen: v7x
topology: tpu7x:2x2x1
jax: 0.10.2.dev20260603
libtpu: 0.0.44.dev20260713+nightly
codegen_flags: <defaults>
</compile_context>

<pallas_src>
import functools
import math

import jax
import jax.numpy as jnp
from jax import lax
from jax.experimental import pallas as pl
from jax.experimental.pallas import tpu as pltpu
from jax.experimental.pallas import tpu_sc as plsc

VOCAB = 1000000
EMBED = 64
EPAD = 128
BATCH = 4096
SEQ = 200
B = BATCH * SEQ

L = 16
NC, NS = 2, 16
NW = NC * NS
B_PER_W = B // NW
SUB = 128
CHUNK = 256
HALF = CHUNK // 2
NSUB = CHUNK // SUB
NBUF = 3
NCHUNK = B_PER_W // CHUNK
IDXROWS_PER_W = B_PER_W // SUB
SCALE = math.sqrt(EMBED)


def _emb_kernel(idx_hbm, tab_hbm, out_hbm,
                idx0, idx1, idx2, rows0, rows1, rows2, cmp_v,
                sem0, sem1, sem2, isem0, isem1, isem2):
    wid = lax.axis_index("s") * NC + lax.axis_index("c")
    out_base = wid * B_PER_W
    idx_base = wid * IDXROWS_PER_W
    idx_v = (idx0, idx1, idx2)
    rows_v = (rows0, rows1, rows2)
    sems = (sem0, sem1, sem2)
    isems = (isem0, isem1, isem2)

    def prefetch_idx(b, c):
        pltpu.async_copy(
            idx_hbm.at[pl.ds(idx_base + c * NSUB, NSUB)], idx_v[b], isems[b])

    def fire(b, c):
        pltpu.make_async_copy(
            idx_hbm.at[pl.ds(idx_base + c * NSUB, NSUB)], idx_v[b],
            isems[b]).wait()
        for j in range(NSUB):
            pltpu.async_copy(
                tab_hbm.at[idx_v[b].at[j]],
                rows_v[b].at[pl.ds(j * SUB, SUB)],
                sems[b],
            )

    def drain(b):
        for j in range(NSUB):
            pltpu.make_async_copy(
                tab_hbm.at[idx_v[b].at[j]],
                rows_v[b].at[pl.ds(j * SUB, SUB)],
                sems[b],
            ).wait()

    def emit(b, c):
        rows = rows_v[b]
        drain(b)

        @pl.when(c + NBUF < NCHUNK)
        def _():
            prefetch_idx(b, c + NBUF)

        for h in range(2):

            @plsc.parallel_loop(0, HALF, step=1, unroll=8)
            def _(i):
                for j in range(EMBED // L):
                    cmp_v[i, pl.ds(j * L, L)] = (
                        rows[h * HALF + i, pl.ds(j * L, L)] * SCALE)

            if h == 1:

                @pl.when(c + NBUF < NCHUNK)
                def _():
                    fire(b, c + NBUF)

            pltpu.sync_copy(
                cmp_v,
                out_hbm.at[pl.ds(out_base + c * CHUNK + h * HALF, HALF)])

    for b in range(NBUF):
        prefetch_idx(b, b)
        fire(b, b)

    def group_body(g, carry):
        for b in range(NBUF):
            emit(b, g * NBUF + b)
        return carry

    lax.fori_loop(0, NCHUNK // NBUF, group_body, 0)
    for c in range(NCHUNK - NCHUNK % NBUF, NCHUNK):
        emit(c % NBUF, jnp.int32(c))


@jax.jit
def _emb(idx2d, tpad):
    mesh = plsc.VectorSubcoreMesh(core_axis_name="c", subcore_axis_name="s")
    return pl.kernel(
        _emb_kernel,
        mesh=mesh,
        out_type=jax.ShapeDtypeStruct((B, EMBED), jnp.float32),
        scratch_types=[
            pltpu.VMEM((NSUB, SUB), jnp.int32),
            pltpu.VMEM((NSUB, SUB), jnp.int32),
            pltpu.VMEM((NSUB, SUB), jnp.int32),
            pltpu.VMEM((CHUNK, EPAD), jnp.float32),
            pltpu.VMEM((CHUNK, EPAD), jnp.float32),
            pltpu.VMEM((CHUNK, EPAD), jnp.float32),
            pltpu.VMEM((HALF, EMBED), jnp.float32),
            pltpu.SemaphoreType.DMA,
            pltpu.SemaphoreType.DMA,
            pltpu.SemaphoreType.DMA,
            pltpu.SemaphoreType.DMA,
            pltpu.SemaphoreType.DMA,
            pltpu.SemaphoreType.DMA,
        ],
        compiler_params=pltpu.CompilerParams(use_tc_tiling_on_sc=True),
    )(idx2d, tpad)


def kernel(inputs, table):
    idx2d = inputs.reshape(B // SUB, SUB)
    tpad = jnp.pad(table, ((0, 0), (0, EPAD - EMBED)))
    out = _emb(idx2d, tpad)
    return out.reshape(BATCH, SEQ, EMBED)

# --- scband reference (transcript-rebuilt; emitter-appended) ---
"""Pipeline reference for scband-embeddings-15298673508525 (READ-ONLY COPY).

The authoritative reference and input builder live on the scoring server;
editing this copy changes nothing except your own understanding.
"""

import jax, jax.numpy as jnp
import numpy as np
import math

VOCAB = 1000000
EMBED = 64
BATCH = 4096
SEQ = 200

def setup_inputs(seed: int = 0) -> dict:
    key = jax.random.key(seed)
    k1, k2 = jax.random.split(key)
    inputs = jax.random.randint(k1, (BATCH, SEQ), 0, VOCAB, dtype=jnp.int64 if jax.config.jax_enable_x64 else jnp.int32)
    table = jax.random.normal(k2, (VOCAB, EMBED), dtype=jnp.float32) * 0.02
    return {"inputs": inputs, "table": table}

def reference(inputs, table):
    # Embedding lookup scaled by sqrt(embed_size)
    emb = jnp.take(table, inputs, axis=0)
    return emb * math.sqrt(EMBED)

if __name__ == "__main__":
    import jax
    _d = setup_inputs()
    print(jax.jit(kernel)(*tuple(_d.values())))

</pallas_src>

<mosaic_0001>
#map = affine_map<(d0, d1) -> (0, 0)>
module attributes {stable_mosaic.version = 14 : i64} {
  func.func @_emb_kernel(%arg0: i32, %arg1: i32, %arg2: memref<6400x128xi32, #tpu.memory_space<hbm>>, %arg3: memref<1000000x128xf32, #tpu.memory_space<hbm>>, %arg4: memref<819200x64xf32, #tpu.memory_space<hbm>>, %arg5: memref<2x128xi32, #tpu.memory_space<vmem>>, %arg6: memref<2x128xi32, #tpu.memory_space<vmem>>, %arg7: memref<2x128xi32, #tpu.memory_space<vmem>>, %arg8: memref<256x128xf32, #tpu.memory_space<vmem>>, %arg9: memref<256x128xf32, #tpu.memory_space<vmem>>, %arg10: memref<256x128xf32, #tpu.memory_space<vmem>>, %arg11: memref<128x64xf32, #tpu.memory_space<vmem>>, %arg12: memref<!tpu.dma_semaphore, #tpu.memory_space<semaphore_mem>>, %arg13: memref<!tpu.dma_semaphore, #tpu.memory_space<semaphore_mem>>, %arg14: memref<!tpu.dma_semaphore, #tpu.memory_space<semaphore_mem>>, %arg15: memref<!tpu.dma_semaphore, #tpu.memory_space<semaphore_mem>>, %arg16: memref<!tpu.dma_semaphore, #tpu.memory_space<semaphore_mem>>, %arg17: memref<!tpu.dma_semaphore, #tpu.memory_space<semaphore_mem>>) attributes {dimension_semantics = [#tpu.dimension_semantics<core_parallel>, #tpu.dimension_semantics<subcore_parallel>], iteration_bounds = array<i64: 2, 16>, scalar_prefetch = 0 : i64, scratch_operands = 13 : i64, tpu.core_type = #tpu.core_type<sc_vector_subcore>, window_params = [{transform_indices = #map}, {transform_indices = #map}, {transform_indices = #map}]} {
    %mul3A = arith.constant 2 : i32
    %mul3A_0 = arith.muli %arg1, %mul3A : i32
    %add3A = arith.addi %mul3A_0, %arg0 : i32
    %mul3A_1 = arith.constant 25600 : i32
    %mul3A_2 = arith.muli %add3A, %mul3A_1 : i32
    %mul3A_3 = arith.constant 200 : i32
    %mul3A_4 = arith.muli %add3A, %mul3A_3 : i32
    %add3A_5 = arith.constant 0 : i32
    %add3A_6 = arith.addi %mul3A_4, %add3A_5 : i32
    %dma_start3A = arith.constant 0 : i32
    %dma_start3A_7 = tpu.memref_slice %arg2[%add3A_6, %dma_start3A] : memref<6400x128xi32, #tpu.memory_space<hbm>> -> memref<2x128xi32, #tpu.memory_space<hbm>>
    %dma_start3A_8 = arith.constant 0 : i32
    %dma_start3A_9 = tpu.memref_slice %arg2[%add3A_6, %dma_start3A_8] : memref<6400x128xi32, #tpu.memory_space<hbm>> -> memref<2x128xi32, #tpu.memory_space<hbm>>
    tpu.enqueue_dma source(%dma_start3A_9 : memref<2x128xi32, #tpu.memory_space<hbm>>) target(%arg5 : memref<2x128xi32, #tpu.memory_space<vmem>>) target_semaphore(%arg15 : memref<!tpu.dma_semaphore, #tpu.memory_space<semaphore_mem>>)
    %add3A_10 = arith.constant 0 : i32
    %add3A_11 = arith.addi %mul3A_4, %add3A_10 : i32
    %dma_wait3A = arith.constant 0 : i32
    %dma_wait3A_12 = tpu.memref_slice %arg2[%add3A_11, %dma_wait3A] : memref<6400x128xi32, #tpu.memory_space<hbm>> -> memref<2x128xi32, #tpu.memory_space<hbm>>
    %dma_wait3A_13 = arith.constant 0 : i32
    %dma_wait3A_14 = tpu.memref_slice %arg2[%add3A_11, %dma_wait3A_13] : memref<6400x128xi32, #tpu.memory_space<hbm>> -> memref<2x128xi32, #tpu.memory_space<hbm>>
    tpu.wait_dma2 semaphore(%arg15 : memref<!tpu.dma_semaphore, #tpu.memory_space<semaphore_mem>>) src(%dma_wait3A_14 : memref<2x128xi32, #tpu.memory_space<hbm>>) dst(%arg5 : memref<2x128xi32, #tpu.memory_space<vmem>>)
    %dma_start3A_15 = arith.constant 0 : i32
    %dma_start3A_16 = arith.constant 0 : i32
    %dma_start3A_17 = arith.constant 0 : i32
    %dma_start3A_18 = tpu.memref_slice %arg8[%dma_start3A_16, %dma_start3A_17] : memref<256x128xf32, #tpu.memory_space<vmem>> -> memref<128x128xf32, #tpu.memory_space<vmem>>
    %dma_start3A_19 = arith.constant 0 : i32
    %dma_start3A_20 = tpu.memref_slice %arg5[%dma_start3A_15, %dma_start3A_19] : memref<2x128xi32, #tpu.memory_space<vmem>> -> memref<1x128xi32, #tpu.memory_space<vmem>>
    %dma_start3A_21 = tpu.memref_squeeze %dma_start3A_20 : memref<1x128xi32, #tpu.memory_space<vmem>> -> memref<128xi32, #tpu.memory_space<vmem>>
    %dma_start3A_22 = arith.constant 0 : i32
    %dma_start3A_23 = arith.constant 0 : i32
    %dma_start3A_24 = tpu.memref_slice %arg3[%dma_start3A_22, %dma_start3A_23] : memref<1000000x128xf32, #tpu.memory_space<hbm>> -> memref<1000000x128xf32, #tpu.memory_space<hbm>>
    tpu.enqueue_indirect_dma source(%dma_start3A_24 : memref<1000000x128xf32, #tpu.memory_space<hbm>>) target(%dma_start3A_18 : memref<128x128xf32, #tpu.memory_space<vmem>>) offsets(%dma_start3A_21 : memref<128xi32, #tpu.memory_space<vmem>>) semaphore(%arg12 : memref<!tpu.dma_semaphore, #tpu.memory_space<semaphore_mem>>)
    %dma_start3A_25 = arith.constant 1 : i32
    %dma_start3A_26 = arith.constant 128 : i32
    %dma_start3A_27 = arith.constant 0 : i32
    %dma_start3A_28 = tpu.memref_slice %arg8[%dma_start3A_26, %dma_start3A_27] : memref<256x128xf32, #tpu.memory_space<vmem>> -> memref<128x128xf32, #tpu.memory_space<vmem>>
    %dma_start3A_29 = arith.constant 0 : i32
    %dma_start3A_30 = tpu.memref_slice %arg5[%dma_start3A_25, %dma_start3A_29] : memref<2x128xi32, #tpu.memory_space<vmem>> -> memref<1x128xi32, #tpu.memory_space<vmem>>
    %dma_start3A_31 = tpu.memref_squeeze %dma_start3A_30 : memref<1x128xi32, #tpu.memory_space<vmem>> -> memref<128xi32, #tpu.memory_space<vmem>>
    %dma_start3A_32 = arith.constant 0 : i32
    %dma_start3A_33 = arith.constant 0 : i32
    %dma_start3A_34 = tpu.memref_slice %arg3[%dma_start3A_32, %dma_start3A_33] : memref<1000000x128xf32, #tpu.memory_space<hbm>> -> memref<1000000x128xf32, #tpu.memory_space<hbm>>
    tpu.enqueue_indirect_dma source(%dma_start3A_34 : memref<1000000x128xf32, #tpu.memory_space<hbm>>) target(%dma_start3A_28 : memref<128x128xf32, #tpu.memory_space<vmem>>) offsets(%dma_start3A_31 : memref<128xi32, #tpu.memory_space<vmem>>) semaphore(%arg12 : memref<!tpu.dma_semaphore, #tpu.memory_space<semaphore_mem>>)
    %add3A_35 = arith.constant 2 : i32
    %add3A_36 = arith.addi %mul3A_4, %add3A_35 : i32
    %dma_start3A_37 = arith.constant 0 : i32
    %dma_start3A_38 = tpu.memref_slice %arg2[%add3A_36, %dma_start3A_37] : memref<6400x128xi32, #tpu.memory_space<hbm>> -> memref<2x128xi32, #tpu.memory_space<hbm>>
    %dma_start3A_39 = arith.constant 0 : i32
    %dma_start3A_40 = tpu.memref_slice %arg2[%add3A_36, %dma_start3A_39] : memref<6400x128xi32, #tpu.memory_space<hbm>> -> memref<2x128xi32, #tpu.memory_space<hbm>>
    tpu.enqueue_dma source(%dma_start3A_40 : memref<2x128xi32, #tpu.memory_space<hbm>>) target(%arg6 : memref<2x128xi32, #tpu.memory_space<vmem>>) target_semaphore(%arg16 : memref<!tpu.dma_semaphore, #tpu.memory_space<semaphore_mem>>)
    %add3A_41 = arith.constant 2 : i32
    %add3A_42 = arith.addi %mul3A_4, %add3A_41 : i32
    %dma_wait3A_43 = arith.constant 0 : i32
    %dma_wait3A_44 = tpu.memref_slice %arg2[%add3A_42, %dma_wait3A_43] : memref<6400x128xi32, #tpu.memory_space<hbm>> -> memref<2x128xi32, #tpu.memory_space<hbm>>
    %dma_wait3A_45 = arith.constant 0 : i32
    %dma_wait3A_46 = tpu.memref_slice %arg2[%add3A_42, %dma_wait3A_45] : memref<6400x128xi32, #tpu.memory_space<hbm>> -> memref<2x128xi32, #tpu.memory_space<hbm>>
    tpu.wait_dma2 semaphore(%arg16 : memref<!tpu.dma_semaphore, #tpu.memory_space<semaphore_mem>>) src(%dma_wait3A_46 : memref<2x128xi32, #tpu.memory_space<hbm>>) dst(%arg6 : memref<2x128xi32, #tpu.memory_space<vmem>>)
    %dma_start3A_47 = arith.constant 0 : i32
    %dma_start3A_48 = arith.constant 0 : i32
    %dma_start3A_49 = arith.constant 0 : i32
    %dma_start3A_50 = tpu.memref_slice %arg9[%dma_start3A_48, %dma_start3A_49] : memref<256x128xf32, #tpu.memory_space<vmem>> -> memref<128x128xf32, #tpu.memory_space<vmem>>
    %dma_start3A_51 = arith.constant 0 : i32
    %dma_start3A_52 = tpu.memref_slice %arg6[%dma_start3A_47, %dma_start3A_51] : memref<2x128xi32, #tpu.memory_space<vmem>> -> memref<1x128xi32, #tpu.memory_space<vmem>>
    %dma_start3A_53 = tpu.memref_squeeze %dma_start3A_52 : memref<1x128xi32, #tpu.memory_space<vmem>> -> memref<128xi32, #tpu.memory_space<vmem>>
    %dma_start3A_54 = arith.constant 0 : i32
    %dma_start3A_55 = arith.constant 0 : i32
    %dma_start3A_56 = tpu.memref_slice %arg3[%dma_start3A_54, %dma_start3A_55] : memref<1000000x128xf32, #tpu.memory_space<hbm>> -> memref<1000000x128xf32, #tpu.memory_space<hbm>>
    tpu.enqueue_indirect_dma source(%dma_start3A_56 : memref<1000000x128xf32, #tpu.memory_space<hbm>>) target(%dma_start3A_50 : memref<128x128xf32, #tpu.memory_space<vmem>>) offsets(%dma_start3A_53 : memref<128xi32, #tpu.memory_space<vmem>>) semaphore(%arg13 : memref<!tpu.dma_semaphore, #tpu.memory_space<semaphore_mem>>)
    %dma_start3A_57 = arith.constant 1 : i32
    %dma_start3A_58 = arith.constant 128 : i32
    %dma_start3A_59 = arith.constant 0 : i32
    %dma_start3A_60 = tpu.memref_slice %arg9[%dma_start3A_58, %dma_start3A_59] : memref<256x128xf32, #tpu.memory_space<vmem>> -> memref<128x128xf32, #tpu.memory_space<vmem>>
    %dma_start3A_61 = arith.constant 0 : i32
    %dma_start3A_62 = tpu.memref_slice %arg6[%dma_start3A_57, %dma_start3A_61] : memref<2x128xi32, #tpu.memory_space<vmem>> -> memref<1x128xi32, #tpu.memory_space<vmem>>
    %dma_start3A_63 = tpu.memref_squeeze %dma_start3A_62 : memref<1x128xi32, #tpu.memory_space<vmem>> -> memref<128xi32, #tpu.memory_space<vmem>>
    %dma_start3A_64 = arith.constant 0 : i32
    %dma_start3A_65 = arith.constant 0 : i32
    %dma_start3A_66 = tpu.memref_slice %arg3[%dma_start3A_64, %dma_start3A_65] : memref<1000000x128xf32, #tpu.memory_space<hbm>> -> memref<1000000x128xf32, #tpu.memory_space<hbm>>
    tpu.enqueue_indirect_dma source(%dma_start3A_66 : memref<1000000x128xf32, #tpu.memory_space<hbm>>) target(%dma_start3A_60 : memref<128x128xf32, #tpu.memory_space<vmem>>) offsets(%dma_start3A_63 : memref<128xi32, #tpu.memory_space<vmem>>) semaphore(%arg13 : memref<!tpu.dma_semaphore, #tpu.memory_space<semaphore_mem>>)
    %add3A_67 = arith.constant 4 : i32
    %add3A_68 = arith.addi %mul3A_4, %add3A_67 : i32
    %dma_start3A_69 = arith.constant 0 : i32
    %dma_start3A_70 = tpu.memref_slice %arg2[%add3A_68, %dma_start3A_69] : memref<6400x128xi32, #tpu.memory_space<hbm>> -> memref<2x128xi32, #tpu.memory_space<hbm>>
    %dma_start3A_71 = arith.constant 0 : i32
    %dma_start3A_72 = tpu.memref_slice %arg2[%add3A_68, %dma_start3A_71] : memref<6400x128xi32, #tpu.memory_space<hbm>> -> memref<2x128xi32, #tpu.memory_space<hbm>>
    tpu.enqueue_dma source(%dma_start3A_72 : memref<2x128xi32, #tpu.memory_space<hbm>>) target(%arg7 : memref<2x128xi32, #tpu.memory_space<vmem>>) target_semaphore(%arg17 : memref<!tpu.dma_semaphore, #tpu.memory_space<semaphore_mem>>)
    %add3A_73 = arith.constant 4 : i32
    %add3A_74 = arith.addi %mul3A_4, %add3A_73 : i32
    %dma_wait3A_75 = arith.constant 0 : i32
    %dma_wait3A_76 = tpu.memref_slice %arg2[%add3A_74, %dma_wait3A_75] : memref<6400x128xi32, #tpu.memory_space<hbm>> -> memref<2x128xi32, #tpu.memory_space<hbm>>
    %dma_wait3A_77 = arith.constant 0 : i32
    %dma_wait3A_78 = tpu.memref_slice %arg2[%add3A_74, %dma_wait3A_77] : memref<6400x128xi32, #tpu.memory_space<hbm>> -> memref<2x128xi32, #tpu.memory_space<hbm>>
    tpu.wait_dma2 semaphore(%arg17 : memref<!tpu.dma_semaphore, #tpu.memory_space<semaphore_mem>>) src(%dma_wait3A_78 : memref<2x128xi32, #tpu.memory_space<hbm>>) dst(%arg7 : memref<2x128xi32, #tpu.memory_space<vmem>>)
    %dma_start3A_79 = arith.constant 0 : i32
    %dma_start3A_80 = arith.constant 0 : i32
    %dma_start3A_81 = arith.constant 0 : i32
    %dma_start3A_82 = tpu.memref_slice %arg10[%dma_start3A_80, %dma_start3A_81] : memref<256x128xf32, #tpu.memory_space<vmem>> -> memref<128x128xf32, #tpu.memory_space<vmem>>
    %dma_start3A_83 = arith.constant 0 : i32
    %dma_start3A_84 = tpu.memref_slice %arg7[%dma_start3A_79, %dma_start3A_83] : memref<2x128xi32, #tpu.memory_space<vmem>> -> memref<1x128xi32, #tpu.memory_space<vmem>>
    %dma_start3A_85 = tpu.memref_squeeze %dma_start3A_84 : memref<1x128xi32, #tpu.memory_space<vmem>> -> memref<128xi32, #tpu.memory_space<vmem>>
    %dma_start3A_86 = arith.constant 0 : i32
    %dma_start3A_87 = arith.constant 0 : i32
    %dma_start3A_88 = tpu.memref_slice %arg3[%dma_start3A_86, %dma_start3A_87] : memref<1000000x128xf32, #tpu.memory_space<hbm>> -> memref<1000000x128xf32, #tpu.memory_space<hbm>>
    tpu.enqueue_indirect_dma source(%dma_start3A_88 : memref<1000000x128xf32, #tpu.memory_space<hbm>>) target(%dma_start3A_82 : memref<128x128xf32, #tpu.memory_space<vmem>>) offsets(%dma_start3A_85 : memref<128xi32, #tpu.memory_space<vmem>>) semaphore(%arg14 : memref<!tpu.dma_semaphore, #tpu.memory_space<semaphore_mem>>)
    %dma_start3A_89 = arith.constant 1 : i32
    %dma_start3A_90 = arith.constant 128 : i32
    %dma_start3A_91 = arith.constant 0 : i32
    %dma_start3A_92 = tpu.memref_slice %arg10[%dma_start3A_90, %dma_start3A_91] : memref<256x128xf32, #tpu.memory_space<vmem>> -> memref<128x128xf32, #tpu.memory_space<vmem>>
    %dma_start3A_93 = arith.constant 0 : i32
    %dma_start3A_94 = tpu.memref_slice %arg7[%dma_start3A_89, %dma_start3A_93] : memref<2x128xi32, #tpu.memory_space<vmem>> -> memref<1x128xi32, #tpu.memory_space<vmem>>
    %dma_start3A_95 = tpu.memref_squeeze %dma_start3A_94 : memref<1x128xi32, #tpu.memory_space<vmem>> -> memref<128xi32, #tpu.memory_space<vmem>>
    %dma_start3A_96 = arith.constant 0 : i32
    %dma_start3A_97 = arith.constant 0 : i32
    %dma_start3A_98 = tpu.memref_slice %arg3[%dma_start3A_96, %dma_start3A_97] : memref<1000000x128xf32, #tpu.memory_space<hbm>> -> memref<1000000x128xf32, #tpu.memory_space<hbm>>
    tpu.enqueue_indirect_dma source(%dma_start3A_98 : memref<1000000x128xf32, #tpu.memory_space<hbm>>) target(%dma_start3A_92 : memref<128x128xf32, #tpu.memory_space<vmem>>) offsets(%dma_start3A_95 : memref<128xi32, #tpu.memory_space<vmem>>) semaphore(%arg14 : memref<!tpu.dma_semaphore, #tpu.memory_space<semaphore_mem>>)
    %scan3A = arith.constant 0 : i32
    %scan3A_99 = arith.constant 0 : i32
    %scan3A_100 = arith.constant 33 : i32
    %scan3A_101 = arith.addi %scan3A_99, %scan3A_100 : i32
    %scan3A_102 = arith.constant 1 : i32
    scf.for %scan3A_156 = %scan3A_99 to %scan3A_101 step %scan3A_102  : i32 {
      %mul3A_157 = arith.constant 3 : i32
      %mul3A_158 = arith.muli %scan3A_156, %mul3A_157 : i32
      %add3A_159 = arith.constant 0 : i32
      %add3A_160 = arith.addi %mul3A_158, %add3A_159 : i32
      %dma_wait3A_161 = arith.constant 0 : i32
      %dma_wait3A_162 = arith.constant 0 : i32
      %dma_wait3A_163 = arith.constant 0 : i32
      %dma_wait3A_164 = tpu.memref_slice %arg8[%dma_wait3A_162, %dma_wait3A_163] : memref<256x128xf32, #tpu.memory_space<vmem>> -> memref<128x128xf32, #tpu.memory_space<vmem>>
      %dma_wait3A_165 = arith.constant 0 : i32
      %dma_wait3A_166 = tpu.memref_slice %arg5[%dma_wait3A_161, %dma_wait3A_165] : memref<2x128xi32, #tpu.memory_space<vmem>> -> memref<1x128xi32, #tpu.memory_space<vmem>>
      %dma_wait3A_167 = tpu.memref_squeeze %dma_wait3A_166 : memref<1x128xi32, #tpu.memory_space<vmem>> -> memref<128xi32, #tpu.memory_space<vmem>>
      %dma_wait3A_168 = arith.constant 0 : i32
      %dma_wait3A_169 = arith.constant 0 : i32
      %dma_wait3A_170 = tpu.memref_slice %arg3[%dma_wait3A_168, %dma_wait3A_169] : memref<1000000x128xf32, #tpu.memory_space<hbm>> -> memref<1000000x128xf32, #tpu.memory_space<hbm>>
      tpu.wait_indirect_dma semaphore(%arg12 : memref<!tpu.dma_semaphore, #tpu.memory_space<semaphore_mem>>) src(%dma_wait3A_170 : memref<1000000x128xf32, #tpu.memory_space<hbm>>) dst(%dma_wait3A_164 : memref<128x128xf32, #tpu.memory_space<vmem>>)
      %dma_wait3A_171 = arith.constant 1 : i32
      %dma_wait3A_172 = arith.constant 128 : i32
      %dma_wait3A_173 = arith.constant 0 : i32
      %dma_wait3A_174 = tpu.memref_slice %arg8[%dma_wait3A_172, %dma_wait3A_173] : memref<256x128xf32, #tpu.memory_space<vmem>> -> memref<128x128xf32, #tpu.memory_space<vmem>>
      %dma_wait3A_175 = arith.constant 0 : i32
      %dma_wait3A_176 = tpu.memref_slice %arg5[%dma_wait3A_171, %dma_wait3A_175] : memref<2x128xi32, #tpu.memory_space<vmem>> -> memref<1x128xi32, #tpu.memory_space<vmem>>
      %dma_wait3A_177 = tpu.memref_squeeze %dma_wait3A_176 : memref<1x128xi32, #tpu.memory_space<vmem>> -> memref<128xi32, #tpu.memory_space<vmem>>
      %dma_wait3A_178 = arith.constant 0 : i32
      %dma_wait3A_179 = arith.constant 0 : i32
      %dma_wait3A_180 = tpu.memref_slice %arg3[%dma_wait3A_178, %dma_wait3A_179] : memref<1000000x128xf32, #tpu.memory_space<hbm>> -> memref<1000000x128xf32, #tpu.memory_space<hbm>>
      tpu.wait_indirect_dma semaphore(%arg12 : memref<!tpu.dma_semaphore, #tpu.memory_space<semaphore_mem>>) src(%dma_wait3A_180 : memref<1000000x128xf32, #tpu.memory_space<hbm>>) dst(%dma_wait3A_174 : memref<128x128xf32, #tpu.memory_space<vmem>>)
      %add3A_181 = arith.constant 3 : i32
      %add3A_182 = arith.addi %add3A_160, %add3A_181 : i32
      %lt3A_183 = arith.constant 100 : i32
      %lt3A_184 = arith.cmpi slt, %add3A_182, %lt3A_183 : i32
      %convert_element_type3A_185 = arith.extui %lt3A_184 : i1 to i32
      %cond3A_186 = arith.constant 0 : i32
      %cond3A_187 = arith.cmpi ne, %convert_element_type3A_185, %cond3A_186 : i32
      scf.if %cond3A_187 {
        %add3A_319 = arith.constant 3 : i32
        %add3A_320 = arith.addi %add3A_160, %add3A_319 : i32
        %mul3A_321 = arith.constant 2 : i32
        %mul3A_322 = arith.muli %add3A_320, %mul3A_321 : i32
        %add3A_323 = arith.addi %mul3A_4, %mul3A_322 : i32
        %dma_start3A_324 = arith.constant 0 : i32
        %dma_start3A_325 = tpu.memref_slice %arg2[%add3A_323, %dma_start3A_324] : memref<6400x128xi32, #tpu.memory_space<hbm>> -> memref<2x128xi32, #tpu.memory_space<hbm>>
        %dma_start3A_326 = arith.constant 0 : i32
        %dma_start3A_327 = tpu.memref_slice %arg2[%add3A_323, %dma_start3A_326] : memref<6400x128xi32, #tpu.memory_space<hbm>> -> memref<2x128xi32, #tpu.memory_space<hbm>>
        tpu.enqueue_dma source(%dma_start3A_327 : memref<2x128xi32, #tpu.memory_space<hbm>>) target(%arg5 : memref<2x128xi32, #tpu.memory_space<vmem>>) target_semaphore(%arg15 : memref<!tpu.dma_semaphore, #tpu.memory_space<semaphore_mem>>)
      } else {
      }
      %parallel_loop3A_188 = arith.constant 0 : i32
      %parallel_loop3A_189 = arith.constant 128 : i32
      %parallel_loop3A_190 = arith.constant 1 : i32
      scf.for %parallel_loop3A_319 = %parallel_loop3A_188 to %parallel_loop3A_189 step %parallel_loop3A_190  : i32 {
        %parallel_loop3A_320 = arith.constant 0 : i32
        %parallel_loop3A_321 = arith.addi %parallel_loop3A_320, %parallel_loop3A_319 : i32
        %parallel_loop3A_322 = arith.index_cast %parallel_loop3A_321 : i32 to index
        %parallel_loop3A_323 = arith.constant 0 : index
        %parallel_loop3A_324 = tpu.vector_load %arg8[%parallel_loop3A_322, %parallel_loop3A_323] {strides = array<i32>} : memref<256x128xf32, #tpu.memory_space<vmem>>, vector<1x16xf32>,
        %parallel_loop3A_325 = vector.shape_cast %parallel_loop3A_324 : vector<1x16xf32> to vector<16xf32>
        %parallel_loop3A_326 = arith.constant 8.000000e+00 : f32
        %parallel_loop3A_327 = vector.broadcast %parallel_loop3A_326 : f32 to vector<16xf32>
        %parallel_loop3A_328 = arith.mulf %parallel_loop3A_325, %parallel_loop3A_327 : vector<16xf32>
        %parallel_loop3A_329 = arith.index_cast %parallel_loop3A_319 : i32 to index
        %parallel_loop3A_330 = arith.constant 0 : index
        %parallel_loop3A_331 = tpu.vector_load %arg11[%parallel_loop3A_329, %parallel_loop3A_330] {strides = array<i32>} : memref<128x64xf32, #tpu.memory_space<vmem>>, vector<1x16xf32>,
        %parallel_loop3A_332 = vector.shape_cast %parallel_loop3A_331 : vector<1x16xf32> to vector<16xf32>
        %parallel_loop3A_333 = vector.shape_cast %parallel_loop3A_328 : vector<16xf32> to vector<1x16xf32>
        tpu.vector_store %arg11[%parallel_loop3A_329, %parallel_loop3A_330], %parallel_loop3A_333 {strides = array<i32>} : memref<128x64xf32, #tpu.memory_space<vmem>>, vector<1x16xf32>,
        %parallel_loop3A_334 = arith.constant 0 : i32
        %parallel_loop3A_335 = arith.addi %parallel_loop3A_334, %parallel_loop3A_319 : i32
        %parallel_loop3A_336 = arith.index_cast %parallel_loop3A_335 : i32 to index
        %parallel_loop3A_337 = arith.constant 16 : index
        %parallel_loop3A_338 = tpu.vector_load %arg8[%parallel_loop3A_336, %parallel_loop3A_337] {strides = array<i32>} : memref<256x128xf32, #tpu.memory_space<vmem>>, vector<1x16xf32>,
        %parallel_loop3A_339 = vector.shape_cast %parallel_loop3A_338 : vector<1x16xf32> to vector<16xf32>
        %parallel_loop3A_340 = arith.constant 8.000000e+00 : f32
        %parallel_loop3A_341 = vector.broadcast %parallel_loop3A_340 : f32 to vector<16xf32>
        %parallel_loop3A_342 = arith.mulf %parallel_loop3A_339, %parallel_loop3A_341 : vector<16xf32>
        %parallel_loop3A_343 = arith.index_cast %parallel_loop3A_319 : i32 to index
        %parallel_loop3A_344 = arith.constant 16 : index
        %parallel_loop3A_345 = tpu.vector_load %arg11[%parallel_loop3A_343, %parallel_loop3A_344] {strides = array<i32>} : memref<128x64xf32, #tpu.memory_space<vmem>>, vector<1x16xf32>,
        %parallel_loop3A_346 = vector.shape_cast %parallel_loop3A_345 : vector<1x16xf32> to vector<16xf32>
        %parallel_loop3A_347 = vector.shape_cast %parallel_loop3A_342 : vector<16xf32> to vector<1x16xf32>
        tpu.vector_store %arg11[%parallel_loop3A_343, %parallel_loop3A_344], %parallel_loop3A_347 {strides = array<i32>} : memref<128x64xf32, #tpu.memory_space<vmem>>, vector<1x16xf32>,
        %parallel_loop3A_348 = arith.constant 0 : i32
        %parallel_loop3A_349 = arith.addi %parallel_loop3A_348, %parallel_loop3A_319 : i32
        %parallel_loop3A_350 = arith.index_cast %parallel_loop3A_349 : i32 to index
        %parallel_loop3A_351 = arith.constant 32 : index
        %parallel_loop3A_352 = tpu.vector_load %arg8[%parallel_loop3A_350, %parallel_loop3A_351] {strides = array<i32>} : memref<256x128xf32, #tpu.memory_space<vmem>>, vector<1x16xf32>,
        %parallel_loop3A_353 = vector.shape_cast %parallel_loop3A_352 : vector<1x16xf32> to vector<16xf32>
        %parallel_loop3A_354 = arith.constant 8.000000e+00 : f32
        %parallel_loop3A_355 = vector.broadcast %parallel_loop3A_354 : f32 to vector<16xf32>
        %parallel_loop3A_356 = arith.mulf %parallel_loop3A_353, %parallel_loop3A_355 : vector<16xf32>
        %parallel_loop3A_357 = arith.index_cast %parallel_loop3A_319 : i32 to index
        %parallel_loop3A_358 = arith.constant 32 : index
        %parallel_loop3A_359 = tpu.vector_load %arg11[%parallel_loop3A_357, %parallel_loop3A_358] {strides = array<i32>} : memref<128x64xf32, #tpu.memory_space<vmem>>, vector<1x16xf32>,
        %parallel_loop3A_360 = vector.shape_cast %parallel_loop3A_359 : vector<1x16xf32> to vector<16xf32>
        %parallel_loop3A_361 = vector.shape_cast %parallel_loop3A_356 : vector<16xf32> to vector<1x16xf32>
        tpu.vector_store %arg11[%parallel_loop3A_357, %parallel_loop3A_358], %parallel_loop3A_361 {strides = array<i32>} : memref<128x64xf32, #tpu.memory_space<vmem>>, vector<1x16xf32>,
        %parallel_loop3A_362 = arith.constant 0 : i32
        %parallel_loop3A_363 = arith.addi %parallel_loop3A_362, %parallel_loop3A_319 : i32
        %parallel_loop3A_364 = arith.index_cast %parallel_loop3A_363 : i32 to index
        %parallel_loop3A_365 = arith.constant 48 : index
        %parallel_loop3A_366 = tpu.vector_load %arg8[%parallel_loop3A_364, %parallel_loop3A_365] {strides = array<i32>} : memref<256x128xf32, #tpu.memory_space<vmem>>, vector<1x16xf32>,
        %parallel_loop3A_367 = vector.shape_cast %parallel_loop3A_366 : vector<1x16xf32> to vector<16xf32>
        %parallel_loop3A_368 = arith.constant 8.000000e+00 : f32
        %parallel_loop3A_369 = vector.broadcast %parallel_loop3A_368 : f32 to vector<16xf32>
        %parallel_loop3A_370 = arith.mulf %parallel_loop3A_367, %parallel_loop3A_369 : vector<16xf32>
        %parallel_loop3A_371 = arith.index_cast %parallel_loop3A_319 : i32 to index
        %parallel_loop3A_372 = arith.constant 48 : index
        %parallel_loop3A_373 = tpu.vector_load %arg11[%parallel_loop3A_371, %parallel_loop3A_372] {strides = array<i32>} : memref<128x64xf32, #tpu.memory_space<vmem>>, vector<1x16xf32>,
        %parallel_loop3A_374 = vector.shape_cast %parallel_loop3A_373 : vector<1x16xf32> to vector<16xf32>
        %parallel_loop3A_375 = vector.shape_cast %parallel_loop3A_370 : vector<16xf32> to vector<1x16xf32>
        tpu.vector_store %arg11[%parallel_loop3A_371, %parallel_loop3A_372], %parallel_loop3A_375 {strides = array<i32>} : memref<128x64xf32, #tpu.memory_space<vmem>>, vector<1x16xf32>,
      } {sc.loop_unroll_factor = 8 : i64, sc.parallel_access}
      %mul3A_191 = arith.constant 256 : i32
      %mul3A_192 = arith.muli %add3A_160, %mul3A_191 : i32
      %add3A_193 = arith.addi %mul3A_2, %mul3A_192 : i32
      %add3A_194 = arith.constant 0 : i32
      %add3A_195 = arith.addi %add3A_193, %add3A_194 : i32
      "tpu.region"() ({
        %run_scoped3A = tpu.sem_alloc : memref<!tpu.dma_semaphore, #tpu.memory_space<semaphore_mem>>
        %dma_start3A_319 = arith.constant 0 : i32
        %dma_start3A_320 = tpu.memref_slice %arg4[%add3A_195, %dma_start3A_319] : memref<819200x64xf32, #tpu.memory_space<hbm>> -> memref<128x64xf32, #tpu.memory_space<hbm>>
        %dma_start3A_321 = arith.constant 0 : i32
        %dma_start3A_322 = tpu.memref_slice %arg4[%add3A_195, %dma_start3A_321] : memref<819200x64xf32, #tpu.memory_space<hbm>> -> memref<128x64xf32, #tpu.memory_space<hbm>>
        tpu.enqueue_dma source(%arg11 : memref<128x64xf32, #tpu.memory_space<vmem>>) target(%dma_start3A_322 : memref<128x64xf32, #tpu.memory_space<hbm>>) target_semaphore(%run_scoped3A : memref<!tpu.dma_semaphore, #tpu.memory_space<semaphore_mem>>)
        %dma_wait3A_323 = arith.constant 0 : i32
        %dma_wait3A_324 = tpu.memref_slice %arg4[%add3A_195, %dma_wait3A_323] : memref<819200x64xf32, #tpu.memory_space<hbm>> -> memref<128x64xf32, #tpu.memory_space<hbm>>
        %dma_wait3A_325 = arith.constant 0 : i32
        %dma_wait3A_326 = tpu.memref_slice %arg4[%add3A_195, %dma_wait3A_325] : memref<819200x64xf32, #tpu.memory_space<hbm>> -> memref<128x64xf32, #tpu.memory_space<hbm>>
        tpu.wait_dma2 semaphore(%run_scoped3A : memref<!tpu.dma_semaphore, #tpu.memory_space<semaphore_mem>>) src(%arg11 : memref<128x64xf32, #tpu.memory_space<vmem>>) dst(%dma_wait3A_326 : memref<128x64xf32, #tpu.memory_space<hbm>>)
        tpu.yield
      }) : () -> ()
      %parallel_loop3A_196 = arith.constant 0 : i32
      %parallel_loop3A_197 = arith.constant 128 : i32
      %parallel_loop3A_198 = arith.constant 1 : i32
      scf.for %parallel_loop3A_319 = %parallel_loop3A_196 to %parallel_loop3A_197 step %parallel_loop3A_198  : i32 {
        %parallel_loop3A_320 = arith.constant 128 : i32
        %parallel_loop3A_321 = arith.addi %parallel_loop3A_320, %parallel_loop3A_319 : i32
        %parallel_loop3A_322 = arith.index_cast %parallel_loop3A_321 : i32 to index
        %parallel_loop3A_323 = arith.constant 0 : index
        %parallel_loop3A_324 = tpu.vector_load %arg8[%parallel_loop3A_322, %parallel_loop3A_323] {strides = array<i32>} : memref<256x128xf32, #tpu.memory_space<vmem>>, vector<1x16xf32>,
        %parallel_loop3A_325 = vector.shape_cast %parallel_loop3A_324 : vector<1x16xf32> to vector<16xf32>
        %parallel_loop3A_326 = arith.constant 8.000000e+00 : f32
        %parallel_loop3A_327 = vector.broadcast %parallel_loop3A_326 : f32 to vector<16xf32>
        %parallel_loop3A_328 = arith.mulf %parallel_loop3A_325, %parallel_loop3A_327 : vector<16xf32>
        %parallel_loop3A_329 = arith.index_cast %parallel_loop3A_319 : i32 to index
        %parallel_loop3A_330 = arith.constant 0 : index
        %parallel_loop3A_331 = tpu.vector_load %arg11[%parallel_loop3A_329, %parallel_loop3A_330] {strides = array<i32>} : memref<128x64xf32, #tpu.memory_space<vmem>>, vector<1x16xf32>,
        %parallel_loop3A_332 = vector.shape_cast %parallel_loop3A_331 : vector<1x16xf32> to vector<16xf32>
        %parallel_loop3A_333 = vector.shape_cast %parallel_loop3A_328 : vector<16xf32> to vector<1x16xf32>
        tpu.vector_store %arg11[%parallel_loop3A_329, %parallel_loop3A_330], %parallel_loop3A_333 {strides = array<i32>} : memref<128x64xf32, #tpu.memory_space<vmem>>, vector<1x16xf32>,
        %parallel_loop3A_334 = arith.constant 128 : i32
        %parallel_loop3A_335 = arith.addi %parallel_loop3A_334, %parallel_loop3A_319 : i32
        %parallel_loop3A_336 = arith.index_cast %parallel_loop3A_335 : i32 to index
        %parallel_loop3A_337 = arith.constant 16 : index
        %parallel_loop3A_338 = tpu.vector_load %arg8[%parallel_loop3A_336, %parallel_loop3A_337] {strides = array<i32>} : memref<256x128xf32, #tpu.memory_space<vmem>>, vector<1x16xf32>,
        %parallel_loop3A_339 = vector.shape_cast %parallel_loop3A_338 : vector<1x16xf32> to vector<16xf32>
        %parallel_loop3A_340 = arith.constant 8.000000e+00 : f32
        %parallel_loop3A_341 = vector.broadcast %parallel_loop3A_340 : f32 to vector<16xf32>
        %parallel_loop3A_342 = arith.mulf %parallel_loop3A_339, %parallel_loop3A_341 : vector<16xf32>
        %parallel_loop3A_343 = arith.index_cast %parallel_loop3A_319 : i32 to index
        %parallel_loop3A_344 = arith.constant 16 : index
        %parallel_loop3A_345 = tpu.vector_load %arg11[%parallel_loop3A_343, %parallel_loop3A_344] {strides = array<i32>} : memref<128x64xf32, #tpu.memory_space<vmem>>, vector<1x16xf32>,
        %parallel_loop3A_346 = vector.shape_cast %parallel_loop3A_345 : vector<1x16xf32> to vector<16xf32>
        %parallel_loop3A_347 = vector.shape_cast %parallel_loop3A_342 : vector<16xf32> to vector<1x16xf32>
        tpu.vector_store %arg11[%parallel_loop3A_343, %parallel_loop3A_344], %parallel_loop3A_347 {strides = array<i32>} : memref<128x64xf32, #tpu.memory_space<vmem>>, vector<1x16xf32>,
        %parallel_loop3A_348 = arith.constant 128 : i32
        %parallel_loop3A_349 = arith.addi %parallel_loop3A_348, %parallel_loop3A_319 : i32
        %parallel_loop3A_350 = arith.index_cast %parallel_loop3A_349 : i32 to index
        %parallel_loop3A_351 = arith.constant 32 : index
        %parallel_loop3A_352 = tpu.vector_load %arg8[%parallel_loop3A_350, %parallel_loop3A_351] {strides = array<i32>} : memref<256x128xf32, #tpu.memory_space<vmem>>, vector<1x16xf32>,
        %parallel_loop3A_353 = vector.shape_cast %parallel_loop3A_352 : vector<1x16xf32> to vector<16xf32>
        %parallel_loop3A_354 = arith.constant 8.000000e+00 : f32
        %parallel_loop3A_355 = vector.broadcast %parallel_loop3A_354 : f32 to vector<16xf32>
        %parallel_loop3A_356 = arith.mulf %parallel_loop3A_353, %parallel_loop3A_355 : vector<16xf32>
        %parallel_loop3A_357 = arith.index_cast %parallel_loop3A_319 : i32 to index
        %parallel_loop3A_358 = arith.constant 32 : index
        %parallel_loop3A_359 = tpu.vector_load %arg11[%parallel_loop3A_357, %parallel_loop3A_358] {strides = array<i32>} : memref<128x64xf32, #tpu.memory_space<vmem>>, vector<1x16xf32>,
        %parallel_loop3A_360 = vector.shape_cast %parallel_loop3A_359 : vector<1x16xf32> to vector<16xf32>
        %parallel_loop3A_361 = vector.shape_cast %parallel_loop3A_356 : vector<16xf32> to vector<1x16xf32>
        tpu.vector_store %arg11[%parallel_loop3A_357, %parallel_loop3A_358], %parallel_loop3A_361 {strides = array<i32>} : memref<128x64xf32, #tpu.memory_space<vmem>>, vector<1x16xf32>,
        %parallel_loop3A_362 = arith.constant 128 : i32
        %parallel_loop3A_363 = arith.addi %parallel_loop3A_362, %parallel_loop3A_319 : i32
        %parallel_loop3A_364 = arith.index_cast %parallel_loop3A_363 : i32 to index
        %parallel_loop3A_365 = arith.constant 48 : index
        %parallel_loop3A_366 = tpu.vector_load %arg8[%parallel_loop3A_364, %parallel_loop3A_365] {strides = array<i32>} : memref<256x128xf32, #tpu.memory_space<vmem>>, vector<1x16xf32>,
        %parallel_loop3A_367 = vector.shape_cast %parallel_loop3A_366 : vector<1x16xf32> to vector<16xf32>
        %parallel_loop3A_368 = arith.constant 8.000000e+00 : f32
        %parallel_loop3A_369 = vector.broadcast %parallel_loop3A_368 : f32 to vector<16xf32>
        %parallel_loop3A_370 = arith.mulf %parallel_loop3A_367, %parallel_loop3A_369 : vector<16xf32>
        %parallel_loop3A_371 = arith.index_cast %parallel_loop3A_319 : i32 to index
        %parallel_loop3A_372 = arith.constant 48 : index
        %parallel_loop3A_373 = tpu.vector_load %arg11[%parallel_loop3A_371, %parallel_loop3A_372] {strides = array<i32>} : memref<128x64xf32, #tpu.memory_space<vmem>>, vector<1x16xf32>,
        %parallel_loop3A_374 = vector.shape_cast %parallel_loop3A_373 : vector<1x16xf32> to vector<16xf32>
        %parallel_loop3A_375 = vector.shape_cast %parallel_loop3A_370 : vector<16xf32> to vector<1x16xf32>
        tpu.vector_store %arg11[%parallel_loop3A_371, %parallel_loop3A_372], %parallel_loop3A_375 {strides = array<i32>} : memref<128x64xf32, #tpu.memory_space<vmem>>, vector<1x16xf32>,
      } {sc.loop_unroll_factor = 8 : i64, sc.parallel_access}
      %add3A_199 = arith.constant 3 : i32
      %add3A_200 = arith.addi %add3A_160, %add3A_199 : i32
      %lt3A_201 = arith.constant 100 : i32
      %lt3A_202 = arith.cmpi slt, %add3A_200, %lt3A_201 : i32
      %convert_element_type3A_203 = arith.extui %lt3A_202 : i1 to i32
      %cond3A_204 = arith.constant 0 : i32
      %cond3A_205 = arith.cmpi ne, %convert_element_type3A_203, %cond3A_204 : i32
      scf.if %cond3A_205 {
        %add3A_319 = arith.constant 3 : i32
        %add3A_320 = arith.addi %add3A_160, %add3A_319 : i32
        %mul3A_321 = arith.constant 2 : i32
        %mul3A_322 = arith.muli %add3A_320, %mul3A_321 : i32
        %add3A_323 = arith.addi %mul3A_4, %mul3A_322 : i32
        %dma_wait3A_324 = arith.constant 0 : i32
        %dma_wait3A_325 = tpu.memref_slice %arg2[%add3A_323, %dma_wait3A_324] : memref<6400x128xi32, #tpu.memory_space<hbm>> -> memref<2x128xi32, #tpu.memory_space<hbm>>
        %dma_wait3A_326 = arith.constant 0 : i32
        %dma_wait3A_327 = tpu.memref_slice %arg2[%add3A_323, %dma_wait3A_326] : memref<6400x128xi32, #tpu.memory_space<hbm>> -> memref<2x128xi32, #tpu.memory_space<hbm>>
        tpu.wait_dma2 semaphore(%arg15 : memref<!tpu.dma_semaphore, #tpu.memory_space<semaphore_mem>>) src(%dma_wait3A_327 : memref<2x128xi32, #tpu.memory_space<hbm>>) dst(%arg5 : memref<2x128xi32, #tpu.memory_space<vmem>>)
        %dma_start3A_328 = arith.constant 0 : i32
        %dma_start3A_329 = arith.constant 0 : i32
        %dma_start3A_330 = arith.constant 0 : i32
        %dma_start3A_331 = tpu.memref_slice %arg8[%dma_start3A_329, %dma_start3A_330] : memref<256x128xf32, #tpu.memory_space<vmem>> -> memref<128x128xf32, #tpu.memory_space<vmem>>
        %dma_start3A_332 = arith.constant 0 : i32
        %dma_start3A_333 = tpu.memref_slice %arg5[%dma_start3A_328, %dma_start3A_332] : memref<2x128xi32, #tpu.memory_space<vmem>> -> memref<1x128xi32, #tpu.memory_space<vmem>>
        %dma_start3A_334 = tpu.memref_squeeze %dma_start3A_333 : memref<1x128xi32, #tpu.memory_space<vmem>> -> memref<128xi32, #tpu.memory_space<vmem>>
        %dma_start3A_335 = arith.constant 0 : i32
        %dma_start3A_336 = arith.constant 0 : i32
        %dma_start3A_337 = tpu.memref_slice %arg3[%dma_start3A_335, %dma_start3A_336] : memref<1000000x128xf32, #tpu.memory_space<hbm>> -> memref<1000000x128xf32, #tpu.memory_space<hbm>>
        tpu.enqueue_indirect_dma source(%dma_start3A_337 : memref<1000000x128xf32, #tpu.memory_space<hbm>>) target(%dma_start3A_331 : memref<128x128xf32, #tpu.memory_space<vmem>>) offsets(%dma_start3A_334 : memref<128xi32, #tpu.memory_space<vmem>>) semaphore(%arg12 : memref<!tpu.dma_semaphore, #tpu.memory_space<semaphore_mem>>)
        %dma_start3A_338 = arith.constant 1 : i32
        %dma_start3A_339 = arith.constant 128 : i32
        %dma_start3A_340 = arith.constant 0 : i32
        %dma_start3A_341 = tpu.memref_slice %arg8[%dma_start3A_339, %dma_start3A_340] : memref<256x128xf32, #tpu.memory_space<vmem>> -> memref<128x128xf32, #tpu.memory_space<vmem>>
        %dma_start3A_342 = arith.constant 0 : i32
        %dma_start3A_343 = tpu.memref_slice %arg5[%dma_start3A_338, %dma_start3A_342] : memref<2x128xi32, #tpu.memory_space<vmem>> -> memref<1x128xi32, #tpu.memory_space<vmem>>
        %dma_start3A_344 = tpu.memref_squeeze %dma_start3A_343 : memref<1x128xi32, #tpu.memory_space<vmem>> -> memref<128xi32, #tpu.memory_space<vmem>>
        %dma_start3A_345 = arith.constant 0 : i32
        %dma_start3A_346 = arith.constant 0 : i32
        %dma_start3A_347 = tpu.memref_slice %arg3[%dma_start3A_345, %dma_start3A_346] : memref<1000000x128xf32, #tpu.memory_space<hbm>> -> memref<1000000x128xf32, #tpu.memory_space<hbm>>
        tpu.enqueue_indirect_dma source(%dma_start3A_347 : memref<1000000x128xf32, #tpu.memory_space<hbm>>) target(%dma_start3A_341 : memref<128x128xf32, #tpu.memory_space<vmem>>) offsets(%dma_start3A_344 : memref<128xi32, #tpu.memory_space<vmem>>) semaphore(%arg12 : memref<!tpu.dma_semaphore, #tpu.memory_space<semaphore_mem>>)
      } else {
      }
      %mul3A_206 = arith.constant 256 : i32
      %mul3A_207 = arith.muli %add3A_160, %mul3A_206 : i32
      %add3A_208 = arith.addi %mul3A_2, %mul3A_207 : i32
      %add3A_209 = arith.constant 128 : i32
      %add3A_210 = arith.addi %add3A_208, %add3A_209 : i32
      "tpu.region"() ({
        %run_scoped3A = tpu.sem_alloc : memref<!tpu.dma_semaphore, #tpu.memory_space<semaphore_mem>>
        %dma_start3A_319 = arith.constant 0 : i32
        %dma_start3A_320 = tpu.memref_slice %arg4[%add3A_210, %dma_start3A_319] : memref<819200x64xf32, #tpu.memory_space<hbm>> -> memref<128x64xf32, #tpu.memory_space<hbm>>
        %dma_start3A_321 = arith.constant 0 : i32
        %dma_start3A_322 = tpu.memref_slice %arg4[%add3A_210, %dma_start3A_321] : memref<819200x64xf32, #tpu.memory_space<hbm>> -> memref<128x64xf32, #tpu.memory_space<hbm>>
        tpu.enqueue_dma source(%arg11 : memref<128x64xf32, #tpu.memory_space<vmem>>) target(%dma_start3A_322 : memref<128x64xf32, #tpu.memory_space<hbm>>) target_semaphore(%run_scoped3A : memref<!tpu.dma_semaphore, #tpu.memory_space<semaphore_mem>>)
        %dma_wait3A_323 = arith.constant 0 : i32
        %dma_wait3A_324 = tpu.memref_slice %arg4[%add3A_210, %dma_wait3A_323] : memref<819200x64xf32, #tpu.memory_space<hbm>> -> memref<128x64xf32, #tpu.memory_space<hbm>>
        %dma_wait3A_325 = arith.constant 0 : i32
        %dma_wait3A_326 = tpu.memref_slice %arg4[%add3A_210, %dma_wait3A_325] : memref<819200x64xf32, #tpu.memory_space<hbm>> -> memref<128x64xf32, #tpu.memory_space<hbm>>
        tpu.wait_dma2 semaphore(%run_scoped3A : memref<!tpu.dma_semaphore, #tpu.memory_space<semaphore_mem>>) src(%arg11 : memref<128x64xf32, #tpu.memory_space<vmem>>) dst(%dma_wait3A_326 : memref<128x64xf32, #tpu.memory_space<hbm>>)
        tpu.yield
      }) : () -> ()
      %mul3A_211 = arith.constant 3 : i32
      %mul3A_212 = arith.muli %scan3A_156, %mul3A_211 : i32
      %add3A_213 = arith.constant 1 : i32
      %add3A_214 = arith.addi %mul3A_212, %add3A_213 : i32
      %dma_wait3A_215 = arith.constant 0 : i32
      %dma_wait3A_216 = arith.constant 0 : i32
      %dma_wait3A_217 = arith.constant 0 : i32
      %dma_wait3A_218 = tpu.memref_slice %arg9[%dma_wait3A_216, %dma_wait3A_217] : memref<256x128xf32, #tpu.memory_space<vmem>> -> memref<128x128xf32, #tpu.memory_space<vmem>>
      %dma_wait3A_219 = arith.constant 0 : i32
      %dma_wait3A_220 = tpu.memref_slice %arg6[%dma_wait3A_215, %dma_wait3A_219] : memref<2x128xi32, #tpu.memory_space<vmem>> -> memref<1x128xi32, #tpu.memory_space<vmem>>
      %dma_wait3A_221 = tpu.memref_squeeze %dma_wait3A_220 : memref<1x128xi32, #tpu.memory_space<vmem>> -> memref<128xi32, #tpu.memory_space<vmem>>
      %dma_wait3A_222 = arith.constant 0 : i32
      %dma_wait3A_223 = arith.constant 0 : i32
      %dma_wait3A_224 = tpu.memref_slice %arg3[%dma_wait3A_222, %dma_wait3A_223] : memref<1000000x128xf32, #tpu.memory_space<hbm>> -> memref<1000000x128xf32, #tpu.memory_space<hbm>>
      tpu.wait_indirect_dma semaphore(%arg13 : memref<!tpu.dma_semaphore, #tpu.memory_space<semaphore_mem>>) src(%dma_wait3A_224 : memref<1000000x128xf32, #tpu.memory_space<hbm>>) dst(%dma_wait3A_218 : memref<128x128xf32, #tpu.memory_space<vmem>>)
      %dma_wait3A_225 = arith.constant 1 : i32
      %dma_wait3A_226 = arith.constant 128 : i32
      %dma_wait3A_227 = arith.constant 0 : i32
      %dma_wait3A_228 = tpu.memref_slice %arg9[%dma_wait3A_226, %dma_wait3A_227] : memref<256x128xf32, #tpu.memory_space<vmem>> -> memref<128x128xf32, #tpu.memory_space<vmem>>
      %dma_wait3A_229 = arith.constant 0 : i32
      %dma_wait3A_230 = tpu.memref_slice %arg6[%dma_wait3A_225, %dma_wait3A_229] : memref<2x128xi32, #tpu.memory_space<vmem>> -> memref<1x128xi32, #tpu.memory_space<vmem>>
      %dma_wait3A_231 = tpu.memref_squeeze %dma_wait3A_230 : memref<1x128xi32, #tpu.memory_space<vmem>> -> memref<128xi32, #tpu.memory_space<vmem>>
      %dma_wait3A_232 = arith.constant 0 : i32
      %dma_wait3A_233 = arith.constant 0 : i32
      %dma_wait3A_234 = tpu.memref_slice %arg3[%dma_wait3A_232, %dma_wait3A_233] : memref<1000000x128xf32, #tpu.memory_space<hbm>> -> memref<1000000x128xf32, #tpu.memory_space<hbm>>
      tpu.wait_indirect_dma semaphore(%arg13 : memref<!tpu.dma_semaphore, #tpu.memory_space<semaphore_mem>>) src(%dma_wait3A_234 : memref<1000000x128xf32, #tpu.memory_space<hbm>>) dst(%dma_wait3A_228 : memref<128x128xf32, #tpu.memory_space<vmem>>)
      %add3A_235 = arith.constant 3 : i32
      %add3A_236 = arith.addi %add3A_214, %add3A_235 : i32
      %lt3A_237 = arith.constant 100 : i32
      %lt3A_238 = arith.cmpi slt, %add3A_236, %lt3A_237 : i32
      %convert_element_type3A_239 = arith.extui %lt3A_238 : i1 to i32
      %cond3A_240 = arith.constant 0 : i32
      %cond3A_241 = arith.cmpi ne, %convert_element_type3A_239, %cond3A_240 : i32
      scf.if %cond3A_241 {
        %add3A_319 = arith.constant 3 : i32
        %add3A_320 = arith.addi %add3A_214, %add3A_319 : i32
        %mul3A_321 = arith.constant 2 : i32
        %mul3A_322 = arith.muli %add3A_320, %mul3A_321 : i32
        %add3A_323 = arith.addi %mul3A_4, %mul3A_322 : i32
        %dma_start3A_324 = arith.constant 0 : i32
        %dma_start3A_325 = tpu.memref_slice %arg2[%add3A_323, %dma_start3A_324] : memref<6400x128xi32, #tpu.memory_space<hbm>> -> memref<2x128xi32, #tpu.memory_space<hbm>>
        %dma_start3A_326 = arith.constant 0 : i32
        %dma_start3A_327 = tpu.memref_slice %arg2[%add3A_323, %dma_start3A_326] : memref<6400x128xi32, #tpu.memory_space<hbm>> -> memref<2x128xi32, #tpu.memory_space<hbm>>
        tpu.enqueue_dma source(%dma_start3A_327 : memref<2x128xi32, #tpu.memory_space<hbm>>) target(%arg6 : memref<2x128xi32, #tpu.memory_space<vmem>>) target_semaphore(%arg16 : memref<!tpu.dma_semaphore, #tpu.memory_space<semaphore_mem>>)
      } else {
      }
      %parallel_loop3A_242 = arith.constant 0 : i32
      %parallel_loop3A_243 = arith.constant 128 : i32
      %parallel_loop3A_244 = arith.constant 1 : i32
      scf.for %parallel_loop3A_319 = %parallel_loop3A_242 to %parallel_loop3A_243 step %parallel_loop3A_244  : i32 {
        %parallel_loop3A_320 = arith.constant 0 : i32
        %parallel_loop3A_321 = arith.addi %parallel_loop3A_320, %parallel_loop3A_319 : i32
        %parallel_loop3A_322 = arith.index_cast %parallel_loop3A_321 : i32 to index
        %parallel_loop3A_323 = arith.constant 0 : index
        %parallel_loop3A_324 = tpu.vector_load %arg9[%parallel_loop3A_322, %parallel_loop3A_323] {strides = array<i32>} : memref<256x128xf32, #tpu.memory_space<vmem>>, vector<1x16xf32>,
        %parallel_loop3A_325 = vector.shape_cast %parallel_loop3A_324 : vector<1x16xf32> to vector<16xf32>
        %parallel_loop3A_326 = arith.constant 8.000000e+00 : f32
        %parallel_loop3A_327 = vector.broadcast %parallel_loop3A_326 : f32 to vector<16xf32>
        %parallel_loop3A_328 = arith.mulf %parallel_loop3A_325, %parallel_loop3A_327 : vector<16xf32>
        %parallel_loop3A_329 = arith.index_cast %parallel_loop3A_319 : i32 to index
        %parallel_loop3A_330 = arith.constant 0 : index
        %parallel_loop3A_331 = tpu.vector_load %arg11[%parallel_loop3A_329, %parallel_loop3A_330] {strides = array<i32>} : memref<128x64xf32, #tpu.memory_space<vmem>>, vector<1x16xf32>,
        %parallel_loop3A_332 = vector.shape_cast %parallel_loop3A_331 : vector<1x16xf32> to vector<16xf32>
        %parallel_loop3A_333 = vector.shape_cast %parallel_loop3A_328 : vector<16xf32> to vector<1x16xf32>
        tpu.vector_store %arg11[%parallel_loop3A_329, %parallel_loop3A_330], %parallel_loop3A_333 {strides = array<i32>} : memref<128x64xf32, #tpu.memory_space<vmem>>, vector<1x16xf32>,
        %parallel_loop3A_334 = arith.constant 0 : i32
        %parallel_loop3A_335 = arith.addi %parallel_loop3A_334, %parallel_loop3A_319 : i32
        %parallel_loop3A_336 = arith.index_cast %parallel_loop3A_335 : i32 to index
        %parallel_loop3A_337 = arith.constant 16 : index
        %parallel_loop3A_338 = tpu.vector_load %arg9[%parallel_loop3A_336, %parallel_loop3A_337] {strides = array<i32>} : memref<256x128xf32, #tpu.memory_space<vmem>>, vector<1x16xf32>,
        %parallel_loop3A_339 = vector.shape_cast %parallel_loop3A_338 : vector<1x16xf32> to vector<16xf32>
        %parallel_loop3A_340 = arith.constant 8.000000e+00 : f32
        %parallel_loop3A_341 = vector.broadcast %parallel_loop3A_340 : f32 to vector<16xf32>
        %parallel_loop3A_342 = arith.mulf %parallel_loop3A_339, %parallel_loop3A_341 : vector<16xf32>
        %parallel_loop3A_343 = arith.index_cast %parallel_loop3A_319 : i32 to index
        %parallel_loop3A_344 = arith.constant 16 : index
        %parallel_loop3A_345 = tpu.vector_load %arg11[%parallel_loop3A_343, %parallel_loop3A_344] {strides = array<i32>} : memref<128x64xf32, #tpu.memory_space<vmem>>, vector<1x16xf32>,
        %parallel_loop3A_346 = vector.shape_cast %parallel_loop3A_345 : vector<1x16xf32> to vector<16xf32>
        %parallel_loop3A_347 = vector.shape_cast %parallel_loop3A_342 : vector<16xf32> to vector<1x16xf32>
        tpu.vector_store %arg11[%parallel_loop3A_343, %parallel_loop3A_344], %parallel_loop3A_347 {strides = array<i32>} : memref<128x64xf32, #tpu.memory_space<vmem>>, vector<1x16xf32>,
        %parallel_loop3A_348 = arith.constant 0 : i32
        %parallel_loop3A_349 = arith.addi %parallel_loop3A_348, %parallel_loop3A_319 : i32
        %parallel_loop3A_350 = arith.index_cast %parallel_loop3A_349 : i32 to index
        %parallel_loop3A_351 = arith.constant 32 : index
        %parallel_loop3A_352 = tpu.vector_load %arg9[%parallel_loop3A_350, %parallel_loop3A_351] {strides = array<i32>} : memref<256x128xf32, #tpu.memory_space<vmem>>, vector<1x16xf32>,
        %parallel_loop3A_353 = vector.shape_cast %parallel_loop3A_352 : vector<1x16xf32> to vector<16xf32>
        %parallel_loop3A_354 = arith.constant 8.000000e+00 : f32
        %parallel_loop3A_355 = vector.broadcast %parallel_loop3A_354 : f32 to vector<16xf32>
        %parallel_loop3A_356 = arith.mulf %parallel_loop3A_353, %parallel_loop3A_355 : vector<16xf32>
        %parallel_loop3A_357 = arith.index_cast %parallel_loop3A_319 : i32 to index
        %parallel_loop3A_358 = arith.constant 32 : index
        %parallel_loop3A_359 = tpu.vector_load %arg11[%parallel_loop3A_357, %parallel_loop3A_358] {strides = array<i32>} : memref<128x64xf32, #tpu.memory_space<vmem>>, vector<1x16xf32>,
        %parallel_loop3A_360 = vector.shape_cast %parallel_loop3A_359 : vector<1x16xf32> to vector<16xf32>
        %parallel_loop3A_361 = vector.shape_cast %parallel_loop3A_356 : vector<16xf32> to vector<1x16xf32>
        tpu.vector_store %arg11[%parallel_loop3A_357, %parallel_loop3A_358], %parallel_loop3A_361 {strides = array<i32>} : memref<128x64xf32, #tpu.memory_space<vmem>>, vector<1x16xf32>,
        %parallel_loop3A_362 = arith.constant 0 : i32
        %parallel_loop3A_363 = arith.addi %parallel_loop3A_362, %parallel_loop3A_319 : i32
        %parallel_loop3A_364 = arith.index_cast %parallel_loop3A_363 : i32 to index
        %parallel_loop3A_365 = arith.constant 48 : index
        %parallel_loop3A_366 = tpu.vector_load %arg9[%parallel_loop3A_364, %parallel_loop3A_365] {strides = array<i32>} : memref<256x128xf32, #tpu.memory_space<vmem>>, vector<1x16xf32>,
        %parallel_loop3A_367 = vector.shape_cast %parallel_loop3A_366 : vector<1x16xf32> to vector<16xf32>
        %parallel_loop3A_368 = arith.constant 8.000000e+00 : f32
        %parallel_loop3A_369 = vector.broadcast %parallel_loop3A_368 : f32 to vector<16xf32>
        %parallel_loop3A_370 = arith.mulf %parallel_loop3A_367, %parallel_loop3A_369 : vector<16xf32>
        %parallel_loop3A_371 = arith.index_cast %parallel_loop3A_319 : i32 to index
        %parallel_loop3A_372 = arith.constant 48 : index
        %parallel_loop3A_373 = tpu.vector_load %arg11[%parallel_loop3A_371, %parallel_loop3A_372] {strides = array<i32>} : memref<128x64xf32, #tpu.memory_space<vmem>>, vector<1x16xf32>,
        %parallel_loop3A_374 = vector.shape_cast %parallel_loop3A_373 : vector<1x16xf32> to vector<16xf32>
        %parallel_loop3A_375 = vector.shape_cast %parallel_loop3A_370 : vector<16xf32> to vector<1x16xf32>
        tpu.vector_store %arg11[%parallel_loop3A_371, %parallel_loop3A_372], %parallel_loop3A_375 {strides = array<i32>} : memref<128x64xf32, #tpu.memory_space<vmem>>, vector<1x16xf32>,
      } {sc.loop_unroll_factor = 8 : i64, sc.parallel_access}
      %mul3A_245 = arith.constant 256 : i32
      %mul3A_246 = arith.muli %add3A_214, %mul3A_245 : i32
      %add3A_247 = arith.addi %mul3A_2, %mul3A_246 : i32
      %add3A_248 = arith.constant 0 : i32
      %add3A_249 = arith.addi %add3A_247, %add3A_248 : i32
      "tpu.region"() ({
        %run_scoped3A = tpu.sem_alloc : memref<!tpu.dma_semaphore, #tpu.memory_space<semaphore_mem>>
        %dma_start3A_319 = arith.constant 0 : i32
        %dma_start3A_320 = tpu.memref_slice %arg4[%add3A_249, %dma_start3A_319] : memref<819200x64xf32, #tpu.memory_space<hbm>> -> memref<128x64xf32, #tpu.memory_space<hbm>>
        %dma_start3A_321 = arith.constant 0 : i32
        %dma_start3A_322 = tpu.memref_slice %arg4[%add3A_249, %dma_start3A_321] : memref<819200x64xf32, #tpu.memory_space<hbm>> -> memref<128x64xf32, #tpu.memory_space<hbm>>
        tpu.enqueue_dma source(%arg11 : memref<128x64xf32, #tpu.memory_space<vmem>>) target(%dma_start3A_322 : memref<128x64xf32, #tpu.memory_space<hbm>>) target_semaphore(%run_scoped3A : memref<!tpu.dma_semaphore, #tpu.memory_space<semaphore_mem>>)
        %dma_wait3A_323 = arith.constant 0 : i32
        %dma_wait3A_324 = tpu.memref_slice %arg4[%add3A_249, %dma_wait3A_323] : memref<819200x64xf32, #tpu.memory_space<hbm>> -> memref<128x64xf32, #tpu.memory_space<hbm>>
        %dma_wait3A_325 = arith.constant 0 : i32
        %dma_wait3A_326 = tpu.memref_slice %arg4[%add3A_249, %dma_wait3A_325] : memref<819200x64xf32, #tpu.memory_space<hbm>> -> memref<128x64xf32, #tpu.memory_space<hbm>>
        tpu.wait_dma2 semaphore(%run_scoped3A : memref<!tpu.dma_semaphore, #tpu.memory_space<semaphore_mem>>) src(%arg11 : memref<128x64xf32, #tpu.memory_space<vmem>>) dst(%dma_wait3A_326 : memref<128x64xf32, #tpu.memory_space<hbm>>)
        tpu.yield
      }) : () -> ()
      %parallel_loop3A_250 = arith.constant 0 : i32
      %parallel_loop3A_251 = arith.constant 128 : i32
      %parallel_loop3A_252 = arith.constant 1 : i32
      scf.for %parallel_loop3A_319 = %parallel_loop3A_250 to %parallel_loop3A_251 step %parallel_loop3A_252  : i32 {
        %parallel_loop3A_320 = arith.constant 128 : i32
        %parallel_loop3A_321 = arith.addi %parallel_loop3A_320, %parallel_loop3A_319 : i32
        %parallel_loop3A_322 = arith.index_cast %parallel_loop3A_321 : i32 to index
        %parallel_loop3A_323 = arith.constant 0 : index
        %parallel_loop3A_324 = tpu.vector_load %arg9[%parallel_loop3A_322, %parallel_loop3A_323] {strides = array<i32>} : memref<256x128xf32, #tpu.memory_space<vmem>>, vector<1x16xf32>,
        %parallel_loop3A_325 = vector.shape_cast %parallel_loop3A_324 : vector<1x16xf32> to vector<16xf32>
        %parallel_loop3A_326 = arith.constant 8.000000e+00 : f32
        %parallel_loop3A_327 = vector.broadcast %parallel_loop3A_326 : f32 to vector<16xf32>
        %parallel_loop3A_328 = arith.mulf %parallel_loop3A_325, %parallel_loop3A_327 : vector<16xf32>
        %parallel_loop3A_329 = arith.index_cast %parallel_loop3A_319 : i32 to index
        %parallel_loop3A_330 = arith.constant 0 : index
        %parallel_loop3A_331 = tpu.vector_load %arg11[%parallel_loop3A_329, %parallel_loop3A_330] {strides = array<i32>} : memref<128x64xf32, #tpu.memory_space<vmem>>, vector<1x16xf32>,
        %parallel_loop3A_332 = vector.shape_cast %parallel_loop3A_331 : vector<1x16xf32> to vector<16xf32>
        %parallel_loop3A_333 = vector.shape_cast %parallel_loop3A_328 : vector<16xf32> to vector<1x16xf32>
        tpu.vector_store %arg11[%parallel_loop3A_329, %parallel_loop3A_330], %parallel_loop3A_333 {strides = array<i32>} : memref<128x64xf32, #tpu.memory_space<vmem>>, vector<1x16xf32>,
        %parallel_loop3A_334 = arith.constant 128 : i32
        %parallel_loop3A_335 = arith.addi %parallel_loop3A_334, %parallel_loop3A_319 : i32
        %parallel_loop3A_336 = arith.index_cast %parallel_loop3A_335 : i32 to index
        %parallel_loop3A_337 = arith.constant 16 : index
        %parallel_loop3A_338 = tpu.vector_load %arg9[%parallel_loop3A_336, %parallel_loop3A_337] {strides = array<i32>} : memref<256x128xf32, #tpu.memory_space<vmem>>, vector<1x16xf32>,
        %parallel_loop3A_339 = vector.shape_cast %parallel_loop3A_338 : vector<1x16xf32> to vector<16xf32>
        %parallel_loop3A_340 = arith.constant 8.000000e+00 : f32
        %parallel_loop3A_341 = vector.broadcast %parallel_loop3A_340 : f32 to vector<16xf32>
        %parallel_loop3A_342 = arith.mulf %parallel_loop3A_339, %parallel_loop3A_341 : vector<16xf32>
        %parallel_loop3A_343 = arith.index_cast %parallel_loop3A_319 : i32 to index
        %parallel_loop3A_344 = arith.constant 16 : index
        %parallel_loop3A_345 = tpu.vector_load %arg11[%parallel_loop3A_343, %parallel_loop3A_344] {strides = array<i32>} : memref<128x64xf32, #tpu.memory_space<vmem>>, vector<1x16xf32>,
        %parallel_loop3A_346 = vector.shape_cast %parallel_loop3A_345 : vector<1x16xf32> to vector<16xf32>
        %parallel_loop3A_347 = vector.shape_cast %parallel_loop3A_342 : vector<16xf32> to vector<1x16xf32>
        tpu.vector_store %arg11[%parallel_loop3A_343, %parallel_loop3A_344], %parallel_loop3A_347 {strides = array<i32>} : memref<128x64xf32, #tpu.memory_space<vmem>>, vector<1x16xf32>,
        %parallel_loop3A_348 = arith.constant 128 : i32
        %parallel_loop3A_349 = arith.addi %parallel_loop3A_348, %parallel_loop3A_319 : i32
        %parallel_loop3A_350 = arith.index_cast %parallel_loop3A_349 : i32 to index
        %parallel_loop3A_351 = arith.constant 32 : index
        %parallel_loop3A_352 = tpu.vector_load %arg9[%parallel_loop3A_350, %parallel_loop3A_351] {strides = array<i32>} : memref<256x128xf32, #tpu.memory_space<vmem>>, vector<1x16xf32>,
        %parallel_loop3A_353 = vector.shape_cast %parallel_loop3A_352 : vector<1x16xf32> to vector<16xf32>
        %parallel_loop3A_354 = arith.constant 8.000000e+00 : f32
        %parallel_loop3A_355 = vector.broadcast %parallel_loop3A_354 : f32 to vector<16xf32>
        %parallel_loop3A_356 = arith.mulf %parallel_loop3A_353, %parallel_loop3A_355 : vector<16xf32>
        %parallel_loop3A_357 = arith.index_cast %parallel_loop3A_319 : i32 to index
        %parallel_loop3A_358 = arith.constant 32 : index
        %parallel_loop3A_359 = tpu.vector_load %arg11[%parallel_loop3A_357, %parallel_loop3A_358] {strides = array<i32>} : memref<128x64xf32, #tpu.memory_space<vmem>>, vector<1x16xf32>,
        %parallel_loop3A_360 = vector.shape_cast %parallel_loop3A_359 : vector<1x16xf32> to vector<16xf32>
        %parallel_loop3A_361 = vector.shape_cast %parallel_loop3A_356 : vector<16xf32> to vector<1x16xf32>
        tpu.vector_store %arg11[%parallel_loop3A_357, %parallel_loop3A_358], %parallel_loop3A_361 {strides = array<i32>} : memref<128x64xf32, #tpu.memory_space<vmem>>, vector<1x16xf32>,
        %parallel_loop3A_362 = arith.constant 128 : i32
        %parallel_loop3A_363 = arith.addi %parallel_loop3A_362, %parallel_loop3A_319 : i32
        %parallel_loop3A_364 = arith.index_cast %parallel_loop3A_363 : i32 to index
        %parallel_loop3A_365 = arith.constant 48 : index
        %parallel_loop3A_366 = tpu.vector_load %arg9[%parallel_loop3A_364, %parallel_loop3A_365] {strides = array<i32>} : memref<256x128xf32, #tpu.memory_space<vmem>>, vector<1x16xf32>,
        %parallel_loop3A_367 = vector.shape_cast %parallel_loop3A_366 : vector<1x16xf32> to vector<16xf32>
        %parallel_loop3A_368 = arith.constant 8.000000e+00 : f32
        %parallel_loop3A_369 = vector.broadcast %parallel_loop3A_368 : f32 to vector<16xf32>
        %parallel_loop3A_370 = arith.mulf %parallel_loop3A_367, %parallel_loop3A_369 : vector<16xf32>
        %parallel_loop3A_371 = arith.index_cast %parallel_loop3A_319 : i32 to index
        %parallel_loop3A_372 = arith.constant 48 : index
        %parallel_loop3A_373 = tpu.vector_load %arg11[%parallel_loop3A_371, %parallel_loop3A_372] {strides = array<i32>} : memref<128x64xf32, #tpu.memory_space<vmem>>, vector<1x16xf32>,
        %parallel_loop3A_374 = vector.shape_cast %parallel_loop3A_373 : vector<1x16xf32> to vector<16xf32>
        %parallel_loop3A_375 = vector.shape_cast %parallel_loop3A_370 : vector<16xf32> to vector<1x16xf32>
        tpu.vector_store %arg11[%parallel_loop3A_371, %parallel_loop3A_372], %parallel_loop3A_375 {strides = array<i32>} : memref<128x64xf32, #tpu.memory_space<vmem>>, vector<1x16xf32>,
      } {sc.loop_unroll_factor = 8 : i64, sc.parallel_access}
      %add3A_253 = arith.constant 3 : i32
      %add3A_254 = arith.addi %add3A_214, %add3A_253 : i32
      %lt3A_255 = arith.constant 100 : i32
      %lt3A_256 = arith.cmpi slt, %add3A_254, %lt3A_255 : i32
      %convert_element_type3A_257 = arith.extui %lt3A_256 : i1 to i32
      %cond3A_258 = arith.constant 0 : i32
      %cond3A_259 = arith.cmpi ne, %convert_element_type3A_257, %cond3A_258 : i32
      scf.if %cond3A_259 {
        %add3A_319 = arith.constant 3 : i32
        %add3A_320 = arith.addi %add3A_214, %add3A_319 : i32
        %mul3A_321 = arith.constant 2 : i32
        %mul3A_322 = arith.muli %add3A_320, %mul3A_321 : i32
        %add3A_323 = arith.addi %mul3A_4, %mul3A_322 : i32
        %dma_wait3A_324 = arith.constant 0 : i32
        %dma_wait3A_325 = tpu.memref_slice %arg2[%add3A_323, %dma_wait3A_324] : memref<6400x128xi32, #tpu.memory_space<hbm>> -> memref<2x128xi32, #tpu.memory_space<hbm>>
        %dma_wait3A_326 = arith.constant 0 : i32
        %dma_wait3A_327 = tpu.memref_slice %arg2[%add3A_323, %dma_wait3A_326] : memref<6400x128xi32, #tpu.memory_space<hbm>> -> memref<2x128xi32, #tpu.memory_space<hbm>>
        tpu.wait_dma2 semaphore(%arg16 : memref<!tpu.dma_semaphore, #tpu.memory_space<semaphore_mem>>) src(%dma_wait3A_327 : memref<2x128xi32, #tpu.memory_space<hbm>>) dst(%arg6 : memref<2x128xi32, #tpu.memory_space<vmem>>)
        %dma_start3A_328 = arith.constant 0 : i32
        %dma_start3A_329 = arith.constant 0 : i32
        %dma_start3A_330 = arith.constant 0 : i32
        %dma_start3A_331 = tpu.memref_slice %arg9[%dma_start3A_329, %dma_start3A_330] : memref<256x128xf32, #tpu.memory_space<vmem>> -> memref<128x128xf32, #tpu.memory_space<vmem>>
        %dma_start3A_332 = arith.constant 0 : i32
        %dma_start3A_333 = tpu.memref_slice %arg6[%dma_start3A_328, %dma_start3A_332] : memref<2x128xi32, #tpu.memory_space<vmem>> -> memref<1x128xi32, #tpu.memory_space<vmem>>
        %dma_start3A_334 = tpu.memref_squeeze %dma_start3A_333 : memref<1x128xi32, #tpu.memory_space<vmem>> -> memref<128xi32, #tpu.memory_space<vmem>>
        %dma_start3A_335 = arith.constant 0 : i32
        %dma_start3A_336 = arith.constant 0 : i32
        %dma_start3A_337 = tpu.memref_slice %arg3[%dma_start3A_335, %dma_start3A_336] : memref<1000000x128xf32, #tpu.memory_space<hbm>> -> memref<1000000x128xf32, #tpu.memory_space<hbm>>
        tpu.enqueue_indirect_dma source(%dma_start3A_337 : memref<1000000x128xf32, #tpu.memory_space<hbm>>) target(%dma_start3A_331 : memref<128x128xf32, #tpu.memory_space<vmem>>) offsets(%dma_start3A_334 : memref<128xi32, #tpu.memory_space<vmem>>) semaphore(%arg13 : memref<!tpu.dma_semaphore, #tpu.memory_space<semaphore_mem>>)
        %dma_start3A_338 = arith.constant 1 : i32
        %dma_start3A_339 = arith.constant 128 : i32
        %dma_start3A_340 = arith.constant 0 : i32
        %dma_start3A_341 = tpu.memref_slice %arg9[%dma_start3A_339, %dma_start3A_340] : memref<256x128xf32, #tpu.memory_space<vmem>> -> memref<128x128xf32, #tpu.memory_space<vmem>>
        %dma_start3A_342 = arith.constant 0 : i32
        %dma_start3A_343 = tpu.memref_slice %arg6[%dma_start3A_338, %dma_start3A_342] : memref<2x128xi32, #tpu.memory_space<vmem>> -> memref<1x128xi32, #tpu.memory_space<vmem>>
        %dma_start3A_344 = tpu.memref_squeeze %dma_start3A_343 : memref<1x128xi32, #tpu.memory_space<vmem>> -> memref<128xi32, #tpu.memory_space<vmem>>
        %dma_start3A_345 = arith.constant 0 : i32
        %dma_start3A_346 = arith.constant 0 : i32
        %dma_start3A_347 = tpu.memref_slice %arg3[%dma_start3A_345, %dma_start3A_346] : memref<1000000x128xf32, #tpu.memory_space<hbm>> -> memref<1000000x128xf32, #tpu.memory_space<hbm>>
        tpu.enqueue_indirect_dma source(%dma_start3A_347 : memref<1000000x128xf32, #tpu.memory_space<hbm>>) target(%dma_start3A_341 : memref<128x128xf32, #tpu.memory_space<vmem>>) offsets(%dma_start3A_344 : memref<128xi32, #tpu.memory_space<vmem>>) semaphore(%arg13 : memref<!tpu.dma_semaphore, #tpu.memory_space<semaphore_mem>>)
      } else {
      }
      %mul3A_260 = arith.constant 256 : i32
      %mul3A_261 = arith.muli %add3A_214, %mul3A_260 : i32
      %add3A_262 = arith.addi %mul3A_2, %mul3A_261 : i32
      %add3A_263 = arith.constant 128 : i32
      %add3A_264 = arith.addi %add3A_262, %add3A_263 : i32
      "tpu.region"() ({
        %run_scoped3A = tpu.sem_alloc : memref<!tpu.dma_semaphore, #tpu.memory_space<semaphore_mem>>
        %dma_start3A_319 = arith.constant 0 : i32
        %dma_start3A_320 = tpu.memref_slice %arg4[%add3A_264, %dma_start3A_319] : memref<819200x64xf32, #tpu.memory_space<hbm>> -> memref<128x64xf32, #tpu.memory_space<hbm>>
        %dma_start3A_321 = arith.constant 0 : i32
        %dma_start3A_322 = tpu.memref_slice %arg4[%add3A_264, %dma_start3A_321] : memref<819200x64xf32, #tpu.memory_space<hbm>> -> memref<128x64xf32, #tpu.memory_space<hbm>>
        tpu.enqueue_dma source(%arg11 : memref<128x64xf32, #tpu.memory_space<vmem>>) target(%dma_start3A_322 : memref<128x64xf32, #tpu.memory_space<hbm>>) target_semaphore(%run_scoped3A : memref<!tpu.dma_semaphore, #tpu.memory_space<semaphore_mem>>)
        %dma_wait3A_323 = arith.constant 0 : i32
        %dma_wait3A_324 = tpu.memref_slice %arg4[%add3A_264, %dma_wait3A_323] : memref<819200x64xf32, #tpu.memory_space<hbm>> -> memref<128x64xf32, #tpu.memory_space<hbm>>
        %dma_wait3A_325 = arith.constant 0 : i32
        %dma_wait3A_326 = tpu.memref_slice %arg4[%add3A_264, %dma_wait3A_325] : memref<819200x64xf32, #tpu.memory_space<hbm>> -> memref<128x64xf32, #tpu.memory_space<hbm>>
        tpu.wait_dma2 semaphore(%run_scoped3A : memref<!tpu.dma_semaphore, #tpu.memory_space<semaphore_mem>>) src(%arg11 : memref<128x64xf32, #tpu.memory_space<vmem>>) dst(%dma_wait3A_326 : memref<128x64xf32, #tpu.memory_space<hbm>>)
        tpu.yield
      }) : () -> ()
      %mul3A_265 = arith.constant 3 : i32
      %mul3A_266 = arith.muli %scan3A_156, %mul3A_265 : i32
      %add3A_267 = arith.constant 2 : i32
      %add3A_268 = arith.addi %mul3A_266, %add3A_267 : i32
      %dma_wait3A_269 = arith.constant 0 : i32
      %dma_wait3A_270 = arith.constant 0 : i32
      %dma_wait3A_271 = arith.constant 0 : i32
      %dma_wait3A_272 = tpu.memref_slice %arg10[%dma_wait3A_270, %dma_wait3A_271] : memref<256x128xf32, #tpu.memory_space<vmem>> -> memref<128x128xf32, #tpu.memory_space<vmem>>
      %dma_wait3A_273 = arith.constant 0 : i32
      %dma_wait3A_274 = tpu.memref_slice %arg7[%dma_wait3A_269, %dma_wait3A_273] : memref<2x128xi32, #tpu.memory_space<vmem>> -> memref<1x128xi32, #tpu.memory_space<vmem>>
      %dma_wait3A_275 = tpu.memref_squeeze %dma_wait3A_274 : memref<1x128xi32, #tpu.memory_space<vmem>> -> memref<128xi32, #tpu.memory_space<vmem>>
      %dma_wait3A_276 = arith.constant 0 : i32
      %dma_wait3A_277 = arith.constant 0 : i32
      %dma_wait3A_278 = tpu.memref_slice %arg3[%dma_wait3A_276, %dma_wait3A_277] : memref<1000000x128xf32, #tpu.memory_space<hbm>> -> memref<1000000x128xf32, #tpu.memory_space<hbm>>
      tpu.wait_indirect_dma semaphore(%arg14 : memref<!tpu.dma_semaphore, #tpu.memory_space<semaphore_mem>>) src(%dma_wait3A_278 : memref<1000000x128xf32, #tpu.memory_space<hbm>>) dst(%dma_wait3A_272 : memref<128x128xf32, #tpu.memory_space<vmem>>)
      %dma_wait3A_279 = arith.constant 1 : i32
      %dma_wait3A_280 = arith.constant 128 : i32
      %dma_wait3A_281 = arith.constant 0 : i32
      %dma_wait3A_282 = tpu.memref_slice %arg10[%dma_wait3A_280, %dma_wait3A_281] : memref<256x128xf32, #tpu.memory_space<vmem>> -> memref<128x128xf32, #tpu.memory_space<vmem>>
      %dma_wait3A_283 = arith.constant 0 : i32
      %dma_wait3A_284 = tpu.memref_slice %arg7[%dma_wait3A_279, %dma_wait3A_283] : memref<2x128xi32, #tpu.memory_space<vmem>> -> memref<1x128xi32, #tpu.memory_space<vmem>>
      %dma_wait3A_285 = tpu.memref_squeeze %dma_wait3A_284 : memref<1x128xi32, #tpu.memory_space<vmem>> -> memref<128xi32, #tpu.memory_space<vmem>>
      %dma_wait3A_286 = arith.constant 0 : i32
      %dma_wait3A_287 = arith.constant 0 : i32
      %dma_wait3A_288 = tpu.memref_slice %arg3[%dma_wait3A_286, %dma_wait3A_287] : memref<1000000x128xf32, #tpu.memory_space<hbm>> -> memref<1000000x128xf32, #tpu.memory_space<hbm>>
      tpu.wait_indirect_dma semaphore(%arg14 : memref<!tpu.dma_semaphore, #tpu.memory_space<semaphore_mem>>) src(%dma_wait3A_288 : memref<1000000x128xf32, #tpu.memory_space<hbm>>) dst(%dma_wait3A_282 : memref<128x128xf32, #tpu.memory_space<vmem>>)
      %add3A_289 = arith.constant 3 : i32
      %add3A_290 = arith.addi %add3A_268, %add3A_289 : i32
      %lt3A_291 = arith.constant 100 : i32
      %lt3A_292 = arith.cmpi slt, %add3A_290, %lt3A_291 : i32
      %convert_element_type3A_293 = arith.extui %lt3A_292 : i1 to i32
      %cond3A_294 = arith.constant 0 : i32
      %cond3A_295 = arith.cmpi ne, %convert_element_type3A_293, %cond3A_294 : i32
      scf.if %cond3A_295 {
        %add3A_319 = arith.constant 3 : i32
        %add3A_320 = arith.addi %add3A_268, %add3A_319 : i32
        %mul3A_321 = arith.constant 2 : i32
        %mul3A_322 = arith.muli %add3A_320, %mul3A_321 : i32
        %add3A_323 = arith.addi %mul3A_4, %mul3A_322 : i32
        %dma_start3A_324 = arith.constant 0 : i32
        %dma_start3A_325 = tpu.memref_slice %arg2[%add3A_323, %dma_start3A_324] : memref<6400x128xi32, #tpu.memory_space<hbm>> -> memref<2x128xi32, #tpu.memory_space<hbm>>
        %dma_start3A_326 = arith.constant 0 : i32
        %dma_start3A_327 = tpu.memref_slice %arg2[%add3A_323, %dma_start3A_326] : memref<6400x128xi32, #tpu.memory_space<hbm>> -> memref<2x128xi32, #tpu.memory_space<hbm>>
        tpu.enqueue_dma source(%dma_start3A_327 : memref<2x128xi32, #tpu.memory_space<hbm>>) target(%arg7 : memref<2x128xi32, #tpu.memory_space<vmem>>) target_semaphore(%arg17 : memref<!tpu.dma_semaphore, #tpu.memory_space<semaphore_mem>>)
      } else {
      }
      %parallel_loop3A_296 = arith.constant 0 : i32
      %parallel_loop3A_297 = arith.constant 128 : i32
      %parallel_loop3A_298 = arith.constant 1 : i32
      scf.for %parallel_loop3A_319 = %parallel_loop3A_296 to %parallel_loop3A_297 step %parallel_loop3A_298  : i32 {
        %parallel_loop3A_320 = arith.constant 0 : i32
        %parallel_loop3A_321 = arith.addi %parallel_loop3A_320, %parallel_loop3A_319 : i32
        %parallel_loop3A_322 = arith.index_cast %parallel_loop3A_321 : i32 to index
        %parallel_loop3A_323 = arith.constant 0 : index
        %parallel_loop3A_324 = tpu.vector_load %arg10[%parallel_loop3A_322, %parallel_loop3A_323] {strides = array<i32>} : memref<256x128xf32, #tpu.memory_space<vmem>>, vector<1x16xf32>,
        %parallel_loop3A_325 = vector.shape_cast %parallel_loop3A_324 : vector<1x16xf32> to vector<16xf32>
        %parallel_loop3A_326 = arith.constant 8.000000e+00 : f32
        %parallel_loop3A_327 = vector.broadcast %parallel_loop3A_326 : f32 to vector<16xf32>
        %parallel_loop3A_328 = arith.mulf %parallel_loop3A_325, %parallel_loop3A_327 : vector<16xf32>
        %parallel_loop3A_329 = arith.index_cast %parallel_loop3A_319 : i32 to index
        %parallel_loop3A_330 = arith.constant 0 : index
        %parallel_loop3A_331 = tpu.vector_load %arg11[%parallel_loop3A_329, %parallel_loop3A_330] {strides = array<i32>} : memref<128x64xf32, #tpu.memory_space<vmem>>, vector<1x16xf32>,
        %parallel_loop3A_332 = vector.shape_cast %parallel_loop3A_331 : vector<1x16xf32> to vector<16xf32>
        %parallel_loop3A_333 = vector.shape_cast %parallel_loop3A_328 : vector<16xf32> to vector<1x16xf32>
        tpu.vector_store %arg11[%parallel_loop3A_329, %parallel_loop3A_330], %parallel_loop3A_333 {strides = array<i32>} : memref<128x64xf32, #tpu.memory_space<vmem>>, vector<1x16xf32>,
        %parallel_loop3A_334 = arith.constant 0 : i32
        %parallel_loop3A_335 = arith.addi %parallel_loop3A_334, %parallel_loop3A_319 : i32
        %parallel_loop3A_336 = arith.index_cast %parallel_loop3A_335 : i32 to index
        %parallel_loop3A_337 = arith.constant 16 : index
        %parallel_loop3A_338 = tpu.vector_load %arg10[%parallel_loop3A_336, %parallel_loop3A_337] {strides = array<i32>} : memref<256x128xf32, #tpu.memory_space<vmem>>, vector<1x16xf32>,
        %parallel_loop3A_339 = vector.shape_cast %parallel_loop3A_338 : vector<1x16xf32> to vector<16xf32>
        %parallel_loop3A_340 = arith.constant 8.000000e+00 : f32
        %parallel_loop3A_341 = vector.broadcast %parallel_loop3A_340 : f32 to vector<16xf32>
        %parallel_loop3A_342 = arith.mulf %parallel_loop3A_339, %parallel_loop3A_341 : vector<16xf32>
        %parallel_loop3A_343 = arith.index_cast %parallel_loop3A_319 : i32 to index
        %parallel_loop3A_344 = arith.constant 16 : index
        %parallel_loop3A_345 = tpu.vector_load %arg11[%parallel_loop3A_343, %parallel_loop3A_344] {strides = array<i32>} : memref<128x64xf32, #tpu.memory_space<vmem>>, vector<1x16xf32>,
        %parallel_loop3A_346 = vector.shape_cast %parallel_loop3A_345 : vector<1x16xf32> to vector<16xf32>
        %parallel_loop3A_347 = vector.shape_cast %parallel_loop3A_342 : vector<16xf32> to vector<1x16xf32>
        tpu.vector_store %arg11[%parallel_loop3A_343, %parallel_loop3A_344], %parallel_loop3A_347 {strides = array<i32>} : memref<128x64xf32, #tpu.memory_space<vmem>>, vector<1x16xf32>,
        %parallel_loop3A_348 = arith.constant 0 : i32
        %parallel_loop3A_349 = arith.addi %parallel_loop3A_348, %parallel_loop3A_319 : i32
        %parallel_loop3A_350 = arith.index_cast %parallel_loop3A_349 : i32 to index
        %parallel_loop3A_351 = arith.constant 32 : index
        %parallel_loop3A_352 = tpu.vector_load %arg10[%parallel_loop3A_350, %parallel_loop3A_351] {strides = array<i32>} : memref<256x128xf32, #tpu.memory_space<vmem>>, vector<1x16xf32>,
        %parallel_loop3A_353 = vector.shape_cast %parallel_loop3A_352 : vector<1x16xf32> to vector<16xf32>
        %parallel_loop3A_354 = arith.constant 8.000000e+00 : f32
        %parallel_loop3A_355 = vector.broadcast %parallel_loop3A_354 : f32 to vector<16xf32>
        %parallel_loop3A_356 = arith.mulf %parallel_loop3A_353, %parallel_loop3A_355 : vector<16xf32>
        %parallel_loop3A_357 = arith.index_cast %parallel_loop3A_319 : i32 to index
        %parallel_loop3A_358 = arith.constant 32 : index
        %parallel_loop3A_359 = tpu.vector_load %arg11[%parallel_loop3A_357, %parallel_loop3A_358] {strides = array<i32>} : memref<128x64xf32, #tpu.memory_space<vmem>>, vector<1x16xf32>,
        %parallel_loop3A_360 = vector.shape_cast %parallel_loop3A_359 : vector<1x16xf32> to vector<16xf32>
        %parallel_loop3A_361 = vector.shape_cast %parallel_loop3A_356 : vector<16xf32> to vector<1x16xf32>
        tpu.vector_store %arg11[%parallel_loop3A_357, %parallel_loop3A_358], %parallel_loop3A_361 {strides = array<i32>} : memref<128x64xf32, #tpu.memory_space<vmem>>, vector<1x16xf32>,
        %parallel_loop3A_362 = arith.constant 0 : i32
        %parallel_loop3A_363 = arith.addi %parallel_loop3A_362, %parallel_loop3A_319 : i32
        %parallel_loop3A_364 = arith.index_cast %parallel_loop3A_363 : i32 to index
        %parallel_loop3A_365 = arith.constant 48 : index
        %parallel_loop3A_366 = tpu.vector_load %arg10[%parallel_loop3A_364, %parallel_loop3A_365] {strides = array<i32>} : memref<256x128xf32, #tpu.memory_space<vmem>>, vector<1x16xf32>,
        %parallel_loop3A_367 = vector.shape_cast %parallel_loop3A_366 : vector<1x16xf32> to vector<16xf32>
        %parallel_loop3A_368 = arith.constant 8.000000e+00 : f32
        %parallel_loop3A_369 = vector.broadcast %parallel_loop3A_368 : f32 to vector<16xf32>
        %parallel_loop3A_370 = arith.mulf %parallel_loop3A_367, %parallel_loop3A_369 : vector<16xf32>
        %parallel_loop3A_371 = arith.index_cast %parallel_loop3A_319 : i32 to index
        %parallel_loop3A_372 = arith.constant 48 : index
        %parallel_loop3A_373 = tpu.vector_load %arg11[%parallel_loop3A_371, %parallel_loop3A_372] {strides = array<i32>} : memref<128x64xf32, #tpu.memory_space<vmem>>, vector<1x16xf32>,
        %parallel_loop3A_374 = vector.shape_cast %parallel_loop3A_373 : vector<1x16xf32> to vector<16xf32>
        %parallel_loop3A_375 = vector.shape_cast %parallel_loop3A_370 : vector<16xf32> to vector<1x16xf32>
        tpu.vector_store %arg11[%parallel_loop3A_371, %parallel_loop3A_372], %parallel_loop3A_375 {strides = array<i32>} : memref<128x64xf32, #tpu.memory_space<vmem>>, vector<1x16xf32>,
      } {sc.loop_unroll_factor = 8 : i64, sc.parallel_access}
      %mul3A_299 = arith.constant 256 : i32
      %mul3A_300 = arith.muli %add3A_268, %mul3A_299 : i32
      %add3A_301 = arith.addi %mul3A_2, %mul3A_300 : i32
      %add3A_302 = arith.constant 0 : i32
      %add3A_303 = arith.addi %add3A_301, %add3A_302 : i32
      "tpu.region"() ({
        %run_scoped3A = tpu.sem_alloc : memref<!tpu.dma_semaphore, #tpu.memory_space<semaphore_mem>>
        %dma_start3A_319 = arith.constant 0 : i32
        %dma_start3A_320 = tpu.memref_slice %arg4[%add3A_303, %dma_start3A_319] : memref<819200x64xf32, #tpu.memory_space<hbm>> -> memref<128x64xf32, #tpu.memory_space<hbm>>
        %dma_start3A_321 = arith.constant 0 : i32
        %dma_start3A_322 = tpu.memref_slice %arg4[%add3A_303, %dma_start3A_321] : memref<819200x64xf32, #tpu.memory_space<hbm>> -> memref<128x64xf32, #tpu.memory_space<hbm>>
        tpu.enqueue_dma source(%arg11 : memref<128x64xf32, #tpu.memory_space<vmem>>) target(%dma_start3A_322 : memref<128x64xf32, #tpu.memory_space<hbm>>) target_semaphore(%run_scoped3A : memref<!tpu.dma_semaphore, #tpu.memory_space<semaphore_mem>>)
        %dma_wait3A_323 = arith.constant 0 : i32
        %dma_wait3A_324 = tpu.memref_slice %arg4[%add3A_303, %dma_wait3A_323] : memref<819200x64xf32, #tpu.memory_space<hbm>> -> memref<128x64xf32, #tpu.memory_space<hbm>>
        %dma_wait3A_325 = arith.constant 0 : i32
        %dma_wait3A_326 = tpu.memref_slice %arg4[%add3A_303, %dma_wait3A_325] : memref<819200x64xf32, #tpu.memory_space<hbm>> -> memref<128x64xf32, #tpu.memory_space<hbm>>
        tpu.wait_dma2 semaphore(%run_scoped3A : memref<!tpu.dma_semaphore, #tpu.memory_space<semaphore_mem>>) src(%arg11 : memref<128x64xf32, #tpu.memory_space<vmem>>) dst(%dma_wait3A_326 : memref<128x64xf32, #tpu.memory_space<hbm>>)
        tpu.yield
      }) : () -> ()
      %parallel_loop3A_304 = arith.constant 0 : i32
      %parallel_loop3A_305 = arith.constant 128 : i32
      %parallel_loop3A_306 = arith.constant 1 : i32
      scf.for %parallel_loop3A_319 = %parallel_loop3A_304 to %parallel_loop3A_305 step %parallel_loop3A_306  : i32 {
        %parallel_loop3A_320 = arith.constant 128 : i32
        %parallel_loop3A_321 = arith.addi %parallel_loop3A_320, %parallel_loop3A_319 : i32
        %parallel_loop3A_322 = arith.index_cast %parallel_loop3A_321 : i32 to index
        %parallel_loop3A_323 = arith.constant 0 : index
        %parallel_loop3A_324 = tpu.vector_load %arg10[%parallel_loop3A_322, %parallel_loop3A_323] {strides = array<i32>} : memref<256x128xf32, #tpu.memory_space<vmem>>, vector<1x16xf32>,
        %parallel_loop3A_325 = vector.shape_cast %parallel_loop3A_324 : vector<1x16xf32> to vector<16xf32>
        %parallel_loop3A_326 = arith.constant 8.000000e+00 : f32
        %parallel_loop3A_327 = vector.broadcast %parallel_loop3A_326 : f32 to vector<16xf32>
        %parallel_loop3A_328 = arith.mulf %parallel_loop3A_325, %parallel_loop3A_327 : vector<16xf32>
        %parallel_loop3A_329 = arith.index_cast %parallel_loop3A_319 : i32 to index
        %parallel_loop3A_330 = arith.constant 0 : index
        %parallel_loop3A_331 = tpu.vector_load %arg11[%parallel_loop3A_329, %parallel_loop3A_330] {strides = array<i32>} : memref<128x64xf32, #tpu.memory_space<vmem>>, vector<1x16xf32>,
        %parallel_loop3A_332 = vector.shape_cast %parallel_loop3A_331 : vector<1x16xf32> to vector<16xf32>
        %parallel_loop3A_333 = vector.shape_cast %parallel_loop3A_328 : vector<16xf32> to vector<1x16xf32>
        tpu.vector_store %arg11[%parallel_loop3A_329, %parallel_loop3A_330], %parallel_loop3A_333 {strides = array<i32>} : memref<128x64xf32, #tpu.memory_space<vmem>>, vector<1x16xf32>,
        %parallel_loop3A_334 = arith.constant 128 : i32
        %parallel_loop3A_335 = arith.addi %parallel_loop3A_334, %parallel_loop3A_319 : i32
        %parallel_loop3A_336 = arith.index_cast %parallel_loop3A_335 : i32 to index
        %parallel_loop3A_337 = arith.constant 16 : index
        %parallel_loop3A_338 = tpu.vector_load %arg10[%parallel_loop3A_336, %parallel_loop3A_337] {strides = array<i32>} : memref<256x128xf32, #tpu.memory_space<vmem>>, vector<1x16xf32>,
        %parallel_loop3A_339 = vector.shape_cast %parallel_loop3A_338 : vector<1x16xf32> to vector<16xf32>
        %parallel_loop3A_340 = arith.constant 8.000000e+00 : f32
        %parallel_loop3A_341 = vector.broadcast %parallel_loop3A_340 : f32 to vector<16xf32>
        %parallel_loop3A_342 = arith.mulf %parallel_loop3A_339, %parallel_loop3A_341 : vector<16xf32>
        %parallel_loop3A_343 = arith.index_cast %parallel_loop3A_319 : i32 to index
        %parallel_loop3A_344 = arith.constant 16 : index
        %parallel_loop3A_345 = tpu.vector_load %arg11[%parallel_loop3A_343, %parallel_loop3A_344] {strides = array<i32>} : memref<128x64xf32, #tpu.memory_space<vmem>>, vector<1x16xf32>,
        %parallel_loop3A_346 = vector.shape_cast %parallel_loop3A_345 : vector<1x16xf32> to vector<16xf32>
        %parallel_loop3A_347 = vector.shape_cast %parallel_loop3A_342 : vector<16xf32> to vector<1x16xf32>
        tpu.vector_store %arg11[%parallel_loop3A_343, %parallel_loop3A_344], %parallel_loop3A_347 {strides = array<i32>} : memref<128x64xf32, #tpu.memory_space<vmem>>, vector<1x16xf32>,
        %parallel_loop3A_348 = arith.constant 128 : i32
        %parallel_loop3A_349 = arith.addi %parallel_loop3A_348, %parallel_loop3A_319 : i32
        %parallel_loop3A_350 = arith.index_cast %parallel_loop3A_349 : i32 to index
        %parallel_loop3A_351 = arith.constant 32 : index
        %parallel_loop3A_352 = tpu.vector_load %arg10[%parallel_loop3A_350, %parallel_loop3A_351] {strides = array<i32>} : memref<256x128xf32, #tpu.memory_space<vmem>>, vector<1x16xf32>,
        %parallel_loop3A_353 = vector.shape_cast %parallel_loop3A_352 : vector<1x16xf32> to vector<16xf32>
        %parallel_loop3A_354 = arith.constant 8.000000e+00 : f32
        %parallel_loop3A_355 = vector.broadcast %parallel_loop3A_354 : f32 to vector<16xf32>
        %parallel_loop3A_356 = arith.mulf %parallel_loop3A_353, %parallel_loop3A_355 : vector<16xf32>
        %parallel_loop3A_357 = arith.index_cast %parallel_loop3A_319 : i32 to index
        %parallel_loop3A_358 = arith.constant 32 : index
        %parallel_loop3A_359 = tpu.vector_load %arg11[%parallel_loop3A_357, %parallel_loop3A_358] {strides = array<i32>} : memref<128x64xf32, #tpu.memory_space<vmem>>, vector<1x16xf32>,
        %parallel_loop3A_360 = vector.shape_cast %parallel_loop3A_359 : vector<1x16xf32> to vector<16xf32>
        %parallel_loop3A_361 = vector.shape_cast %parallel_loop3A_356 : vector<16xf32> to vector<1x16xf32>
        tpu.vector_store %arg11[%parallel_loop3A_357, %parallel_loop3A_358], %parallel_loop3A_361 {strides = array<i32>} : memref<128x64xf32, #tpu.memory_space<vmem>>, vector<1x16xf32>,
        %parallel_loop3A_362 = arith.constant 128 : i32
        %parallel_loop3A_363 = arith.addi %parallel_loop3A_362, %parallel_loop3A_319 : i32
        %parallel_loop3A_364 = arith.index_cast %parallel_loop3A_363 : i32 to index
        %parallel_loop3A_365 = arith.constant 48 : index
        %parallel_loop3A_366 = tpu.vector_load %arg10[%parallel_loop3A_364, %parallel_loop3A_365] {strides = array<i32>} : memref<256x128xf32, #tpu.memory_space<vmem>>, vector<1x16xf32>,
        %parallel_loop3A_367 = vector.shape_cast %parallel_loop3A_366 : vector<1x16xf32> to vector<16xf32>
        %parallel_loop3A_368 = arith.constant 8.000000e+00 : f32
        %parallel_loop3A_369 = vector.broadcast %parallel_loop3A_368 : f32 to vector<16xf32>
        %parallel_loop3A_370 = arith.mulf %parallel_loop3A_367, %parallel_loop3A_369 : vector<16xf32>
        %parallel_loop3A_371 = arith.index_cast %parallel_loop3A_319 : i32 to index
        %parallel_loop3A_372 = arith.constant 48 : index
        %parallel_loop3A_373 = tpu.vector_load %arg11[%parallel_loop3A_371, %parallel_loop3A_372] {strides = array<i32>} : memref<128x64xf32, #tpu.memory_space<vmem>>, vector<1x16xf32>,
        %parallel_loop3A_374 = vector.shape_cast %parallel_loop3A_373 : vector<1x16xf32> to vector<16xf32>
        %parallel_loop3A_375 = vector.shape_cast %parallel_loop3A_370 : vector<16xf32> to vector<1x16xf32>
        tpu.vector_store %arg11[%parallel_loop3A_371, %parallel_loop3A_372], %parallel_loop3A_375 {strides = array<i32>} : memref<128x64xf32, #tpu.memory_space<vmem>>, vector<1x16xf32>,
      } {sc.loop_unroll_factor = 8 : i64, sc.parallel_access}
      %add3A_307 = arith.constant 3 : i32
      %add3A_308 = arith.addi %add3A_268, %add3A_307 : i32
      %lt3A_309 = arith.constant 100 : i32
      %lt3A_310 = arith.cmpi slt, %add3A_308, %lt3A_309 : i32
      %convert_element_type3A_311 = arith.extui %lt3A_310 : i1 to i32
      %cond3A_312 = arith.constant 0 : i32
      %cond3A_313 = arith.cmpi ne, %convert_element_type3A_311, %cond3A_312 : i32
      scf.if %cond3A_313 {
        %add3A_319 = arith.constant 3 : i32
        %add3A_320 = arith.addi %add3A_268, %add3A_319 : i32
        %mul3A_321 = arith.constant 2 : i32
        %mul3A_322 = arith.muli %add3A_320, %mul3A_321 : i32
        %add3A_323 = arith.addi %mul3A_4, %mul3A_322 : i32
        %dma_wait3A_324 = arith.constant 0 : i32
        %dma_wait3A_325 = tpu.memref_slice %arg2[%add3A_323, %dma_wait3A_324] : memref<6400x128xi32, #tpu.memory_space<hbm>> -> memref<2x128xi32, #tpu.memory_space<hbm>>
        %dma_wait3A_326 = arith.constant 0 : i32
        %dma_wait3A_327 = tpu.memref_slice %arg2[%add3A_323, %dma_wait3A_326] : memref<6400x128xi32, #tpu.memory_space<hbm>> -> memref<2x128xi32, #tpu.memory_space<hbm>>
        tpu.wait_dma2 semaphore(%arg17 : memref<!tpu.dma_semaphore, #tpu.memory_space<semaphore_mem>>) src(%dma_wait3A_327 : memref<2x128xi32, #tpu.memory_space<hbm>>) dst(%arg7 : memref<2x128xi32, #tpu.memory_space<vmem>>)
        %dma_start3A_328 = arith.constant 0 : i32
        %dma_start3A_329 = arith.constant 0 : i32
        %dma_start3A_330 = arith.constant 0 : i32
        %dma_start3A_331 = tpu.memref_slice %arg10[%dma_start3A_329, %dma_start3A_330] : memref<256x128xf32, #tpu.memory_space<vmem>> -> memref<128x128xf32, #tpu.memory_space<vmem>>
        %dma_start3A_332 = arith.constant 0 : i32
        %dma_start3A_333 = tpu.memref_slice %arg7[%dma_start3A_328, %dma_start3A_332] : memref<2x128xi32, #tpu.memory_space<vmem>> -> memref<1x128xi32, #tpu.memory_space<vmem>>
        %dma_start3A_334 = tpu.memref_squeeze %dma_start3A_333 : memref<1x128xi32, #tpu.memory_space<vmem>> -> memref<128xi32, #tpu.memory_space<vmem>>
        %dma_start3A_335 = arith.constant 0 : i32
        %dma_start3A_336 = arith.constant 0 : i32
        %dma_start3A_337 = tpu.memref_slice %arg3[%dma_start3A_335, %dma_start3A_336] : memref<1000000x128xf32, #tpu.memory_space<hbm>> -> memref<1000000x128xf32, #tpu.memory_space<hbm>>
        tpu.enqueue_indirect_dma source(%dma_start3A_337 : memref<1000000x128xf32, #tpu.memory_space<hbm>>) target(%dma_start3A_331 : memref<128x128xf32, #tpu.memory_space<vmem>>) offsets(%dma_start3A_334 : memref<128xi32, #tpu.memory_space<vmem>>) semaphore(%arg14 : memref<!tpu.dma_semaphore, #tpu.memory_space<semaphore_mem>>)
        %dma_start3A_338 = arith.constant 1 : i32
        %dma_start3A_339 = arith.constant 128 : i32
        %dma_start3A_340 = arith.constant 0 : i32
        %dma_start3A_341 = tpu.memref_slice %arg10[%dma_start3A_339, %dma_start3A_340] : memref<256x128xf32, #tpu.memory_space<vmem>> -> memref<128x128xf32, #tpu.memory_space<vmem>>
        %dma_start3A_342 = arith.constant 0 : i32
        %dma_start3A_343 = tpu.memref_slice %arg7[%dma_start3A_338, %dma_start3A_342] : memref<2x128xi32, #tpu.memory_space<vmem>> -> memref<1x128xi32, #tpu.memory_space<vmem>>
        %dma_start3A_344 = tpu.memref_squeeze %dma_start3A_343 : memref<1x128xi32, #tpu.memory_space<vmem>> -> memref<128xi32, #tpu.memory_space<vmem>>
        %dma_start3A_345 = arith.constant 0 : i32
        %dma_start3A_346 = arith.constant 0 : i32
        %dma_start3A_347 = tpu.memref_slice %arg3[%dma_start3A_345, %dma_start3A_346] : memref<1000000x128xf32, #tpu.memory_space<hbm>> -> memref<1000000x128xf32, #tpu.memory_space<hbm>>
        tpu.enqueue_indirect_dma source(%dma_start3A_347 : memref<1000000x128xf32, #tpu.memory_space<hbm>>) target(%dma_start3A_341 : memref<128x128xf32, #tpu.memory_space<vmem>>) offsets(%dma_start3A_344 : memref<128xi32, #tpu.memory_space<vmem>>) semaphore(%arg14 : memref<!tpu.dma_semaphore, #tpu.memory_space<semaphore_mem>>)
      } else {
      }
      %mul3A_314 = arith.constant 256 : i32
      %mul3A_315 = arith.muli %add3A_268, %mul3A_314 : i32
      %add3A_316 = arith.addi %mul3A_2, %mul3A_315 : i32
      %add3A_317 = arith.constant 128 : i32
      %add3A_318 = arith.addi %add3A_316, %add3A_317 : i32
      "tpu.region"() ({
        %run_scoped3A = tpu.sem_alloc : memref<!tpu.dma_semaphore, #tpu.memory_space<semaphore_mem>>
        %dma_start3A_319 = arith.constant 0 : i32
        %dma_start3A_320 = tpu.memref_slice %arg4[%add3A_318, %dma_start3A_319] : memref<819200x64xf32, #tpu.memory_space<hbm>> -> memref<128x64xf32, #tpu.memory_space<hbm>>
        %dma_start3A_321 = arith.constant 0 : i32
        %dma_start3A_322 = tpu.memref_slice %arg4[%add3A_318, %dma_start3A_321] : memref<819200x64xf32, #tpu.memory_space<hbm>> -> memref<128x64xf32, #tpu.memory_space<hbm>>
        tpu.enqueue_dma source(%arg11 : memref<128x64xf32, #tpu.memory_space<vmem>>) target(%dma_start3A_322 : memref<128x64xf32, #tpu.memory_space<hbm>>) target_semaphore(%run_scoped3A : memref<!tpu.dma_semaphore, #tpu.memory_space<semaphore_mem>>)
        %dma_wait3A_323 = arith.constant 0 : i32
        %dma_wait3A_324 = tpu.memref_slice %arg4[%add3A_318, %dma_wait3A_323] : memref<819200x64xf32, #tpu.memory_space<hbm>> -> memref<128x64xf32, #tpu.memory_space<hbm>>
        %dma_wait3A_325 = arith.constant 0 : i32
        %dma_wait3A_326 = tpu.memref_slice %arg4[%add3A_318, %dma_wait3A_325] : memref<819200x64xf32, #tpu.memory_space<hbm>> -> memref<128x64xf32, #tpu.memory_space<hbm>>
        tpu.wait_dma2 semaphore(%run_scoped3A : memref<!tpu.dma_semaphore, #tpu.memory_space<semaphore_mem>>) src(%arg11 : memref<128x64xf32, #tpu.memory_space<vmem>>) dst(%dma_wait3A_326 : memref<128x64xf32, #tpu.memory_space<hbm>>)
        tpu.yield
      }) : () -> ()
    }
    %scan3A_103 = arith.constant 33 : i32
    %dma_wait3A_104 = arith.constant 0 : i32
    %dma_wait3A_105 = arith.constant 0 : i32
    %dma_wait3A_106 = arith.constant 0 : i32
    %dma_wait3A_107 = tpu.memref_slice %arg8[%dma_wait3A_105, %dma_wait3A_106] : memref<256x128xf32, #tpu.memory_space<vmem>> -> memref<128x128xf32, #tpu.memory_space<vmem>>
    %dma_wait3A_108 = arith.constant 0 : i32
    %dma_wait3A_109 = tpu.memref_slice %arg5[%dma_wait3A_104, %dma_wait3A_108] : memref<2x128xi32, #tpu.memory_space<vmem>> -> memref<1x128xi32, #tpu.memory_space<vmem>>
    %dma_wait3A_110 = tpu.memref_squeeze %dma_wait3A_109 : memref<1x128xi32, #tpu.memory_space<vmem>> -> memref<128xi32, #tpu.memory_space<vmem>>
    %dma_wait3A_111 = arith.constant 0 : i32
    %dma_wait3A_112 = arith.constant 0 : i32
    %dma_wait3A_113 = tpu.memref_slice %arg3[%dma_wait3A_111, %dma_wait3A_112] : memref<1000000x128xf32, #tpu.memory_space<hbm>> -> memref<1000000x128xf32, #tpu.memory_space<hbm>>
    tpu.wait_indirect_dma semaphore(%arg12 : memref<!tpu.dma_semaphore, #tpu.memory_space<semaphore_mem>>) src(%dma_wait3A_113 : memref<1000000x128xf32, #tpu.memory_space<hbm>>) dst(%dma_wait3A_107 : memref<128x128xf32, #tpu.memory_space<vmem>>)
    %dma_wait3A_114 = arith.constant 1 : i32
    %dma_wait3A_115 = arith.constant 128 : i32
    %dma_wait3A_116 = arith.constant 0 : i32
    %dma_wait3A_117 = tpu.memref_slice %arg8[%dma_wait3A_115, %dma_wait3A_116] : memref<256x128xf32, #tpu.memory_space<vmem>> -> memref<128x128xf32, #tpu.memory_space<vmem>>
    %dma_wait3A_118 = arith.constant 0 : i32
    %dma_wait3A_119 = tpu.memref_slice %arg5[%dma_wait3A_114, %dma_wait3A_118] : memref<2x128xi32, #tpu.memory_space<vmem>> -> memref<1x128xi32, #tpu.memory_space<vmem>>
    %dma_wait3A_120 = tpu.memref_squeeze %dma_wait3A_119 : memref<1x128xi32, #tpu.memory_space<vmem>> -> memref<128xi32, #tpu.memory_space<vmem>>
    %dma_wait3A_121 = arith.constant 0 : i32
    %dma_wait3A_122 = arith.constant 0 : i32
    %dma_wait3A_123 = tpu.memref_slice %arg3[%dma_wait3A_121, %dma_wait3A_122] : memref<1000000x128xf32, #tpu.memory_space<hbm>> -> memref<1000000x128xf32, #tpu.memory_space<hbm>>
    tpu.wait_indirect_dma semaphore(%arg12 : memref<!tpu.dma_semaphore, #tpu.memory_space<semaphore_mem>>) src(%dma_wait3A_123 : memref<1000000x128xf32, #tpu.memory_space<hbm>>) dst(%dma_wait3A_117 : memref<128x128xf32, #tpu.memory_space<vmem>>)
    %add3A_124 = arith.constant 99 : i32
    %add3A_125 = arith.constant 3 : i32
    %add3A_126 = arith.addi %add3A_124, %add3A_125 : i32
    %lt3A = arith.constant 100 : i32
    %lt3A_127 = arith.cmpi slt, %add3A_126, %lt3A : i32
    %convert_element_type3A = arith.extui %lt3A_127 : i1 to i32
    %cond3A = arith.constant 99 : i32
    %cond3A_128 = arith.constant 0 : i32
    %cond3A_129 = arith.cmpi ne, %convert_element_type3A, %cond3A_128 : i32
    scf.if %cond3A_129 {
      %add3A_156 = arith.constant 3 : i32
      %add3A_157 = arith.addi %cond3A, %add3A_156 : i32
      %mul3A_158 = arith.constant 2 : i32
      %mul3A_159 = arith.muli %add3A_157, %mul3A_158 : i32
      %add3A_160 = arith.addi %mul3A_4, %mul3A_159 : i32
      %dma_start3A_161 = arith.constant 0 : i32
      %dma_start3A_162 = tpu.memref_slice %arg2[%add3A_160, %dma_start3A_161] : memref<6400x128xi32, #tpu.memory_space<hbm>> -> memref<2x128xi32, #tpu.memory_space<hbm>>
      %dma_start3A_163 = arith.constant 0 : i32
      %dma_start3A_164 = tpu.memref_slice %arg2[%add3A_160, %dma_start3A_163] : memref<6400x128xi32, #tpu.memory_space<hbm>> -> memref<2x128xi32, #tpu.memory_space<hbm>>
      tpu.enqueue_dma source(%dma_start3A_164 : memref<2x128xi32, #tpu.memory_space<hbm>>) target(%arg5 : memref<2x128xi32, #tpu.memory_space<vmem>>) target_semaphore(%arg15 : memref<!tpu.dma_semaphore, #tpu.memory_space<semaphore_mem>>)
    } else {
    }
    %parallel_loop3A = arith.constant 0 : i32
    %parallel_loop3A_130 = arith.constant 128 : i32
    %parallel_loop3A_131 = arith.constant 1 : i32
    scf.for %parallel_loop3A_156 = %parallel_loop3A to %parallel_loop3A_130 step %parallel_loop3A_131  : i32 {
      %parallel_loop3A_157 = arith.constant 0 : i32
      %parallel_loop3A_158 = arith.addi %parallel_loop3A_157, %parallel_loop3A_156 : i32
      %parallel_loop3A_159 = arith.index_cast %parallel_loop3A_158 : i32 to index
      %parallel_loop3A_160 = arith.constant 0 : index
      %parallel_loop3A_161 = tpu.vector_load %arg8[%parallel_loop3A_159, %parallel_loop3A_160] {strides = array<i32>} : memref<256x128xf32, #tpu.memory_space<vmem>>, vector<1x16xf32>,
      %parallel_loop3A_162 = vector.shape_cast %parallel_loop3A_161 : vector<1x16xf32> to vector<16xf32>
      %parallel_loop3A_163 = arith.constant 8.000000e+00 : f32
      %parallel_loop3A_164 = vector.broadcast %parallel_loop3A_163 : f32 to vector<16xf32>
      %parallel_loop3A_165 = arith.mulf %parallel_loop3A_162, %parallel_loop3A_164 : vector<16xf32>
      %parallel_loop3A_166 = arith.index_cast %parallel_loop3A_156 : i32 to index
      %parallel_loop3A_167 = arith.constant 0 : index
      %parallel_loop3A_168 = tpu.vector_load %arg11[%parallel_loop3A_166, %parallel_loop3A_167] {strides = array<i32>} : memref<128x64xf32, #tpu.memory_space<vmem>>, vector<1x16xf32>,
      %parallel_loop3A_169 = vector.shape_cast %parallel_loop3A_168 : vector<1x16xf32> to vector<16xf32>
      %parallel_loop3A_170 = vector.shape_cast %parallel_loop3A_165 : vector<16xf32> to vector<1x16xf32>
      tpu.vector_store %arg11[%parallel_loop3A_166, %parallel_loop3A_167], %parallel_loop3A_170 {strides = array<i32>} : memref<128x64xf32, #tpu.memory_space<vmem>>, vector<1x16xf32>,
      %parallel_loop3A_171 = arith.constant 0 : i32
      %parallel_loop3A_172 = arith.addi %parallel_loop3A_171, %parallel_loop3A_156 : i32
      %parallel_loop3A_173 = arith.index_cast %parallel_loop3A_172 : i32 to index
      %parallel_loop3A_174 = arith.constant 16 : index
      %parallel_loop3A_175 = tpu.vector_load %arg8[%parallel_loop3A_173, %parallel_loop3A_174] {strides = array<i32>} : memref<256x128xf32, #tpu.memory_space<vmem>>, vector<1x16xf32>,
      %parallel_loop3A_176 = vector.shape_cast %parallel_loop3A_175 : vector<1x16xf32> to vector<16xf32>
      %parallel_loop3A_177 = arith.constant 8.000000e+00 : f32
      %parallel_loop3A_178 = vector.broadcast %parallel_loop3A_177 : f32 to vector<16xf32>
      %parallel_loop3A_179 = arith.mulf %parallel_loop3A_176, %parallel_loop3A_178 : vector<16xf32>
      %parallel_loop3A_180 = arith.index_cast %parallel_loop3A_156 : i32 to index
      %parallel_loop3A_181 = arith.constant 16 : index
      %parallel_loop3A_182 = tpu.vector_load %arg11[%parallel_loop3A_180, %parallel_loop3A_181] {strides = array<i32>} : memref<128x64xf32, #tpu.memory_space<vmem>>, vector<1x16xf32>,
      %parallel_loop3A_183 = vector.shape_cast %parallel_loop3A_182 : vector<1x16xf32> to vector<16xf32>
      %parallel_loop3A_184 = vector.shape_cast %parallel_loop3A_179 : vector<16xf32> to vector<1x16xf32>
      tpu.vector_store %arg11[%parallel_loop3A_180, %parallel_loop3A_181], %parallel_loop3A_184 {strides = array<i32>} : memref<128x64xf32, #tpu.memory_space<vmem>>, vector<1x16xf32>,
      %parallel_loop3A_185 = arith.constant 0 : i32
      %parallel_loop3A_186 = arith.addi %parallel_loop3A_185, %parallel_loop3A_156 : i32
      %parallel_loop3A_187 = arith.index_cast %parallel_loop3A_186 : i32 to index
      %parallel_loop3A_188 = arith.constant 32 : index
      %parallel_loop3A_189 = tpu.vector_load %arg8[%parallel_loop3A_187, %parallel_loop3A_188] {strides = array<i32>} : memref<256x128xf32, #tpu.memory_space<vmem>>, vector<1x16xf32>,
      %parallel_loop3A_190 = vector.shape_cast %parallel_loop3A_189 : vector<1x16xf32> to vector<16xf32>
      %parallel_loop3A_191 = arith.constant 8.000000e+00 : f32
      %parallel_loop3A_192 = vector.broadcast %parallel_loop3A_191 : f32 to vector<16xf32>
      %parallel_loop3A_193 = arith.mulf %parallel_loop3A_190, %parallel_loop3A_192 : vector<16xf32>
      %parallel_loop3A_194 = arith.index_cast %parallel_loop3A_156 : i32 to index
      %parallel_loop3A_195 = arith.constant 32 : index
      %parallel_loop3A_196 = tpu.vector_load %arg11[%parallel_loop3A_194, %parallel_loop3A_195] {strides = array<i32>} : memref<128x64xf32, #tpu.memory_space<vmem>>, vector<1x16xf32>,
      %parallel_loop3A_197 = vector.shape_cast %parallel_loop3A_196 : vector<1x16xf32> to vector<16xf32>
      %parallel_loop3A_198 = vector.shape_cast %parallel_loop3A_193 : vector<16xf32> to vector<1x16xf32>
      tpu.vector_store %arg11[%parallel_loop3A_194, %parallel_loop3A_195], %parallel_loop3A_198 {strides = array<i32>} : memref<128x64xf32, #tpu.memory_space<vmem>>, vector<1x16xf32>,
      %parallel_loop3A_199 = arith.constant 0 : i32
      %parallel_loop3A_200 = arith.addi %parallel_loop3A_199, %parallel_loop3A_156 : i32
      %parallel_loop3A_201 = arith.index_cast %parallel_loop3A_200 : i32 to index
      %parallel_loop3A_202 = arith.constant 48 : index
      %parallel_loop3A_203 = tpu.vector_load %arg8[%parallel_loop3A_201, %parallel_loop3A_202] {strides = array<i32>} : memref<256x128xf32, #tpu.memory_space<vmem>>, vector<1x16xf32>,
      %parallel_loop3A_204 = vector.shape_cast %parallel_loop3A_203 : vector<1x16xf32> to vector<16xf32>
      %parallel_loop3A_205 = arith.constant 8.000000e+00 : f32
      %parallel_loop3A_206 = vector.broadcast %parallel_loop3A_205 : f32 to vector<16xf32>
      %parallel_loop3A_207 = arith.mulf %parallel_loop3A_204, %parallel_loop3A_206 : vector<16xf32>
      %parallel_loop3A_208 = arith.index_cast %parallel_loop3A_156 : i32 to index
      %parallel_loop3A_209 = arith.constant 48 : index
      %parallel_loop3A_210 = tpu.vector_load %arg11[%parallel_loop3A_208, %parallel_loop3A_209] {strides = array<i32>} : memref<128x64xf32, #tpu.memory_space<vmem>>, vector<1x16xf32>,
      %parallel_loop3A_211 = vector.shape_cast %parallel_loop3A_210 : vector<1x16xf32> to vector<16xf32>
      %parallel_loop3A_212 = vector.shape_cast %parallel_loop3A_207 : vector<16xf32> to vector<1x16xf32>
      tpu.vector_store %arg11[%parallel_loop3A_208, %parallel_loop3A_209], %parallel_loop3A_212 {strides = array<i32>} : memref<128x64xf32, #tpu.memory_space<vmem>>, vector<1x16xf32>,
    } {sc.loop_unroll_factor = 8 : i64, sc.parallel_access}
    %mul3A_132 = arith.constant 99 : i32
    %mul3A_133 = arith.constant 256 : i32
    %mul3A_134 = arith.muli %mul3A_132, %mul3A_133 : i32
    %add3A_135 = arith.addi %mul3A_2, %mul3A_134 : i32
    %add3A_136 = arith.constant 0 : i32
    %add3A_137 = arith.addi %add3A_135, %add3A_136 : i32
    "tpu.region"() ({
      %run_scoped3A = tpu.sem_alloc : memref<!tpu.dma_semaphore, #tpu.memory_space<semaphore_mem>>
      %dma_start3A_156 = arith.constant 0 : i32
      %dma_start3A_157 = tpu.memref_slice %arg4[%add3A_137, %dma_start3A_156] : memref<819200x64xf32, #tpu.memory_space<hbm>> -> memref<128x64xf32, #tpu.memory_space<hbm>>
      %dma_start3A_158 = arith.constant 0 : i32
      %dma_start3A_159 = tpu.memref_slice %arg4[%add3A_137, %dma_start3A_158] : memref<819200x64xf32, #tpu.memory_space<hbm>> -> memref<128x64xf32, #tpu.memory_space<hbm>>
      tpu.enqueue_dma source(%arg11 : memref<128x64xf32, #tpu.memory_space<vmem>>) target(%dma_start3A_159 : memref<128x64xf32, #tpu.memory_space<hbm>>) target_semaphore(%run_scoped3A : memref<!tpu.dma_semaphore, #tpu.memory_space<semaphore_mem>>)
      %dma_wait3A_160 = arith.constant 0 : i32
      %dma_wait3A_161 = tpu.memref_slice %arg4[%add3A_137, %dma_wait3A_160] : memref<819200x64xf32, #tpu.memory_space<hbm>> -> memref<128x64xf32, #tpu.memory_space<hbm>>
      %dma_wait3A_162 = arith.constant 0 : i32
      %dma_wait3A_163 = tpu.memref_slice %arg4[%add3A_137, %dma_wait3A_162] : memref<819200x64xf32, #tpu.memory_space<hbm>> -> memref<128x64xf32, #tpu.memory_space<hbm>>
      tpu.wait_dma2 semaphore(%run_scoped3A : memref<!tpu.dma_semaphore, #tpu.memory_space<semaphore_mem>>) src(%arg11 : memref<128x64xf32, #tpu.memory_space<vmem>>) dst(%dma_wait3A_163 : memref<128x64xf32, #tpu.memory_space<hbm>>)
      tpu.yield
    }) : () -> ()
    %parallel_loop3A_138 = arith.constant 0 : i32
    %parallel_loop3A_139 = arith.constant 128 : i32
    %parallel_loop3A_140 = arith.constant 1 : i32
    scf.for %parallel_loop3A_156 = %parallel_loop3A_138 to %parallel_loop3A_139 step %parallel_loop3A_140  : i32 {
      %parallel_loop3A_157 = arith.constant 128 : i32
      %parallel_loop3A_158 = arith.addi %parallel_loop3A_157, %parallel_loop3A_156 : i32
      %parallel_loop3A_159 = arith.index_cast %parallel_loop3A_158 : i32 to index
      %parallel_loop3A_160 = arith.constant 0 : index
      %parallel_loop3A_161 = tpu.vector_load %arg8[%parallel_loop3A_159, %parallel_loop3A_160] {strides = array<i32>} : memref<256x128xf32, #tpu.memory_space<vmem>>, vector<1x16xf32>,
      %parallel_loop3A_162 = vector.shape_cast %parallel_loop3A_161 : vector<1x16xf32> to vector<16xf32>
      %parallel_loop3A_163 = arith.constant 8.000000e+00 : f32
      %parallel_loop3A_164 = vector.broadcast %parallel_loop3A_163 : f32 to vector<16xf32>
      %parallel_loop3A_165 = arith.mulf %parallel_loop3A_162, %parallel_loop3A_164 : vector<16xf32>
      %parallel_loop3A_166 = arith.index_cast %parallel_loop3A_156 : i32 to index
      %parallel_loop3A_167 = arith.constant 0 : index
      %parallel_loop3A_168 = tpu.vector_load %arg11[%parallel_loop3A_166, %parallel_loop3A_167] {strides = array<i32>} : memref<128x64xf32, #tpu.memory_space<vmem>>, vector<1x16xf32>,
      %parallel_loop3A_169 = vector.shape_cast %parallel_loop3A_168 : vector<1x16xf32> to vector<16xf32>
      %parallel_loop3A_170 = vector.shape_cast %parallel_loop3A_165 : vector<16xf32> to vector<1x16xf32>
      tpu.vector_store %arg11[%parallel_loop3A_166, %parallel_loop3A_167], %parallel_loop3A_170 {strides = array<i32>} : memref<128x64xf32, #tpu.memory_space<vmem>>, vector<1x16xf32>,
      %parallel_loop3A_171 = arith.constant 128 : i32
      %parallel_loop3A_172 = arith.addi %parallel_loop3A_171, %parallel_loop3A_156 : i32
      %parallel_loop3A_173 = arith.index_cast %parallel_loop3A_172 : i32 to index
      %parallel_loop3A_174 = arith.constant 16 : index
      %parallel_loop3A_175 = tpu.vector_load %arg8[%parallel_loop3A_173, %parallel_loop3A_174] {strides = array<i32>} : memref<256x128xf32, #tpu.memory_space<vmem>>, vector<1x16xf32>,
      %parallel_loop3A_176 = vector.shape_cast %parallel_loop3A_175 : vector<1x16xf32> to vector<16xf32>
      %parallel_loop3A_177 = arith.constant 8.000000e+00 : f32
      %parallel_loop3A_178 = vector.broadcast %parallel_loop3A_177 : f32 to vector<16xf32>
      %parallel_loop3A_179 = arith.mulf %parallel_loop3A_176, %parallel_loop3A_178 : vector<16xf32>
      %parallel_loop3A_180 = arith.index_cast %parallel_loop3A_156 : i32 to index
      %parallel_loop3A_181 = arith.constant 16 : index
      %parallel_loop3A_182 = tpu.vector_load %arg11[%parallel_loop3A_180, %parallel_loop3A_181] {strides = array<i32>} : memref<128x64xf32, #tpu.memory_space<vmem>>, vector<1x16xf32>,
      %parallel_loop3A_183 = vector.shape_cast %parallel_loop3A_182 : vector<1x16xf32> to vector<16xf32>
      %parallel_loop3A_184 = vector.shape_cast %parallel_loop3A_179 : vector<16xf32> to vector<1x16xf32>
      tpu.vector_store %arg11[%parallel_loop3A_180, %parallel_loop3A_181], %parallel_loop3A_184 {strides = array<i32>} : memref<128x64xf32, #tpu.memory_space<vmem>>, vector<1x16xf32>,
      %parallel_loop3A_185 = arith.constant 128 : i32
      %parallel_loop3A_186 = arith.addi %parallel_loop3A_185, %parallel_loop3A_156 : i32
      %parallel_loop3A_187 = arith.index_cast %parallel_loop3A_186 : i32 to index
      %parallel_loop3A_188 = arith.constant 32 : index
      %parallel_loop3A_189 = tpu.vector_load %arg8[%parallel_loop3A_187, %parallel_loop3A_188] {strides = array<i32>} : memref<256x128xf32, #tpu.memory_space<vmem>>, vector<1x16xf32>,
      %parallel_loop3A_190 = vector.shape_cast %parallel_loop3A_189 : vector<1x16xf32> to vector<16xf32>
      %parallel_loop3A_191 = arith.constant 8.000000e+00 : f32
      %parallel_loop3A_192 = vector.broadcast %parallel_loop3A_191 : f32 to vector<16xf32>
      %parallel_loop3A_193 = arith.mulf %parallel_loop3A_190, %parallel_loop3A_192 : vector<16xf32>
      %parallel_loop3A_194 = arith.index_cast %parallel_loop3A_156 : i32 to index
      %parallel_loop3A_195 = arith.constant 32 : index
      %parallel_loop3A_196 = tpu.vector_load %arg11[%parallel_loop3A_194, %parallel_loop3A_195] {strides = array<i32>} : memref<128x64xf32, #tpu.memory_space<vmem>>, vector<1x16xf32>,
      %parallel_loop3A_197 = vector.shape_cast %parallel_loop3A_196 : vector<1x16xf32> to vector<16xf32>
      %parallel_loop3A_198 = vector.shape_cast %parallel_loop3A_193 : vector<16xf32> to vector<1x16xf32>
      tpu.vector_store %arg11[%parallel_loop3A_194, %parallel_loop3A_195], %parallel_loop3A_198 {strides = array<i32>} : memref<128x64xf32, #tpu.memory_space<vmem>>, vector<1x16xf32>,
      %parallel_loop3A_199 = arith.constant 128 : i32
      %parallel_loop3A_200 = arith.addi %parallel_loop3A_199, %parallel_loop3A_156 : i32
      %parallel_loop3A_201 = arith.index_cast %parallel_loop3A_200 : i32 to index
      %parallel_loop3A_202 = arith.constant 48 : index
      %parallel_loop3A_203 = tpu.vector_load %arg8[%parallel_loop3A_201, %parallel_loop3A_202] {strides = array<i32>} : memref<256x128xf32, #tpu.memory_space<vmem>>, vector<1x16xf32>,
      %parallel_loop3A_204 = vector.shape_cast %parallel_loop3A_203 : vector<1x16xf32> to vector<16xf32>
      %parallel_loop3A_205 = arith.constant 8.000000e+00 : f32
      %parallel_loop3A_206 = vector.broadcast %parallel_loop3A_205 : f32 to vector<16xf32>
      %parallel_loop3A_207 = arith.mulf %parallel_loop3A_204, %parallel_loop3A_206 : vector<16xf32>
      %parallel_loop3A_208 = arith.index_cast %parallel_loop3A_156 : i32 to index
      %parallel_loop3A_209 = arith.constant 48 : index
      %parallel_loop3A_210 = tpu.vector_load %arg11[%parallel_loop3A_208, %parallel_loop3A_209] {strides = array<i32>} : memref<128x64xf32, #tpu.memory_space<vmem>>, vector<1x16xf32>,
      %parallel_loop3A_211 = vector.shape_cast %parallel_loop3A_210 : vector<1x16xf32> to vector<16xf32>
      %parallel_loop3A_212 = vector.shape_cast %parallel_loop3A_207 : vector<16xf32> to vector<1x16xf32>
      tpu.vector_store %arg11[%parallel_loop3A_208, %parallel_loop3A_209], %parallel_loop3A_212 {strides = array<i32>} : memref<128x64xf32, #tpu.memory_space<vmem>>, vector<1x16xf32>,
    } {sc.loop_unroll_factor = 8 : i64, sc.parallel_access}
    %add3A_141 = arith.constant 99 : i32
    %add3A_142 = arith.constant 3 : i32
    %add3A_143 = arith.addi %add3A_141, %add3A_142 : i32
    %lt3A_144 = arith.constant 100 : i32
    %lt3A_145 = arith.cmpi slt, %add3A_143, %lt3A_144 : i32
    %convert_element_type3A_146 = arith.extui %lt3A_145 : i1 to i32
    %cond3A_147 = arith.constant 99 : i32
    %cond3A_148 = arith.constant 0 : i32
    %cond3A_149 = arith.cmpi ne, %convert_element_type3A_146, %cond3A_148 : i32
    scf.if %cond3A_149 {
      %add3A_156 = arith.constant 3 : i32
      %add3A_157 = arith.addi %cond3A_147, %add3A_156 : i32
      %mul3A_158 = arith.constant 2 : i32
      %mul3A_159 = arith.muli %add3A_157, %mul3A_158 : i32
      %add3A_160 = arith.addi %mul3A_4, %mul3A_159 : i32
      %dma_wait3A_161 = arith.constant 0 : i32
      %dma_wait3A_162 = tpu.memref_slice %arg2[%add3A_160, %dma_wait3A_161] : memref<6400x128xi32, #tpu.memory_space<hbm>> -> memref<2x128xi32, #tpu.memory_space<hbm>>
      %dma_wait3A_163 = arith.constant 0 : i32
      %dma_wait3A_164 = tpu.memref_slice %arg2[%add3A_160, %dma_wait3A_163] : memref<6400x128xi32, #tpu.memory_space<hbm>> -> memref<2x128xi32, #tpu.memory_space<hbm>>
      tpu.wait_dma2 semaphore(%arg15 : memref<!tpu.dma_semaphore, #tpu.memory_space<semaphore_mem>>) src(%dma_wait3A_164 : memref<2x128xi32, #tpu.memory_space<hbm>>) dst(%arg5 : memref<2x128xi32, #tpu.memory_space<vmem>>)
      %dma_start3A_165 = arith.constant 0 : i32
      %dma_start3A_166 = arith.constant 0 : i32
      %dma_start3A_167 = arith.constant 0 : i32
      %dma_start3A_168 = tpu.memref_slice %arg8[%dma_start3A_166, %dma_start3A_167] : memref<256x128xf32, #tpu.memory_space<vmem>> -> memref<128x128xf32, #tpu.memory_space<vmem>>
      %dma_start3A_169 = arith.constant 0 : i32
      %dma_start3A_170 = tpu.memref_slice %arg5[%dma_start3A_165, %dma_start3A_169] : memref<2x128xi32, #tpu.memory_space<vmem>> -> memref<1x128xi32, #tpu.memory_space<vmem>>
      %dma_start3A_171 = tpu.memref_squeeze %dma_start3A_170 : memref<1x128xi32, #tpu.memory_space<vmem>> -> memref<128xi32, #tpu.memory_space<vmem>>
      %dma_start3A_172 = arith.constant 0 : i32
      %dma_start3A_173 = arith.constant 0 : i32
      %dma_start3A_174 = tpu.memref_slice %arg3[%dma_start3A_172, %dma_start3A_173] : memref<1000000x128xf32, #tpu.memory_space<hbm>> -> memref<1000000x128xf32, #tpu.memory_space<hbm>>
      tpu.enqueue_indirect_dma source(%dma_start3A_174 : memref<1000000x128xf32, #tpu.memory_space<hbm>>) target(%dma_start3A_168 : memref<128x128xf32, #tpu.memory_space<vmem>>) offsets(%dma_start3A_171 : memref<128xi32, #tpu.memory_space<vmem>>) semaphore(%arg12 : memref<!tpu.dma_semaphore, #tpu.memory_space<semaphore_mem>>)
      %dma_start3A_175 = arith.constant 1 : i32
      %dma_start3A_176 = arith.constant 128 : i32
      %dma_start3A_177 = arith.constant 0 : i32
      %dma_start3A_178 = tpu.memref_slice %arg8[%dma_start3A_176, %dma_start3A_177] : memref<256x128xf32, #tpu.memory_space<vmem>> -> memref<128x128xf32, #tpu.memory_space<vmem>>
      %dma_start3A_179 = arith.constant 0 : i32
      %dma_start3A_180 = tpu.memref_slice %arg5[%dma_start3A_175, %dma_start3A_179] : memref<2x128xi32, #tpu.memory_space<vmem>> -> memref<1x128xi32, #tpu.memory_space<vmem>>
      %dma_start3A_181 = tpu.memref_squeeze %dma_start3A_180 : memref<1x128xi32, #tpu.memory_space<vmem>> -> memref<128xi32, #tpu.memory_space<vmem>>
      %dma_start3A_182 = arith.constant 0 : i32
      %dma_start3A_183 = arith.constant 0 : i32
      %dma_start3A_184 = tpu.memref_slice %arg3[%dma_start3A_182, %dma_start3A_183] : memref<1000000x128xf32, #tpu.memory_space<hbm>> -> memref<1000000x128xf32, #tpu.memory_space<hbm>>
      tpu.enqueue_indirect_dma source(%dma_start3A_184 : memref<1000000x128xf32, #tpu.memory_space<hbm>>) target(%dma_start3A_178 : memref<128x128xf32, #tpu.memory_space<vmem>>) offsets(%dma_start3A_181 : memref<128xi32, #tpu.memory_space<vmem>>) semaphore(%arg12 : memref<!tpu.dma_semaphore, #tpu.memory_space<semaphore_mem>>)
    } else {
    }
    %mul3A_150 = arith.constant 99 : i32
    %mul3A_151 = arith.constant 256 : i32
    %mul3A_152 = arith.muli %mul3A_150, %mul3A_151 : i32
    %add3A_153 = arith.addi %mul3A_2, %mul3A_152 : i32
    %add3A_154 = arith.constant 128 : i32
    %add3A_155 = arith.addi %add3A_153, %add3A_154 : i32
    "tpu.region"() ({
      %run_scoped3A = tpu.sem_alloc : memref<!tpu.dma_semaphore, #tpu.memory_space<semaphore_mem>>
      %dma_start3A_156 = arith.constant 0 : i32
      %dma_start3A_157 = tpu.memref_slice %arg4[%add3A_155, %dma_start3A_156] : memref<819200x64xf32, #tpu.memory_space<hbm>> -> memref<128x64xf32, #tpu.memory_space<hbm>>
      %dma_start3A_158 = arith.constant 0 : i32
      %dma_start3A_159 = tpu.memref_slice %arg4[%add3A_155, %dma_start3A_158] : memref<819200x64xf32, #tpu.memory_space<hbm>> -> memref<128x64xf32, #tpu.memory_space<hbm>>
      tpu.enqueue_dma source(%arg11 : memref<128x64xf32, #tpu.memory_space<vmem>>) target(%dma_start3A_159 : memref<128x64xf32, #tpu.memory_space<hbm>>) target_semaphore(%run_scoped3A : memref<!tpu.dma_semaphore, #tpu.memory_space<semaphore_mem>>)
      %dma_wait3A_160 = arith.constant 0 : i32
      %dma_wait3A_161 = tpu.memref_slice %arg4[%add3A_155, %dma_wait3A_160] : memref<819200x64xf32, #tpu.memory_space<hbm>> -> memref<128x64xf32, #tpu.memory_space<hbm>>
      %dma_wait3A_162 = arith.constant 0 : i32
      %dma_wait3A_163 = tpu.memref_slice %arg4[%add3A_155, %dma_wait3A_162] : memref<819200x64xf32, #tpu.memory_space<hbm>> -> memref<128x64xf32, #tpu.memory_space<hbm>>
      tpu.wait_dma2 semaphore(%run_scoped3A : memref<!tpu.dma_semaphore, #tpu.memory_space<semaphore_mem>>) src(%arg11 : memref<128x64xf32, #tpu.memory_space<vmem>>) dst(%dma_wait3A_163 : memref<128x64xf32, #tpu.memory_space<hbm>>)
      tpu.yield
    }) : () -> ()
    return
  }
}

</mosaic_0001>

<sc_bundles>
// kernel: _emb.3.cloned.1.call-start
scs
__scs_entry_jumppad:
0x0: {  	(pc) =	sbr.rel $0x88, $3  }
0x1: {  	(tag) =	ssettag $0x0;
	lr =	simm.s32 $0x1  }
0x2: {  	[smem:$0x3F9F] =	sst lr;
	_ =	strace $0xD0000000  }
0x3: {  	_ = 	snop  }
0x4: {  	_ = 	snop  }
0x5: {  	_ = 	snop  }
0x6: {  	_ = 	snop  }
0x7: {  	_ = 	snop  }
__scs_overlays_trampoline_lowered:
0x8: {  	[smem:$0x3FAE] =	sst s0  }
0x9: {  	[smem:$0x3FAF] =	sst s1  }
0xa: {  	[smem:$0x3FB0] =	sst s2  }
0xb: {  	[smem:$0x3FB1] =	sst s3  }
0xc: {  	[smem:$0x3FB2] =	sst s4  }
0xd: {  	[smem:$0x3FB3] =	sst s5  }
0xe: {  	[smem:$0x3FB4] =	sst s6  }
0xf: {  	[smem:$0x3FB5] =	sst s7  }
0x10: {  	[smem:$0x3FB6] =	sst s8  }
0x11: {  	[smem:$0x3FB7] =	sst s9;
	s0 =	simm.s32 @!p0 $0x0  }
0x12: {  	s1 =	sld [smem:$0x3F9D];
	s0 =	simm.s32 @p0 $0x1  }
0x13: {  	[smem:$0x3FB8] =	sst s0;
	s0 =	simm.s32 @!p1 $0x0  }
0x14: {  	s2 =	sld [smem:$0x3F9C];
	s0 =	simm.s32 @p1 $0x1  }
0x15: {  	[smem:$0x3FB9] =	sst s0;
	s0 =	simm.s32 @!p2 $0x0  }
0x16: {  	s3 =	sld [smem:$0x3FDB];
	s0 =	simm.s32 @p2 $0x1  }
0x17: {  	s4 =	simm.s32 $0x1BF5;
	[smem:$0x3FBB] =	sst s0  }
0x18: {  	s0 =	sld [smem:$0x3F9E];
	_ =	swait.ge [sflag:s4], $0x0  }
0x19: {  	s7 =	sld [smem:$0x3F9F]  }
0x1a: {  	s8 =	sadd.s32 $0xFFFFE003, lr  }
0x1b: {  	s9 =	sadd.s32 $0xFFFFFEF7, lr;
	s5 =	simm.s32 $0xFFFFFFFF;
	p2 =	slt.u32 s8, $0xFFFFF086  }
0x1c: {  	p1 =	slt.u32 s9, $0xF7A;
	s5 =	simm.s32 @!p2 $0x0  }
0x1d: {  	s5 =	simm.s32 @p1 $0x1;
	p0 =	seq.s32 s7, s2  }
0x1e: {  	s7 =	smul.u32 @!p0 $0xF7A, s2;
	p2 =	seq.s32 @!p0 s5, $0x0  }
0x1f: {  	s9 =	smul.u32 $0xF7A, s1;
	s8 =	simm.s32 @!p0 $0x1BF5;
	p2 =	por !p2, p0  }
0x20: {  	[sflag:s8] =	ssyncset.s32 @!p0 $0xFFFFF086;
	s6 =	sadd.s32 @!p0 s3, s7;
	s7 =	simm.s32 @!p0 $0x108  }
0x21: {  	s3 =	sadd.s32 s3, s9;
	s6 =	sadd.s32 @!p0 $0x88, s6;
	s7 =	simm.s32 @p2 $0x1082  }
0x22: {  	[simem:s7], [sflag:s8] =	dma.local @!p0 [hbm:s6], $0xF7A  }
0x23: {  	s9 =	sor.u32 $0xD0000000, s2;
	s6 =	simm.s32 $0x108;
	_ =	swait.ge @!p0 [sflag:s8], $0x0  }
0x24: {  	s3 =	sadd.s32 $0x88, s3;
	s6 =	simm.s32 @!p1 $0x1082;
	[sflag:s4] =	ssyncset.s32 $0xFFFFF086  }
0x25: {  	[simem:s6], [sflag:s4] =	dma.local [hbm:s3], $0xF7A  }
0x26: {  	[smem:$0x3F9F] =	sst s1;
	(tag) =	ssettag s2;
	_ =	strace s9  }
0x27: {  	s1 =	sld [smem:$0x3FAF]  }
0x28: {  	s2 =	sld [smem:$0x3FB0]  }
0x29: {  	s4 =	sld [smem:$0x3FB2]  }
0x2a: {  	p0 =	seq.s32 s5, $0x0;
	s5 =	sld [smem:$0x3FB3]  }
0x2b: {  	s6 =	sld [smem:$0x3FB4]  }
0x2c: {  	s7 =	sld [smem:$0x3FB5]  }
0x2d: {  	s3 =	simm.s32 $0x108;
	s8 =	sld [smem:$0x3FB6]  }
0x2e: {  	s3 =	simm.s32 @!p0 $0x1082;
	s9 =	sld [smem:$0x3FB7]  }
0x2f: {  	lr =	sadd.s32 s0, s3;
	s0 =	sld [smem:$0x3FAE]  }
0x30: {  	s3 =	sld [smem:$0x3FB1]  }
0x31: {  	[smem:$0x3FBA] =	sst s10  }
0x32: {  	s10 =	sld [smem:$0x3FB8];
	_ =	sdelay $0x3  }
0x33: {  	p0 =	seq.s32 s10, $0x1;
	s10 =	sld [smem:$0x3FBA];
	_ =	sdelay $0x3  }
0x34: {  	[smem:$0x3FBA] =	sst s10  }
0x35: {  	s10 =	sld [smem:$0x3FB9];
	_ =	sdelay $0x3  }
0x36: {  	p1 =	seq.s32 s10, $0x1;
	s10 =	sld [smem:$0x3FBA];
	_ =	sdelay $0x3  }
0x37: {  	[smem:$0x3FBA] =	sst s10  }
0x38: {  	s10 =	sld [smem:$0x3FBB]  }
0x39: {  	_ = 	snop;
	(pc) =	sbr.ind lr, $3  }
0x3a: {  	_ = 	snop  }
0x3b: {  	_ = 	snop  }
0x3c: {  	p2 =	seq.s32 s10, $0x1;
	s10 =	sld [smem:$0x3FBA]  }
0x3d: {  	_ =	shalt  }
0x3e: {  	_ =	shalt  }
0x3f: {  	_ =	shalt  }
0x40: {  	_ =	shalt  }
0x41: {  	_ =	shalt  }
0x42: {  	_ =	shalt  }
0x43: {  	_ =	shalt  }
0x44: {  	_ =	shalt  }
0x45: {  	_ =	shalt  }
0x46: {  	_ =	shalt  }
0x47: {  	_ =	shalt  }
0x48: {  	_ =	shalt  }
0x49: {  	_ =	shalt  }
0x4a: {  	_ =	shalt  }
0x4b: {  	_ =	shalt  }
0x4c: {  	_ =	shalt  }
0x4d: {  	_ =	shalt  }
0x4e: {  	_ =	shalt  }
0x4f: {  	_ =	shalt  }
0x50: {  	_ =	shalt  }
0x51: {  	_ =	shalt  }
0x52: {  	_ =	shalt  }
0x53: {  	_ =	shalt  }
0x54: {  	_ =	shalt  }
0x55: {  	_ =	shalt  }
0x56: {  	_ =	shalt  }
0x57: {  	_ =	shalt  }
0x58: {  	_ =	shalt  }
0x59: {  	_ =	shalt  }
0x5a: {  	_ =	shalt  }
0x5b: {  	_ =	shalt  }
0x5c: {  	_ =	shalt  }
0x5d: {  	_ =	shalt  }
0x5e: {  	_ =	shalt  }
0x5f: {  	_ =	shalt  }
0x60: {  	_ =	shalt  }
0x61: {  	_ =	shalt  }
0x62: {  	_ =	shalt  }
0x63: {  	_ =	shalt  }
0x64: {  	_ =	shalt  }
0x65: {  	_ =	shalt  }
0x66: {  	_ =	shalt  }
0x67: {  	_ =	shalt  }
0x68: {  	_ =	shalt  }
0x69: {  	_ =	shalt  }
0x6a: {  	_ =	shalt  }
0x6b: {  	_ =	shalt  }
0x6c: {  	_ =	shalt  }
0x6d: {  	_ =	shalt  }
0x6e: {  	_ =	shalt  }
0x6f: {  	_ =	shalt  }
0x70: {  	_ =	shalt  }
0x71: {  	_ =	shalt  }
0x72: {  	_ =	shalt  }
0x73: {  	_ =	shalt  }
0x74: {  	_ =	shalt  }
0x75: {  	_ =	shalt  }
0x76: {  	_ =	shalt  }
0x77: {  	_ =	shalt  }
0x78: {  	_ =	shalt  }
0x79: {  	_ =	shalt  }
0x7a: {  	_ =	shalt  }
0x7b: {  	_ =	shalt  }
0x7c: {  	_ =	shalt  }
0x7d: {  	_ =	shalt  }
0x7e: {  	_ =	shalt  }
0x7f: {  	_ =	shalt  }
0x80: {  	_ =	shalt  }
0x81: {  	_ =	shalt  }
0x82: {  	_ =	shalt  }
0x83: {  	_ =	shalt  }
0x84: {  	_ =	shalt  }
0x85: {  	_ =	shalt  }
0x86: {  	_ =	shalt  }
0x87: {  	_ =	shalt  }
.Lfunc_end0:
.L_simem_size_0:
called_computation_lowered:
.L_overlay_start_0:
0x88: {  	s2 =	sld [smem:$0x3FD9]  }
0x89: {  	s3 =	sld [smem:$0x3FFE];
	_ =	sdelay $0x1  }
0x8a: {  	s1 =	srdreg.scid  }
0x8b: {  	s0 =	sand.u32 $0x1, s1  }
0x8c: {  	s17 =	sshll.u32 s0, $0xA;
	s2 =	sadd.s32 s3, s2  }
0x8d: {  	s2 =	sadd.s32 s2, s17  }
0x8e: {  	[smem:$0x3FC6] =	sst s2  }
0x8f: {  	_ = 	snop  }
0x90: {  	s2 =	sld [smem:$0x3FC9]  }
0x91: {  	s18 =	sld [smem:$0x3FC8];
	(tm) =	ssettm $0x1  }
0x92: {  	s4 =	sld [smem:$0x3FFB];
	_ =	sdelay $0x3  }
0x93: {  	_ =	strace s4  }
0x94: {  	s4 =	sld [smem:$0x3FFC];
	_ =	sdelay $0x3  }
0x95: {  	_ =	strace s4  }
0x96: {  	s4 =	sld [smem:$0x3FFD];
	_ =	sdelay $0x3  }
0x97: {  	_ =	strace s4  }
0x98: {  	_ =	strace $0x8FFFFFFF  }
0x99: {  	s19 =	sld [smem:$0x3FDB];
	_ =	sdelay $0x1  }
0x9a: {  	s5 =	simm.s32 $_scs_section_size  }
0x9b: {  	s6 =	simm.s32 $_size__tile_overlayer_lowered;
	s7 =	simm.s32 $_tile_overlayer_lowered  }
0x9c: {  	s22 =	simm.s32 $0x1BFF;
	s21 =	sshll.u32 s7, $0x1;
	s4 =	sadd.s32 s5, s19  }
0x9d: {  	s8 =	simm.s32 $0x0;
	s20 =	sshll.u32 s6, $0x1;
	s6 =	sadd.s32 s21, s4  }
0x9e: {  	[timem:s8], [sflag:s22] =	dma.local [hbm:s6], s20  }
0x9f: {  	_ =	swait.ge [sflag:s22], s20  }
0xa0: {  	s5 =	ssub.s32 $0x0, s20;
	[sflag:s22] =	ssyncset.done $0x0  }
0xa1: {  	[sflag:s22] =	ssyncadd.s32 s5;
	_ =	sdelay $0x1  }
0xa2: {  	s23 =	simm.s32 $0x1B8B  }
0xa3: {  	_ =	swait.ge [sflag:s23], $0x1  }
0xa4: {  	[sflag:s23] =	ssyncset.done $0x0  }
0xa5: {  	s25 =	simm.s32 $0x1B8E;
	s24 =	sld [smem:$0x3FFE];
	[sflag:s23] =	ssyncadd.s32 $0xFFFFFFFF  }
0xa6: {  	s26 =	simm.s32 $execute0_lowered;
	[smem:$0x3FD2] =	sst s25  }
0xa7: {  	s6 =	sshll.u32 s26, $0x1;
	_ =	strace $0x80000046;
	[dreg:$0x1] =	wrdreg $0xFFFFFFFF  }
0xa8: {  	s28 =	simm.s32 $_size_execute0_lowered;
	s4 =	sadd.s32 s4, s6;
	[dreg:$0x0] =	wrdreg $0x0  }
0xa9: {  	s6 =	sshll.u32 s28, $0x1;
	[dreg:$0x2] =	wrdreg s4  }
0xaa: {  	[dreg:$0x3] =	wrdreg s6  }
0xab: {  	[dreg:$0x4] =	wrdreg $0xC0  }
0xac: {  	_ =	task [dreg:s8], $0x5FFFF  }
0xad: {  	[dreg:$0x1] =	wrdreg $0xFFFFFFFF  }
0xae: {  	[dreg:$0x0] =	wrdreg $0x60  }
0xaf: {  	[dreg:$0x2] =	wrdreg s2  }
0xb0: {  	[dreg:$0x3] =	wrdreg s18  }
0xb1: {  	[dreg:$0x4] =	wrdreg s24  }
0xb2: {  	[dreg:$0x5] =	wrdreg $0x9  }
0xb3: {  	_ =	task.clear_ibuf [dreg:s8], $0x6FFFF;
	_ =	strace $0x90000046  }
0xb4: {  	s29 =	simm.s32 $0x9;
	_ =	strace $0x80000048  }
0xb5: {  	_ =	swait.ge [sflag:s29], $0x1  }
0xb6: {  	[sflag:s29] =	ssyncadd.s32 $0xFFFFFFFF  }
0xb7: {  	_ =	strace $0x90000048  }
0xb8: {  	_ =	sfence  }
0xb9: {  	s30 =	sld [smem:$0x0];
	_ =	sdelay $0x2  }
0xba: {  	s31 =	sshll.u32 s1, $0xD;
	s1 =	sshrl.u32 s1, $0x2  }
0xbb: {  	s3 =	sand.u32 $0x4000, s31;
	s1 =	sadd.s32 s1, s30  }
0xbc: {  	s0 =	sor.u32 s3, s0;
	s1 =	sshll.u32 s1, $0x11  }
0xbd: {  	s0 =	sor.u32 s1, s0  }
0xbe: {  	s0 =	sadd.s32 $0x8F2B, s0  }
0xbf: {  	[sflag:s0] =	ssyncadd.remote.s32 $0x1  }
0xc0: {  	_ =	sfence.sel $0xFFFF  }
0xc1: {  	[dreg:$0x0] =	wrdreg $0xFFFFFFFF;
	(pc) =	sbr.abs _section_cstart, $3  }
0xc2: {  	[dreg:$0x1] =	wrdreg $0xFFFFFFFF  }
0xc3: {  	_ =	task.clear_ibuf [dreg:s8], $0x2FFFF;
	_ =	strace $0x9FFFFFFF  }
0xc4: {  	(tm) =	ssettm $0x7FFFFFFF  }
0xc5: {  	_ =	shalt  }
tec
execute0_lowered:
.L_overlay_start_1:
0x0: {  	(tag) =	ssettag $0x1  }
0x1: {  	s1 =	rddreg [dreg:$0x0]  }
0x2: {  	s3 =	rddreg [dreg:$0x1]  }
0x3: {  	s0 =	rddreg [dreg:$0x2];
	s2 =	srdreg.scid  }
0x4: {  	s5 =	stileid.u32;
	s4 =	simm.s32 $0x0;
	s17 =	simm.s32 $0x4  }
0x5: {  	s18 =	simm.s32 $0x80;
	s19 =	simm.s32 $0x300;
	s20 =	simm.s32 $0x4300  }
0x6: {  	s22 =	simm.s32 $0x5;
	s2 =	sand.u32 $0x1, s2;
	s5 =	sshll.u32 s5, $0x1  }
0x7: {  	s28 =	simm.s32 $0x6;
	s23 =	simm.s32 $0x7;
	s8 =	sor.u32 s2, s5  }
0x8: {  	s24 =	simm.s32 $0x2;
	s29 =	simm.s32 $0x0;
	s7 =	smul.u32 $0xC80, s8  }
0x9: {  	[smem:$0x7FF] =	sst s4;
	s10 =	sadd.s32 $0xC00, s0;
	s6 =	smul.u32 $0x6400, s8  }
0xa: {  	_ =	strace $0x80000047;
	s2 =	ssub.s32 $0x2, s2;
	s11 =	smul.u32 $0x320000, s8  }
0xb: {  	s5 =	sadd.s32 $0x400, s0;
	s9 =	sshrl.u32 s2, $0x1;
	s8 =	smul.u32 $0xC8, s8  }
0xc: {  	s2 =	ssub.s32 s2, s9;
	s7 =	sadd.s32 s1, s7;
	s30 =	sshrl.u32 s11, $0x3  }
0xd: {  	s11 =	sadd.s32 $0x8, s8;
	s12 =	sor.u32 $0x100, s6;
	s13 =	sor.u32 $0x200, s6  }
0xe: {  	s16 =	smax.u32 s2, $0x1;
	s2 =	simm.s32 $0x18300;
	s25 =	sadd.s32 $0x20, s7  }
0xf: {  	s26 =	sadd.s32 $0x40, s7;
	s0 =	sadd.s32 s5, s30;
	[dreg:$0x4] =	wrdreg s25  }
0x10: {  	[dreg:$0x5] =	wrdreg s26;
	s31 =	sadd.s32 $0x63000, s0;
	s15 =	sadd.s32 $0x63800, s0  }
0x11: {  	s0 =	simm.s32 $0x1;
	s25 =	simm.s32 $0x3;
	[dreg:$0x6] =	wrdreg s31  }
.LBB2_1:
0x12: {  	[tilespmem:s4], [sflag:$0x4] =	stream.linear.gather [hbm4b:s7+s4], $0x100, $0x38;
	[tilespmem:$0x1C300] =	vst v63  }
0x13: {  	_ =	swait.ge [sflag:s17], $0x100  }
0x14: {  	[sflag:s17] =	ssyncset.done $0x0  }
0x15: {  	[sflag:s17] =	ssyncadd.s32 $0xFFFFFF00  }
0x16: {  	[tilespmem:s19], [sflag:$0x1] =	stream.indirect.gather [hbm4b:s3+s18], $0x80, s4, s18, $0xb8;
	[tilespmem:$0x1C300] =	vst v63  }
0x17: {  	_ = 	snop  }
0x18: {  	[tilespmem:s20], [sflag:$0x1] =	stream.indirect.gather [hbm4b:s3+s18], $0x80, s18, s18, $0xb8;
	[tilespmem:$0x1C300] =	vst v63  }
0x19: {  	s9 =	simm.s32 $0x100;
	s8 =	rddreg [dreg:$0x4]  }
0x1a: {  	[tilespmem:s9], [sflag:$0x5] =	stream.linear.gather [hbm4b:s8+s4], $0x100, $0x38;
	[tilespmem:$0x1C300] =	vst v63  }
0x1b: {  	_ =	swait.ge [sflag:s22], $0x100  }
0x1c: {  	[sflag:s22] =	ssyncset.done $0x0  }
0x1d: {  	s21 =	simm.s32 $0x8300;
	[sflag:s22] =	ssyncadd.s32 $0xFFFFFF00  }
0x1e: {  	[tilespmem:s21], [sflag:$0x2] =	stream.indirect.gather [hbm4b:s3+s18], $0x80, s9, s18, $0xb8;
	[tilespmem:$0x1C300] =	vst v63  }
0x1f: {  	s26 =	simm.s32 $0x180;
	s31 =	simm.s32 $0xC300  }
0x20: {  	[tilespmem:s31], [sflag:$0x2] =	stream.indirect.gather [hbm4b:s3+s18], $0x80, s26, s18, $0xb8;
	[tilespmem:$0x1C300] =	vst v63  }
0x21: {  	s14 =	simm.s32 $0x200;
	s9 =	rddreg [dreg:$0x5]  }
0x22: {  	[tilespmem:s14], [sflag:$0x6] =	stream.linear.gather [hbm4b:s9+s4], $0x100, $0x38;
	[tilespmem:$0x1C300] =	vst v63  }
0x23: {  	_ =	swait.ge [sflag:s28], $0x100  }
0x24: {  	[sflag:s28] =	ssyncset.done $0x0  }
0x25: {  	s21 =	simm.s32 $0x10300;
	[sflag:s28] =	ssyncadd.s32 $0xFFFFFF00  }
0x26: {  	[tilespmem:s21], [sflag:$0x3] =	stream.indirect.gather [hbm4b:s3+s18], $0x80, s14, s18, $0xb8;
	[tilespmem:$0x1C300] =	vst v63  }
0x27: {  	s30 =	simm.s32 $0x0;
	s26 =	simm.s32 $0x280;
	s31 =	simm.s32 $0x14300  }
0x28: {  	[tilespmem:s31], [sflag:$0x3] =	stream.indirect.gather [hbm4b:s3+s18], $0x80, s26, s18, $0xb8;
	[tilespmem:$0x1C300] =	vst v63  }
.LBB2_2:
0x29: {  	s31 =	smul.u32 $0x300, s30;
	_ =	sdelay $0x1  }
0x2a: {  	_ =	swait.ge [sflag:s0], $0x4000;
	s8 =	sadd.s32 $0x300, s31  }
0x2b: {  	[sflag:s0] =	ssyncset.done $0x0;
	s9 =	sadd.s32 s6, s8  }
0x2c: {  	[sflag:s0] =	ssyncadd.s32 $0xFFFFC000;
	s8 =	sand.u32 $0x300, s8;
	s9 =	sand.u32 $0x1FFC00, s9  }
0x2d: {  	_ =	swait.ge [sflag:s0], $0x4000;
	s8 =	sor.u32 s8, s9  }
0x2e: {  	[sflag:s0] =	ssyncset.done $0x0;
	s8 =	sshrl.u32 s8, $0x3  }
0x2f: {  	s21 =	simm.s32 $0x500;
	[sflag:s0] =	ssyncadd.s32 $0xFFFFC000;
	s8 =	sadd.s32 s1, s8  }
0x30: {  	[tilespmem:s4], [sflag:$0x4] =	stream.linear.gather [hbm4b:s8+s4], $0x100, $0x38;
	[tilespmem:$0x1C300] =	vst v63  }
0x31: {  	v0 =	vld [tilespmem:s21+$0x180]  }
0x32: {  	v1 =	vld [tilespmem:s21+$0xFFFFFE80]  }
0x33: {  	v2 =	vld [tilespmem:s21+$0xFFFFFF00]  }
0x34: {  	v3 =	vld [tilespmem:s21+$0xFFFFFF80]  }
0x35: {  	v4 =	vld [tilespmem:s21+$0x0]  }
0x36: {  	v5 =	vld [tilespmem:s21+$0x80];
	v0 =	vmul.f32 $8.000000000e+00, v0  }
0x37: {  	s26 =	simm.s32 $0x18500;
	v6 =	vld [tilespmem:s21+$0x100];
	v1 =	vmul.f32 $8.000000000e+00, v1  }
0x38: {  	v7 =	vld [tilespmem:s21+$0xFFFFFE00];
	v2 =	vmul.f32 $8.000000000e+00, v2;
	[tilespmem:s26+$0x180] =	vst v0  }
0x39: {  	[tilespmem:s26+$0xFFFFFE80] =	vst v1;
	v0 =	vmul.f32 $8.000000000e+00, v3;
	v1 =	vld [tilespmem:s21+$0x190]  }
0x3a: {  	[tilespmem:s26+$0xFFFFFF00] =	vst v2;
	v2 =	vmul.f32 $8.000000000e+00, v4;
	v3 =	vld [tilespmem:s21+$0xFFFFFE90]  }
0x3b: {  	v4 =	vld [tilespmem:s21+$0xFFFFFF10];
	[tilespmem:s26+$0xFFFFFF80] =	vst v0;
	v0 =	vmul.f32 $8.000000000e+00, v5  }
0x3c: {  	[tilespmem:s26+$0x0] =	vst v2;
	v2 =	vmul.f32 $8.000000000e+00, v6;
	v5 =	vld [tilespmem:s21+$0xFFFFFF90]  }
0x3d: {  	v6 =	vmul.f32 $8.000000000e+00, v7;
	v7 =	vld [tilespmem:s21+$0x10];
	[tilespmem:s26+$0x80] =	vst v0  }
0x3e: {  	[tilespmem:s26+$0x100] =	vst v2;
	v0 =	vld [tilespmem:s21+$0x90];
	v1 =	vmul.f32 $8.000000000e+00, v1  }
0x3f: {  	[tilespmem:s26+$0xFFFFFE00] =	vst v6;
	v2 =	vmul.f32 $8.000000000e+00, v3;
	v3 =	vld [tilespmem:s21+$0x110]  }
0x40: {  	v6 =	vld [tilespmem:s21+$0xFFFFFE10];
	v4 =	vmul.f32 $8.000000000e+00, v4;
	[tilespmem:s26+$0x190] =	vst v1  }
0x41: {  	[tilespmem:s26+$0xFFFFFE90] =	vst v2;
	v1 =	vmul.f32 $8.000000000e+00, v5;
	v2 =	vld [tilespmem:s21+$0x1A0]  }
0x42: {  	[tilespmem:s26+$0xFFFFFF10] =	vst v4;
	v4 =	vmul.f32 $8.000000000e+00, v7;
	v5 =	vld [tilespmem:s21+$0xFFFFFEA0]  }
0x43: {  	v7 =	vld [tilespmem:s21+$0xFFFFFF20];
	[tilespmem:s26+$0xFFFFFF90] =	vst v1;
	v0 =	vmul.f32 $8.000000000e+00, v0  }
0x44: {  	[tilespmem:s26+$0x10] =	vst v4;
	v1 =	vld [tilespmem:s21+$0xFFFFFFA0];
	v3 =	vmul.f32 $8.000000000e+00, v3  }
0x45: {  	v4 =	vmul.f32 $8.000000000e+00, v6;
	v6 =	vld [tilespmem:s21+$0x20];
	[tilespmem:s26+$0x90] =	vst v0  }
0x46: {  	v0 =	vld [tilespmem:s21+$0xA0];
	[tilespmem:s26+$0x110] =	vst v3;
	v2 =	vmul.f32 $8.000000000e+00, v2  }
0x47: {  	[tilespmem:s26+$0xFFFFFE10] =	vst v4;
	v3 =	vmul.f32 $8.000000000e+00, v5;
	v4 =	vld [tilespmem:s21+$0x120]  }
0x48: {  	v5 =	vld [tilespmem:s21+$0xFFFFFE20];
	v7 =	vmul.f32 $8.000000000e+00, v7;
	[tilespmem:s26+$0x1A0] =	vst v2  }
0x49: {  	[tilespmem:s26+$0xFFFFFEA0] =	vst v3;
	v1 =	vmul.f32 $8.000000000e+00, v1;
	v3 =	vld [tilespmem:s21+$0x1B0]  }
0x4a: {  	[tilespmem:s26+$0xFFFFFF20] =	vst v7;
	v2 =	vmul.f32 $8.000000000e+00, v6;
	v8 =	vld [tilespmem:s21+$0xFFFFFEB0]  }
0x4b: {  	v7 =	vld [tilespmem:s21+$0xFFFFFF30];
	[tilespmem:s26+$0xFFFFFFA0] =	vst v1;
	v1 =	vmul.f32 $8.000000000e+00, v0  }
0x4c: {  	[tilespmem:s26+$0x20] =	vst v2;
	v0 =	vld [tilespmem:s21+$0xFFFFFFB0];
	v4 =	vmul.f32 $8.000000000e+00, v4  }
0x4d: {  	v5 =	vmul.f32 $8.000000000e+00, v5;
	v2 =	vld [tilespmem:s21+$0x30];
	[tilespmem:s26+$0xA0] =	vst v1  }
0x4e: {  	v1 =	vld [tilespmem:s21+$0xB0];
	[tilespmem:s26+$0x120] =	vst v4;
	v9 =	vmul.f32 $8.000000000e+00, v3  }
0x4f: {  	[tilespmem:s26+$0xFFFFFE20] =	vst v5;
	v3 =	vld [tilespmem:s21+$0x130];
	v6 =	vmul.f32 $8.000000000e+00, v8  }
0x50: {  	s9 =	simm.s32 $0x900;
	s8 =	simm.s32 $0x0;
	v4 =	vld [tilespmem:s21+$0xFFFFFE30];
	v5 =	vmul.f32 $8.000000000e+00, v7;
	[tilespmem:s26+$0x1B0] =	vst v9  }
.LBB2_3:
0x51: {  	v7 =	vld [tilespmem:s9+$0x180];
	s8 =	sadd.s32 $0x8, s8;
	[tilespmem:s26+$0xFFFFFEB0] =	vst v6;
	v0 =	vmul.f32 $8.000000000e+00, v0  }
0x52: {  	v6 =	vld [tilespmem:s9+$0xFFFFFE80];
	p0 =	slt.u32 s8, $0x78;
	[tilespmem:s26+$0xFFFFFF30] =	vst v5;
	v2 =	vmul.f32 $8.000000000e+00, v2  }
0x53: {  	v5 =	vld [tilespmem:s9+$0xFFFFFF00];
	[tilespmem:s26+$0xFFFFFFB0] =	vst v0;
	v0 =	vmul.f32 $8.000000000e+00, v1  }
0x54: {  	v1 =	vld [tilespmem:s9+$0xFFFFFF80];
	[tilespmem:s26+$0x30] =	vst v2;
	v2 =	vmul.f32 $8.000000000e+00, v3  }
0x55: {  	v3 =	vld [tilespmem:s9+$0x0];
	v4 =	vmul.f32 $8.000000000e+00, v4;
	[tilespmem:s26+$0xB0] =	vst v0  }
0x56: {  	v0 =	vld [tilespmem:s9+$0x80];
	v7 =	vmul.f32 $8.000000000e+00, v7;
	[tilespmem:s26+$0x130] =	vst v2  }
0x57: {  	v2 =	vmul.f32 $8.000000000e+00, v6;
	v6 =	vld [tilespmem:s9+$0x100];
	[tilespmem:s26+$0xFFFFFE30] =	vst v4;
	s26 =	sadd.s32 $0x400, s26  }
0x58: {  	v4 =	vld [tilespmem:s9+$0xFFFFFE00];
	v5 =	vmul.f32 $8.000000000e+00, v5;
	[tilespmem:s26+$0x180] =	vst v7  }
0x59: {  	[tilespmem:s26+$0xFFFFFE80] =	vst v2;
	v1 =	vmul.f32 $8.000000000e+00, v1;
	v2 =	vld [tilespmem:s9+$0x190]  }
0x5a: {  	v7 =	vld [tilespmem:s9+$0xFFFFFE90];
	[tilespmem:s26+$0xFFFFFF00] =	vst v5;
	v3 =	vmul.f32 $8.000000000e+00, v3  }
0x5b: {  	v5 =	vld [tilespmem:s9+$0xFFFFFF10];
	[tilespmem:s26+$0xFFFFFF80] =	vst v1;
	v0 =	vmul.f32 $8.000000000e+00, v0  }
0x5c: {  	v1 =	vld [tilespmem:s9+$0xFFFFFF90];
	[tilespmem:s26+$0x0] =	vst v3;
	v3 =	vmul.f32 $8.000000000e+00, v6  }
0x5d: {  	v4 =	vmul.f32 $8.000000000e+00, v4;
	v6 =	vld [tilespmem:s9+$0x10];
	[tilespmem:s26+$0x80] =	vst v0  }
0x5e: {  	v0 =	vld [tilespmem:s9+$0x90];
	[tilespmem:s26+$0x100] =	vst v3;
	v2 =	vmul.f32 $8.000000000e+00, v2  }
0x5f: {  	[tilespmem:s26+$0xFFFFFE00] =	vst v4;
	v3 =	vmul.f32 $8.000000000e+00, v7;
	v4 =	vld [tilespmem:s9+$0x110]  }
0x60: {  	v7 =	vld [tilespmem:s9+$0xFFFFFE10];
	v5 =	vmul.f32 $8.000000000e+00, v5;
	[tilespmem:s26+$0x190] =	vst v2  }
0x61: {  	[tilespmem:s26+$0xFFFFFE90] =	vst v3;
	v1 =	vmul.f32 $8.000000000e+00, v1;
	v2 =	vld [tilespmem:s9+$0x1A0]  }
0x62: {  	v3 =	vld [tilespmem:s9+$0xFFFFFEA0];
	[tilespmem:s26+$0xFFFFFF10] =	vst v5;
	v5 =	vmul.f32 $8.000000000e+00, v6  }
0x63: {  	v6 =	vld [tilespmem:s9+$0xFFFFFF20];
	[tilespmem:s26+$0xFFFFFF90] =	vst v1;
	v0 =	vmul.f32 $8.000000000e+00, v0  }
0x64: {  	v1 =	vld [tilespmem:s9+$0xFFFFFFA0];
	[tilespmem:s26+$0x10] =	vst v5;
	v4 =	vmul.f32 $8.000000000e+00, v4  }
0x65: {  	v5 =	vmul.f32 $8.000000000e+00, v7;
	v7 =	vld [tilespmem:s9+$0x20];
	[tilespmem:s26+$0x90] =	vst v0  }
0x66: {  	v0 =	vld [tilespmem:s9+$0xA0];
	[tilespmem:s26+$0x110] =	vst v4;
	v2 =	vmul.f32 $8.000000000e+00, v2  }
0x67: {  	[tilespmem:s26+$0xFFFFFE10] =	vst v5;
	v3 =	vmul.f32 $8.000000000e+00, v3;
	v4 =	vld [tilespmem:s9+$0x120]  }
0x68: {  	v5 =	vld [tilespmem:s9+$0xFFFFFE20];
	v6 =	vmul.f32 $8.000000000e+00, v6;
	[tilespmem:s26+$0x1A0] =	vst v2  }
0x69: {  	[tilespmem:s26+$0xFFFFFEA0] =	vst v3;
	v1 =	vmul.f32 $8.000000000e+00, v1;
	v3 =	vld [tilespmem:s9+$0x1B0]  }
0x6a: {  	v8 =	vld [tilespmem:s9+$0xFFFFFEB0];
	[tilespmem:s26+$0xFFFFFF20] =	vst v6;
	v2 =	vmul.f32 $8.000000000e+00, v7  }
0x6b: {  	v7 =	vld [tilespmem:s9+$0xFFFFFF30];
	[tilespmem:s26+$0xFFFFFFA0] =	vst v1;
	v1 =	vmul.f32 $8.000000000e+00, v0  }
.Ltmp0:
0x6c: {  	v0 =	vld [tilespmem:s9+$0xFFFFFFB0];
	[tilespmem:s26+$0x20] =	vst v2;
	v4 =	vmul.f32 $8.000000000e+00, v4;
	(pc) =	sbr.rel @p0 .LBB2_3-.Ltmp0, $4  }
0x6d: {  	v5 =	vmul.f32 $8.000000000e+00, v5;
	v2 =	vld [tilespmem:s9+$0x30];
	[tilespmem:s26+$0xA0] =	vst v1  }
0x6e: {  	v1 =	vld [tilespmem:s9+$0xB0];
	[tilespmem:s26+$0x120] =	vst v4;
	v9 =	vmul.f32 $8.000000000e+00, v3  }
0x6f: {  	[tilespmem:s26+$0xFFFFFE20] =	vst v5;
	v6 =	vmul.f32 $8.000000000e+00, v8;
	v3 =	vld [tilespmem:s9+$0x130]  }
0x70: {  	v4 =	vld [tilespmem:s9+$0xFFFFFE30];
	v5 =	vmul.f32 $8.000000000e+00, v7;
	[tilespmem:s26+$0x1B0] =	vst v9;
	s9 =	sadd.s32 $0x400, s9  }
0x71: {  	[tilespmem:s26+$0xFFFFFEB0] =	vst v6;
	v0 =	vmul.f32 $8.000000000e+00, v0  }
0x72: {  	[tilespmem:s26+$0xFFFFFF30] =	vst v5;
	v2 =	vmul.f32 $8.000000000e+00, v2  }
0x73: {  	[tilespmem:s26+$0xFFFFFFB0] =	vst v0;
	v0 =	vmul.f32 $8.000000000e+00, v1  }
0x74: {  	[tilespmem:s26+$0x30] =	vst v2;
	v1 =	vmul.f32 $8.000000000e+00, v3  }
0x75: {  	s8 =	sadd.s32 s6, s31;
	v2 =	vmul.f32 $8.000000000e+00, v4;
	[tilespmem:s26+$0xB0] =	vst v0  }
0x76: {  	s21 =	sshll.u32 s8, $0x4;
	[tilespmem:s26+$0x130] =	vst v1  }
0x77: {  	s9 =	simm.s32 $0x0;
	s8 =	sadd.s32 s5, s21;
	[tilespmem:s26+$0xFFFFFE30] =	vst v2  }
0x78: {  	[hbm4b:s8+s9] =	stream.linear.scatter [tilespmem:s2], [sflag:$0x7], $0x4000, $0x38;
	[tilespmem:$0x1C300] =	vst v63  }
0x79: {  	_ =	swait.ge [sflag:s23], $0x4000  }
0x7a: {  	[sflag:s23] =	ssyncset.done $0x0  }
0x7b: {  	s26 =	simm.s32 $0x0;
	[sflag:s23] =	ssyncadd.s32 $0xFFFFC000  }
0x7c: {  	v0 =	vld [tilespmem:s26+$0x46B0]  }
0x7d: {  	v1 =	vld [tilespmem:s26+$0x4300]  }
0x7e: {  	v2 =	vld [tilespmem:s26+$0x4310]  }
0x7f: {  	v3 =	vld [tilespmem:s26+$0x4320]  }
0x80: {  	v4 =	vld [tilespmem:s26+$0x4330]  }
0x81: {  	v5 =	vld [tilespmem:s26+$0x4380];
	v0 =	vmul.f32 $8.000000000e+00, v0  }
0x82: {  	v6 =	vld [tilespmem:s26+$0x4390];
	v1 =	vmul.f32 $8.000000000e+00, v1  }
0x83: {  	v7 =	vld [tilespmem:s26+$0x43A0];
	v2 =	vmul.f32 $8.000000000e+00, v2;
	[tilespmem:s26+$0x186B0] =	vst v0  }
0x84: {  	[tilespmem:s26+$0x18300] =	vst v1;
	v0 =	vmul.f32 $8.000000000e+00, v3;
	v1 =	vld [tilespmem:s26+$0x43B0]  }
0x85: {  	[tilespmem:s26+$0x18310] =	vst v2;
	v2 =	vmul.f32 $8.000000000e+00, v4;
	v3 =	vld [tilespmem:s26+$0x4400]  }
0x86: {  	v4 =	vld [tilespmem:s26+$0x4410];
	[tilespmem:s26+$0x18320] =	vst v0;
	v0 =	vmul.f32 $8.000000000e+00, v5  }
0x87: {  	[tilespmem:s26+$0x18330] =	vst v2;
	v2 =	vmul.f32 $8.000000000e+00, v6;
	v5 =	vld [tilespmem:s26+$0x4420]  }
0x88: {  	v6 =	vld [tilespmem:s26+$0x4430];
	[tilespmem:s26+$0x18380] =	vst v0;
	v0 =	vmul.f32 $8.000000000e+00, v7  }
0x89: {  	[tilespmem:s26+$0x18390] =	vst v2;
	v2 =	vld [tilespmem:s26+$0x4480];
	v1 =	vmul.f32 $8.000000000e+00, v1  }
0x8a: {  	[tilespmem:s26+$0x183A0] =	vst v0;
	v0 =	vmul.f32 $8.000000000e+00, v3;
	v3 =	vld [tilespmem:s26+$0x4490]  }
0x8b: {  	[tilespmem:s26+$0x183B0] =	vst v1;
	v1 =	vmul.f32 $8.000000000e+00, v4;
	v4 =	vld [tilespmem:s26+$0x44A0]  }
0x8c: {  	[tilespmem:s26+$0x18400] =	vst v0;
	v0 =	vmul.f32 $8.000000000e+00, v5;
	v5 =	vld [tilespmem:s26+$0x44B0]  }
0x8d: {  	[tilespmem:s26+$0x18410] =	vst v1;
	v1 =	vmul.f32 $8.000000000e+00, v6;
	v6 =	vld [tilespmem:s26+$0x4500]  }
0x8e: {  	[tilespmem:s26+$0x18420] =	vst v0;
	v0 =	vmul.f32 $8.000000000e+00, v2;
	v2 =	vld [tilespmem:s26+$0x4510]  }
0x8f: {  	[tilespmem:s26+$0x18430] =	vst v1;
	v1 =	vmul.f32 $8.000000000e+00, v3;
	v3 =	vld [tilespmem:s26+$0x4520]  }
0x90: {  	[tilespmem:s26+$0x18480] =	vst v0;
	v0 =	vmul.f32 $8.000000000e+00, v4;
	v4 =	vld [tilespmem:s26+$0x4530]  }
0x91: {  	[tilespmem:s26+$0x18490] =	vst v1;
	v1 =	vmul.f32 $8.000000000e+00, v5;
	v5 =	vld [tilespmem:s26+$0x4580]  }
0x92: {  	[tilespmem:s26+$0x184A0] =	vst v0;
	v0 =	vmul.f32 $8.000000000e+00, v6;
	v6 =	vld [tilespmem:s26+$0x4590]  }
0x93: {  	[tilespmem:s26+$0x184B0] =	vst v1;
	v1 =	vmul.f32 $8.000000000e+00, v2;
	v2 =	vld [tilespmem:s26+$0x45A0]  }
0x94: {  	v7 =	vld [tilespmem:s26+$0x45B0];
	[tilespmem:s26+$0x18500] =	vst v0;
	v0 =	vmul.f32 $8.000000000e+00, v3  }
0x95: {  	[tilespmem:s26+$0x18510] =	vst v1;
	v1 =	vmul.f32 $8.000000000e+00, v4;
	v4 =	vld [tilespmem:s26+$0x4600]  }
0x96: {  	v3 =	vld [tilespmem:s26+$0x4610];
	[tilespmem:s26+$0x18520] =	vst v0;
	v5 =	vmul.f32 $8.000000000e+00, v5  }
0x97: {  	v0 =	vld [tilespmem:s26+$0x4620];
	[tilespmem:s26+$0x18530] =	vst v1;
	v6 =	vmul.f32 $8.000000000e+00, v6  }
0x98: {  	v1 =	vld [tilespmem:s26+$0x4630];
	[tilespmem:s26+$0x18580] =	vst v5;
	v5 =	vmul.f32 $8.000000000e+00, v2  }
0x99: {  	v2 =	vld [tilespmem:s26+$0x4680];
	[tilespmem:s26+$0x18590] =	vst v6;
	v6 =	vmul.f32 $8.000000000e+00, v7  }
0x9a: {  	s8 =	simm.s32 $0x0;
	s9 =	simm.s32 $0x1000;
	[tilespmem:s26+$0x185A0] =	vst v5;
	v5 =	vmul.f32 $8.000000000e+00, v4;
	v4 =	vld [tilespmem:s26+$0x4690]  }
.LBB2_5:
0x9b: {  	s14 =	sshra.s32 s9, $0x2;
	s8 =	sadd.s32 $0x8, s8;
	[tilespmem:s26+$0x185B0] =	vst v6;
	v3 =	vmul.f32 $8.000000000e+00, v3;
	v6 =	vld [tilespmem:s26+$0x46A0]  }
0x9c: {  	v7 =	vld [tilespmem:s14+$0x46B0];
	p0 =	slt.u32 s8, $0x78;
	[tilespmem:s26+$0x18600] =	vst v5;
	v0 =	vmul.f32 $8.000000000e+00, v0  }
0x9d: {  	v5 =	vld [tilespmem:s14+$0x4300];
	[tilespmem:s26+$0x18610] =	vst v3;
	v1 =	vmul.f32 $8.000000000e+00, v1  }
0x9e: {  	v3 =	vld [tilespmem:s14+$0x4310];
	[tilespmem:s26+$0x18620] =	vst v0;
	v0 =	vmul.f32 $8.000000000e+00, v2  }
0x9f: {  	v2 =	vld [tilespmem:s14+$0x4320];
	[tilespmem:s26+$0x18630] =	vst v1;
	v1 =	vmul.f32 $8.000000000e+00, v4  }
0xa0: {  	v4 =	vld [tilespmem:s14+$0x4330];
	[tilespmem:s26+$0x18680] =	vst v0;
	v0 =	vmul.f32 $8.000000000e+00, v6  }
0xa1: {  	v6 =	vld [tilespmem:s14+$0x4380];
	v7 =	vmul.f32 $8.000000000e+00, v7;
	[tilespmem:s26+$0x18690] =	vst v1  }
0xa2: {  	v1 =	vmul.f32 $8.000000000e+00, v5;
	v5 =	vld [tilespmem:s14+$0x4390];
	[tilespmem:s26+$0x186A0] =	vst v0;
	s26 =	smov.u32 s14  }
0xa3: {  	v0 =	vmul.f32 $8.000000000e+00, v3;
	v3 =	vld [tilespmem:s26+$0x43A0];
	[tilespmem:s26+$0x186B0] =	vst v7  }
0xa4: {  	[tilespmem:s26+$0x18300] =	vst v1;
	v1 =	vmul.f32 $8.000000000e+00, v2;
	v2 =	vld [tilespmem:s26+$0x43B0]  }
0xa5: {  	[tilespmem:s26+$0x18310] =	vst v0;
	v0 =	vmul.f32 $8.000000000e+00, v4;
	v4 =	vld [tilespmem:s26+$0x4400]  }
0xa6: {  	[tilespmem:s26+$0x18320] =	vst v1;
	v1 =	vmul.f32 $8.000000000e+00, v6;
	v6 =	vld [tilespmem:s26+$0x4410]  }
0xa7: {  	[tilespmem:s26+$0x18330] =	vst v0;
	v0 =	vmul.f32 $8.000000000e+00, v5;
	v5 =	vld [tilespmem:s26+$0x4420]  }
0xa8: {  	[tilespmem:s26+$0x18380] =	vst v1;
	v1 =	vmul.f32 $8.000000000e+00, v3;
	v3 =	vld [tilespmem:s26+$0x4430]  }
0xa9: {  	[tilespmem:s26+$0x18390] =	vst v0;
	v0 =	vmul.f32 $8.000000000e+00, v2;
	v2 =	vld [tilespmem:s26+$0x4480]  }
0xaa: {  	[tilespmem:s26+$0x183A0] =	vst v1;
	v1 =	vmul.f32 $8.000000000e+00, v4;
	v4 =	vld [tilespmem:s26+$0x4490]  }
0xab: {  	[tilespmem:s26+$0x183B0] =	vst v0;
	v0 =	vmul.f32 $8.000000000e+00, v6;
	v6 =	vld [tilespmem:s26+$0x44A0]  }
0xac: {  	[tilespmem:s26+$0x18400] =	vst v1;
	v1 =	vmul.f32 $8.000000000e+00, v5;
	v5 =	vld [tilespmem:s26+$0x44B0]  }
0xad: {  	[tilespmem:s26+$0x18410] =	vst v0;
	v0 =	vmul.f32 $8.000000000e+00, v3;
	v3 =	vld [tilespmem:s26+$0x4500]  }
0xae: {  	[tilespmem:s26+$0x18420] =	vst v1;
	v1 =	vmul.f32 $8.000000000e+00, v2;
	v2 =	vld [tilespmem:s26+$0x4510]  }
0xaf: {  	[tilespmem:s26+$0x18430] =	vst v0;
	v0 =	vmul.f32 $8.000000000e+00, v4;
	v4 =	vld [tilespmem:s26+$0x4520]  }
0xb0: {  	[tilespmem:s26+$0x18480] =	vst v1;
	v1 =	vmul.f32 $8.000000000e+00, v6;
	v6 =	vld [tilespmem:s26+$0x4530]  }
0xb1: {  	[tilespmem:s26+$0x18490] =	vst v0;
	v0 =	vmul.f32 $8.000000000e+00, v5;
	v5 =	vld [tilespmem:s26+$0x4580]  }
0xb2: {  	[tilespmem:s26+$0x184A0] =	vst v1;
	v1 =	vmul.f32 $8.000000000e+00, v3;
	v7 =	vld [tilespmem:s26+$0x4590]  }
0xb3: {  	[tilespmem:s26+$0x184B0] =	vst v0;
	v0 =	vmul.f32 $8.000000000e+00, v2;
	v2 =	vld [tilespmem:s26+$0x45A0]  }
0xb4: {  	[tilespmem:s26+$0x18500] =	vst v1;
	v1 =	vmul.f32 $8.000000000e+00, v4;
	v4 =	vld [tilespmem:s26+$0x45B0]  }
0xb5: {  	[tilespmem:s26+$0x18510] =	vst v0;
	v0 =	vmul.f32 $8.000000000e+00, v6;
	v8 =	vld [tilespmem:s26+$0x4600]  }
.Ltmp1:
0xb6: {  	[tilespmem:s26+$0x18520] =	vst v1;
	v1 =	vmul.f32 $8.000000000e+00, v5;
	v3 =	vld [tilespmem:s26+$0x4610];
	(pc) =	sbr.rel @p0 .LBB2_5-.Ltmp1, $4  }
0xb7: {  	[tilespmem:s26+$0x18530] =	vst v0;
	v5 =	vmul.f32 $8.000000000e+00, v7;
	v0 =	vld [tilespmem:s26+$0x4620]  }
0xb8: {  	[tilespmem:s26+$0x18580] =	vst v1;
	v7 =	vmul.f32 $8.000000000e+00, v2;
	v1 =	vld [tilespmem:s26+$0x4630]  }
0xb9: {  	[tilespmem:s26+$0x18590] =	vst v5;
	v6 =	vmul.f32 $8.000000000e+00, v4;
	v2 =	vld [tilespmem:s26+$0x4680]  }
0xba: {  	s9 =	sadd.s32 $0x1000, s9;
	[tilespmem:s26+$0x185A0] =	vst v7;
	v5 =	vmul.f32 $8.000000000e+00, v8;
	v4 =	vld [tilespmem:s26+$0x4690]  }
0xbb: {  	[tilespmem:s26+$0x185B0] =	vst v6;
	v3 =	vmul.f32 $8.000000000e+00, v3;
	v6 =	vld [tilespmem:s26+$0x46A0]  }
0xbc: {  	[tilespmem:s26+$0x18600] =	vst v5;
	v0 =	vmul.f32 $8.000000000e+00, v0  }
0xbd: {  	[tilespmem:s26+$0x18610] =	vst v3;
	v1 =	vmul.f32 $8.000000000e+00, v1  }
0xbe: {  	[tilespmem:s26+$0x18620] =	vst v0;
	v0 =	vmul.f32 $8.000000000e+00, v2  }
0xbf: {  	[tilespmem:s26+$0x18630] =	vst v1;
	v1 =	vmul.f32 $8.000000000e+00, v4  }
0xc0: {  	[tilespmem:s26+$0x18680] =	vst v0;
	v0 =	vmul.f32 $8.000000000e+00, v6  }
0xc1: {  	[tilespmem:s26+$0x18690] =	vst v1  }
0xc2: {  	[tilespmem:s26+$0x186A0] =	vst v0  }
0xc3: {  	_ =	swait.ge [sflag:s17], $0x100  }
0xc4: {  	[sflag:s17] =	ssyncset.done $0x0  }
0xc5: {  	[sflag:s17] =	ssyncadd.s32 $0xFFFFFF00  }
0xc6: {  	[tilespmem:s19], [sflag:$0x1] =	stream.indirect.gather [hbm4b:s3+s18], $0x80, s4, s18, $0xb8;
	[tilespmem:$0x1C300] =	vst v63  }
0xc7: {  	_ = 	snop  }
0xc8: {  	[tilespmem:s20], [sflag:$0x1] =	stream.indirect.gather [hbm4b:s3+s18], $0x80, s18, s18, $0xb8;
	[tilespmem:$0x1C300] =	vst v63  }
0xc9: {  	s8 =	sadd.s32 s21, s10  }
0xca: {  	[hbm4b:s8+s4] =	stream.linear.scatter [tilespmem:s2], [sflag:$0x7], $0x4000, $0x38;
	[tilespmem:$0x1C300] =	vst v63  }
0xcb: {  	p0 =	seq.s32 s30, $0x20;
	_ =	swait.ge [sflag:s23], $0x4000  }
0xcc: {  	s8 =	smul.u32 @!p0 $0x6, s30;
	[sflag:s23] =	ssyncset.done $0x0  }
0xcd: {  	[sflag:s23] =	ssyncadd.s32 $0xFFFFC000  }
0xce: {  	s8 =	sadd.s32 @!p0 s8, s11;
	_ =	swait.ge [sflag:s24], $0x4000  }
0xcf: {  	s8 =	sshll.u32 @!p0 s8, $0x7;
	[sflag:s24] =	ssyncset.done $0x0  }
0xd0: {  	s9 =	sand.u32 @!p0 $0x300, s31;
	s8 =	sand.u32 @!p0 $0x7FFFFC00, s8;
	[sflag:s24] =	ssyncadd.s32 $0xFFFFC000  }
0xd1: {  	s21 =	simm.s32 $0x8500;
	s8 =	sor.u32 @!p0 s9, s8;
	_ =	swait.ge [sflag:s24], $0x4000  }
0xd2: {  	s14 =	simm.s32 @!p0 $0x100;
	s8 =	sshrl.u32 @!p0 s8, $0x3;
	[sflag:s24] =	ssyncset.done $0x0  }
0xd3: {  	s9 =	simm.s32 @!p0 $0x0;
	s8 =	sadd.s32 @!p0 s1, s8;
	[sflag:s24] =	ssyncadd.s32 $0xFFFFC000  }
0xd4: {  	[tilespmem:s14], [sflag:$0x5] =	stream.linear.gather @!p0 [hbm4b:s8+s9], $0x100, $0x38;
	[tilespmem:$0x1C300] =	vst v63  }
0xd5: {  	v0 =	vld [tilespmem:s21+$0x180]  }
0xd6: {  	v1 =	vld [tilespmem:s21+$0xFFFFFE80]  }
0xd7: {  	v2 =	vld [tilespmem:s21+$0xFFFFFF00]  }
0xd8: {  	v3 =	vld [tilespmem:s21+$0xFFFFFF80]  }
0xd9: {  	v4 =	vld [tilespmem:s21+$0x0]  }
0xda: {  	v5 =	vld [tilespmem:s21+$0x80];
	v0 =	vmul.f32 $8.000000000e+00, v0  }
0xdb: {  	s26 =	simm.s32 $0x18500;
	v6 =	vld [tilespmem:s21+$0x100];
	v1 =	vmul.f32 $8.000000000e+00, v1  }
0xdc: {  	v7 =	vld [tilespmem:s21+$0xFFFFFE00];
	v2 =	vmul.f32 $8.000000000e+00, v2;
	[tilespmem:s26+$0x180] =	vst v0  }
0xdd: {  	[tilespmem:s26+$0xFFFFFE80] =	vst v1;
	v0 =	vmul.f32 $8.000000000e+00, v3;
	v1 =	vld [tilespmem:s21+$0x190]  }
0xde: {  	[tilespmem:s26+$0xFFFFFF00] =	vst v2;
	v2 =	vmul.f32 $8.000000000e+00, v4;
	v3 =	vld [tilespmem:s21+$0xFFFFFE90]  }
0xdf: {  	v4 =	vld [tilespmem:s21+$0xFFFFFF10];
	[tilespmem:s26+$0xFFFFFF80] =	vst v0;
	v0 =	vmul.f32 $8.000000000e+00, v5  }
0xe0: {  	[tilespmem:s26+$0x0] =	vst v2;
	v2 =	vmul.f32 $8.000000000e+00, v6;
	v5 =	vld [tilespmem:s21+$0xFFFFFF90]  }
0xe1: {  	v6 =	vmul.f32 $8.000000000e+00, v7;
	v7 =	vld [tilespmem:s21+$0x10];
	[tilespmem:s26+$0x80] =	vst v0  }
0xe2: {  	[tilespmem:s26+$0x100] =	vst v2;
	v0 =	vld [tilespmem:s21+$0x90];
	v1 =	vmul.f32 $8.000000000e+00, v1  }
0xe3: {  	[tilespmem:s26+$0xFFFFFE00] =	vst v6;
	v2 =	vmul.f32 $8.000000000e+00, v3;
	v3 =	vld [tilespmem:s21+$0x110]  }
0xe4: {  	v6 =	vld [tilespmem:s21+$0xFFFFFE10];
	v4 =	vmul.f32 $8.000000000e+00, v4;
	[tilespmem:s26+$0x190] =	vst v1  }
0xe5: {  	[tilespmem:s26+$0xFFFFFE90] =	vst v2;
	v1 =	vmul.f32 $8.000000000e+00, v5;
	v2 =	vld [tilespmem:s21+$0x1A0]  }
0xe6: {  	[tilespmem:s26+$0xFFFFFF10] =	vst v4;
	v4 =	vmul.f32 $8.000000000e+00, v7;
	v5 =	vld [tilespmem:s21+$0xFFFFFEA0]  }
0xe7: {  	v7 =	vld [tilespmem:s21+$0xFFFFFF20];
	[tilespmem:s26+$0xFFFFFF90] =	vst v1;
	v0 =	vmul.f32 $8.000000000e+00, v0  }
0xe8: {  	[tilespmem:s26+$0x10] =	vst v4;
	v1 =	vld [tilespmem:s21+$0xFFFFFFA0];
	v3 =	vmul.f32 $8.000000000e+00, v3  }
0xe9: {  	v4 =	vmul.f32 $8.000000000e+00, v6;
	v6 =	vld [tilespmem:s21+$0x20];
	[tilespmem:s26+$0x90] =	vst v0  }
0xea: {  	v0 =	vld [tilespmem:s21+$0xA0];
	[tilespmem:s26+$0x110] =	vst v3;
	v2 =	vmul.f32 $8.000000000e+00, v2  }
0xeb: {  	[tilespmem:s26+$0xFFFFFE10] =	vst v4;
	v3 =	vmul.f32 $8.000000000e+00, v5;
	v4 =	vld [tilespmem:s21+$0x120]  }
0xec: {  	v5 =	vld [tilespmem:s21+$0xFFFFFE20];
	v7 =	vmul.f32 $8.000000000e+00, v7;
	[tilespmem:s26+$0x1A0] =	vst v2  }
0xed: {  	[tilespmem:s26+$0xFFFFFEA0] =	vst v3;
	v1 =	vmul.f32 $8.000000000e+00, v1;
	v3 =	vld [tilespmem:s21+$0x1B0]  }
0xee: {  	[tilespmem:s26+$0xFFFFFF20] =	vst v7;
	v2 =	vmul.f32 $8.000000000e+00, v6;
	v8 =	vld [tilespmem:s21+$0xFFFFFEB0]  }
0xef: {  	v7 =	vld [tilespmem:s21+$0xFFFFFF30];
	[tilespmem:s26+$0xFFFFFFA0] =	vst v1;
	v1 =	vmul.f32 $8.000000000e+00, v0  }
0xf0: {  	[tilespmem:s26+$0x20] =	vst v2;
	v0 =	vld [tilespmem:s21+$0xFFFFFFB0];
	v4 =	vmul.f32 $8.000000000e+00, v4  }
0xf1: {  	v5 =	vmul.f32 $8.000000000e+00, v5;
	v2 =	vld [tilespmem:s21+$0x30];
	[tilespmem:s26+$0xA0] =	vst v1  }
0xf2: {  	v1 =	vld [tilespmem:s21+$0xB0];
	[tilespmem:s26+$0x120] =	vst v4;
	v9 =	vmul.f32 $8.000000000e+00, v3  }
0xf3: {  	[tilespmem:s26+$0xFFFFFE20] =	vst v5;
	v3 =	vld [tilespmem:s21+$0x130];
	v6 =	vmul.f32 $8.000000000e+00, v8  }
0xf4: {  	s8 =	simm.s32 $0x0;
	s9 =	simm.s32 $0x8900;
	v4 =	vld [tilespmem:s21+$0xFFFFFE30];
	v5 =	vmul.f32 $8.000000000e+00, v7;
	[tilespmem:s26+$0x1B0] =	vst v9  }
.LBB2_7:
0xf5: {  	v7 =	vld [tilespmem:s9+$0x180];
	s8 =	sadd.s32 $0x8, s8;
	[tilespmem:s26+$0xFFFFFEB0] =	vst v6;
	v0 =	vmul.f32 $8.000000000e+00, v0  }
0xf6: {  	v6 =	vld [tilespmem:s9+$0xFFFFFE80];
	p1 =	slt.u32 s8, $0x78;
	[tilespmem:s26+$0xFFFFFF30] =	vst v5;
	v2 =	vmul.f32 $8.000000000e+00, v2  }
0xf7: {  	v5 =	vld [tilespmem:s9+$0xFFFFFF00];
	[tilespmem:s26+$0xFFFFFFB0] =	vst v0;
	v0 =	vmul.f32 $8.000000000e+00, v1  }
0xf8: {  	v1 =	vld [tilespmem:s9+$0xFFFFFF80];
	[tilespmem:s26+$0x30] =	vst v2;
	v2 =	vmul.f32 $8.000000000e+00, v3  }
0xf9: {  	v3 =	vld [tilespmem:s9+$0x0];
	v4 =	vmul.f32 $8.000000000e+00, v4;
	[tilespmem:s26+$0xB0] =	vst v0  }
0xfa: {  	v0 =	vld [tilespmem:s9+$0x80];
	v7 =	vmul.f32 $8.000000000e+00, v7;
	[tilespmem:s26+$0x130] =	vst v2  }
0xfb: {  	v2 =	vmul.f32 $8.000000000e+00, v6;
	v6 =	vld [tilespmem:s9+$0x100];
	[tilespmem:s26+$0xFFFFFE30] =	vst v4;
	s26 =	sadd.s32 $0x400, s26  }
0xfc: {  	v4 =	vld [tilespmem:s9+$0xFFFFFE00];
	v5 =	vmul.f32 $8.000000000e+00, v5;
	[tilespmem:s26+$0x180] =	vst v7  }
0xfd: {  	[tilespmem:s26+$0xFFFFFE80] =	vst v2;
	v1 =	vmul.f32 $8.000000000e+00, v1;
	v2 =	vld [tilespmem:s9+$0x190]  }
0xfe: {  	v7 =	vld [tilespmem:s9+$0xFFFFFE90];
	[tilespmem:s26+$0xFFFFFF00] =	vst v5;
	v3 =	vmul.f32 $8.000000000e+00, v3  }
0xff: {  	v5 =	vld [tilespmem:s9+$0xFFFFFF10];
	[tilespmem:s26+$0xFFFFFF80] =	vst v1;
	v0 =	vmul.f32 $8.000000000e+00, v0  }
0x100: {  	v1 =	vld [tilespmem:s9+$0xFFFFFF90];
	[tilespmem:s26+$0x0] =	vst v3;
	v3 =	vmul.f32 $8.000000000e+00, v6  }
0x101: {  	v4 =	vmul.f32 $8.000000000e+00, v4;
	v6 =	vld [tilespmem:s9+$0x10];
	[tilespmem:s26+$0x80] =	vst v0  }
0x102: {  	v0 =	vld [tilespmem:s9+$0x90];
	[tilespmem:s26+$0x100] =	vst v3;
	v2 =	vmul.f32 $8.000000000e+00, v2  }
0x103: {  	[tilespmem:s26+$0xFFFFFE00] =	vst v4;
	v3 =	vmul.f32 $8.000000000e+00, v7;
	v4 =	vld [tilespmem:s9+$0x110]  }
0x104: {  	v7 =	vld [tilespmem:s9+$0xFFFFFE10];
	v5 =	vmul.f32 $8.000000000e+00, v5;
	[tilespmem:s26+$0x190] =	vst v2  }
0x105: {  	[tilespmem:s26+$0xFFFFFE90] =	vst v3;
	v1 =	vmul.f32 $8.000000000e+00, v1;
	v2 =	vld [tilespmem:s9+$0x1A0]  }
0x106: {  	v3 =	vld [tilespmem:s9+$0xFFFFFEA0];
	[tilespmem:s26+$0xFFFFFF10] =	vst v5;
	v5 =	vmul.f32 $8.000000000e+00, v6  }
0x107: {  	v6 =	vld [tilespmem:s9+$0xFFFFFF20];
	[tilespmem:s26+$0xFFFFFF90] =	vst v1;
	v0 =	vmul.f32 $8.000000000e+00, v0  }
0x108: {  	v1 =	vld [tilespmem:s9+$0xFFFFFFA0];
	[tilespmem:s26+$0x10] =	vst v5;
	v4 =	vmul.f32 $8.000000000e+00, v4  }
0x109: {  	v5 =	vmul.f32 $8.000000000e+00, v7;
	v7 =	vld [tilespmem:s9+$0x20];
	[tilespmem:s26+$0x90] =	vst v0  }
0x10a: {  	v0 =	vld [tilespmem:s9+$0xA0];
	[tilespmem:s26+$0x110] =	vst v4;
	v2 =	vmul.f32 $8.000000000e+00, v2  }
0x10b: {  	[tilespmem:s26+$0xFFFFFE10] =	vst v5;
	v3 =	vmul.f32 $8.000000000e+00, v3;
	v4 =	vld [tilespmem:s9+$0x120]  }
0x10c: {  	v5 =	vld [tilespmem:s9+$0xFFFFFE20];
	v6 =	vmul.f32 $8.000000000e+00, v6;
	[tilespmem:s26+$0x1A0] =	vst v2  }
0x10d: {  	[tilespmem:s26+$0xFFFFFEA0] =	vst v3;
	v1 =	vmul.f32 $8.000000000e+00, v1;
	v3 =	vld [tilespmem:s9+$0x1B0]  }
0x10e: {  	v8 =	vld [tilespmem:s9+$0xFFFFFEB0];
	[tilespmem:s26+$0xFFFFFF20] =	vst v6;
	v2 =	vmul.f32 $8.000000000e+00, v7  }
0x10f: {  	v7 =	vld [tilespmem:s9+$0xFFFFFF30];
	[tilespmem:s26+$0xFFFFFFA0] =	vst v1;
	v1 =	vmul.f32 $8.000000000e+00, v0  }
.Ltmp2:
0x110: {  	v0 =	vld [tilespmem:s9+$0xFFFFFFB0];
	[tilespmem:s26+$0x20] =	vst v2;
	v4 =	vmul.f32 $8.000000000e+00, v4;
	(pc) =	sbr.rel @p1 .LBB2_7-.Ltmp2, $4  }
0x111: {  	v5 =	vmul.f32 $8.000000000e+00, v5;
	v2 =	vld [tilespmem:s9+$0x30];
	[tilespmem:s26+$0xA0] =	vst v1  }
0x112: {  	v1 =	vld [tilespmem:s9+$0xB0];
	[tilespmem:s26+$0x120] =	vst v4;
	v9 =	vmul.f32 $8.000000000e+00, v3  }
0x113: {  	[tilespmem:s26+$0xFFFFFE20] =	vst v5;
	v6 =	vmul.f32 $8.000000000e+00, v8;
	v3 =	vld [tilespmem:s9+$0x130]  }
0x114: {  	v4 =	vld [tilespmem:s9+$0xFFFFFE30];
	v5 =	vmul.f32 $8.000000000e+00, v7;
	[tilespmem:s26+$0x1B0] =	vst v9;
	s9 =	sadd.s32 $0x400, s9  }
0x115: {  	[tilespmem:s26+$0xFFFFFEB0] =	vst v6;
	v0 =	vmul.f32 $8.000000000e+00, v0  }
0x116: {  	[tilespmem:s26+$0xFFFFFF30] =	vst v5;
	v2 =	vmul.f32 $8.000000000e+00, v2  }
0x117: {  	[tilespmem:s26+$0xFFFFFFB0] =	vst v0;
	v0 =	vmul.f32 $8.000000000e+00, v1  }
0x118: {  	[tilespmem:s26+$0x30] =	vst v2;
	v1 =	vmul.f32 $8.000000000e+00, v3  }
0x119: {  	s8 =	sadd.s32 s31, s12;
	v2 =	vmul.f32 $8.000000000e+00, v4;
	[tilespmem:s26+$0xB0] =	vst v0  }
0x11a: {  	s21 =	sshll.u32 s8, $0x4;
	[tilespmem:s26+$0x130] =	vst v1  }
0x11b: {  	s9 =	simm.s32 $0x0;
	s8 =	sadd.s32 s5, s21;
	[tilespmem:s26+$0xFFFFFE30] =	vst v2  }
0x11c: {  	[hbm4b:s8+s9] =	stream.linear.scatter [tilespmem:s2], [sflag:$0x7], $0x4000, $0x38;
	[tilespmem:$0x1C300] =	vst v63  }
0x11d: {  	_ =	swait.ge [sflag:s23], $0x4000  }
0x11e: {  	[sflag:s23] =	ssyncset.done $0x0  }
0x11f: {  	s26 =	simm.s32 $0x0;
	[sflag:s23] =	ssyncadd.s32 $0xFFFFC000  }
0x120: {  	v0 =	vld [tilespmem:s26+$0xC6B0]  }
0x121: {  	v1 =	vld [tilespmem:s26+$0xC300]  }
0x122: {  	v2 =	vld [tilespmem:s26+$0xC310]  }
0x123: {  	v3 =	vld [tilespmem:s26+$0xC320]  }
0x124: {  	v4 =	vld [tilespmem:s26+$0xC330]  }
0x125: {  	v5 =	vld [tilespmem:s26+$0xC380];
	v0 =	vmul.f32 $8.000000000e+00, v0  }
0x126: {  	v6 =	vld [tilespmem:s26+$0xC390];
	v1 =	vmul.f32 $8.000000000e+00, v1  }
0x127: {  	v7 =	vld [tilespmem:s26+$0xC3A0];
	v2 =	vmul.f32 $8.000000000e+00, v2;
	[tilespmem:s26+$0x186B0] =	vst v0  }
0x128: {  	[tilespmem:s26+$0x18300] =	vst v1;
	v0 =	vmul.f32 $8.000000000e+00, v3;
	v1 =	vld [tilespmem:s26+$0xC3B0]  }
0x129: {  	[tilespmem:s26+$0x18310] =	vst v2;
	v2 =	vmul.f32 $8.000000000e+00, v4;
	v3 =	vld [tilespmem:s26+$0xC400]  }
0x12a: {  	v4 =	vld [tilespmem:s26+$0xC410];
	[tilespmem:s26+$0x18320] =	vst v0;
	v0 =	vmul.f32 $8.000000000e+00, v5  }
0x12b: {  	[tilespmem:s26+$0x18330] =	vst v2;
	v2 =	vmul.f32 $8.000000000e+00, v6;
	v5 =	vld [tilespmem:s26+$0xC420]  }
0x12c: {  	v6 =	vld [tilespmem:s26+$0xC430];
	[tilespmem:s26+$0x18380] =	vst v0;
	v0 =	vmul.f32 $8.000000000e+00, v7  }
0x12d: {  	[tilespmem:s26+$0x18390] =	vst v2;
	v2 =	vld [tilespmem:s26+$0xC480];
	v1 =	vmul.f32 $8.000000000e+00, v1  }
0x12e: {  	[tilespmem:s26+$0x183A0] =	vst v0;
	v0 =	vmul.f32 $8.000000000e+00, v3;
	v3 =	vld [tilespmem:s26+$0xC490]  }
0x12f: {  	[tilespmem:s26+$0x183B0] =	vst v1;
	v1 =	vmul.f32 $8.000000000e+00, v4;
	v4 =	vld [tilespmem:s26+$0xC4A0]  }
0x130: {  	[tilespmem:s26+$0x18400] =	vst v0;
	v0 =	vmul.f32 $8.000000000e+00, v5;
	v5 =	vld [tilespmem:s26+$0xC4B0]  }
0x131: {  	[tilespmem:s26+$0x18410] =	vst v1;
	v1 =	vmul.f32 $8.000000000e+00, v6;
	v6 =	vld [tilespmem:s26+$0xC500]  }
0x132: {  	[tilespmem:s26+$0x18420] =	vst v0;
	v0 =	vmul.f32 $8.000000000e+00, v2;
	v2 =	vld [tilespmem:s26+$0xC510]  }
0x133: {  	[tilespmem:s26+$0x18430] =	vst v1;
	v1 =	vmul.f32 $8.000000000e+00, v3;
	v3 =	vld [tilespmem:s26+$0xC520]  }
0x134: {  	[tilespmem:s26+$0x18480] =	vst v0;
	v0 =	vmul.f32 $8.000000000e+00, v4;
	v4 =	vld [tilespmem:s26+$0xC530]  }
0x135: {  	[tilespmem:s26+$0x18490] =	vst v1;
	v1 =	vmul.f32 $8.000000000e+00, v5;
	v5 =	vld [tilespmem:s26+$0xC580]  }
0x136: {  	[tilespmem:s26+$0x184A0] =	vst v0;
	v0 =	vmul.f32 $8.000000000e+00, v6;
	v6 =	vld [tilespmem:s26+$0xC590]  }
0x137: {  	[tilespmem:s26+$0x184B0] =	vst v1;
	v1 =	vmul.f32 $8.000000000e+00, v2;
	v2 =	vld [tilespmem:s26+$0xC5A0]  }
0x138: {  	v7 =	vld [tilespmem:s26+$0xC5B0];
	[tilespmem:s26+$0x18500] =	vst v0;
	v0 =	vmul.f32 $8.000000000e+00, v3  }
0x139: {  	[tilespmem:s26+$0x18510] =	vst v1;
	v1 =	vmul.f32 $8.000000000e+00, v4;
	v4 =	vld [tilespmem:s26+$0xC600]  }
0x13a: {  	v3 =	vld [tilespmem:s26+$0xC610];
	[tilespmem:s26+$0x18520] =	vst v0;
	v5 =	vmul.f32 $8.000000000e+00, v5  }
0x13b: {  	v0 =	vld [tilespmem:s26+$0xC620];
	[tilespmem:s26+$0x18530] =	vst v1;
	v6 =	vmul.f32 $8.000000000e+00, v6  }
0x13c: {  	v1 =	vld [tilespmem:s26+$0xC630];
	[tilespmem:s26+$0x18580] =	vst v5;
	v5 =	vmul.f32 $8.000000000e+00, v2  }
0x13d: {  	v2 =	vld [tilespmem:s26+$0xC680];
	[tilespmem:s26+$0x18590] =	vst v6;
	v6 =	vmul.f32 $8.000000000e+00, v7  }
0x13e: {  	s8 =	simm.s32 $0x0;
	s9 =	simm.s32 $0x1000;
	[tilespmem:s26+$0x185A0] =	vst v5;
	v5 =	vmul.f32 $8.000000000e+00, v4;
	v4 =	vld [tilespmem:s26+$0xC690]  }
.LBB2_9:
0x13f: {  	s14 =	sshra.s32 s9, $0x2;
	s8 =	sadd.s32 $0x8, s8;
	[tilespmem:s26+$0x185B0] =	vst v6;
	v3 =	vmul.f32 $8.000000000e+00, v3;
	v6 =	vld [tilespmem:s26+$0xC6A0]  }
0x140: {  	v7 =	vld [tilespmem:s14+$0xC6B0];
	p1 =	slt.u32 s8, $0x78;
	[tilespmem:s26+$0x18600] =	vst v5;
	v0 =	vmul.f32 $8.000000000e+00, v0  }
0x141: {  	v5 =	vld [tilespmem:s14+$0xC300];
	[tilespmem:s26+$0x18610] =	vst v3;
	v1 =	vmul.f32 $8.000000000e+00, v1  }
0x142: {  	v3 =	vld [tilespmem:s14+$0xC310];
	[tilespmem:s26+$0x18620] =	vst v0;
	v0 =	vmul.f32 $8.000000000e+00, v2  }
0x143: {  	v2 =	vld [tilespmem:s14+$0xC320];
	[tilespmem:s26+$0x18630] =	vst v1;
	v1 =	vmul.f32 $8.000000000e+00, v4  }
0x144: {  	v4 =	vld [tilespmem:s14+$0xC330];
	[tilespmem:s26+$0x18680] =	vst v0;
	v0 =	vmul.f32 $8.000000000e+00, v6  }
0x145: {  	v6 =	vld [tilespmem:s14+$0xC380];
	v7 =	vmul.f32 $8.000000000e+00, v7;
	[tilespmem:s26+$0x18690] =	vst v1  }
0x146: {  	v1 =	vmul.f32 $8.000000000e+00, v5;
	v5 =	vld [tilespmem:s14+$0xC390];
	[tilespmem:s26+$0x186A0] =	vst v0;
	s26 =	smov.u32 s14  }
0x147: {  	v0 =	vmul.f32 $8.000000000e+00, v3;
	v3 =	vld [tilespmem:s26+$0xC3A0];
	[tilespmem:s26+$0x186B0] =	vst v7  }
0x148: {  	[tilespmem:s26+$0x18300] =	vst v1;
	v1 =	vmul.f32 $8.000000000e+00, v2;
	v2 =	vld [tilespmem:s26+$0xC3B0]  }
0x149: {  	[tilespmem:s26+$0x18310] =	vst v0;
	v0 =	vmul.f32 $8.000000000e+00, v4;
	v4 =	vld [tilespmem:s26+$0xC400]  }
0x14a: {  	[tilespmem:s26+$0x18320] =	vst v1;
	v1 =	vmul.f32 $8.000000000e+00, v6;
	v6 =	vld [tilespmem:s26+$0xC410]  }
0x14b: {  	[tilespmem:s26+$0x18330] =	vst v0;
	v0 =	vmul.f32 $8.000000000e+00, v5;
	v5 =	vld [tilespmem:s26+$0xC420]  }
0x14c: {  	[tilespmem:s26+$0x18380] =	vst v1;
	v1 =	vmul.f32 $8.000000000e+00, v3;
	v3 =	vld [tilespmem:s26+$0xC430]  }
0x14d: {  	[tilespmem:s26+$0x18390] =	vst v0;
	v0 =	vmul.f32 $8.000000000e+00, v2;
	v2 =	vld [tilespmem:s26+$0xC480]  }
0x14e: {  	[tilespmem:s26+$0x183A0] =	vst v1;
	v1 =	vmul.f32 $8.000000000e+00, v4;
	v4 =	vld [tilespmem:s26+$0xC490]  }
0x14f: {  	[tilespmem:s26+$0x183B0] =	vst v0;
	v0 =	vmul.f32 $8.000000000e+00, v6;
	v6 =	vld [tilespmem:s26+$0xC4A0]  }
0x150: {  	[tilespmem:s26+$0x18400] =	vst v1;
	v1 =	vmul.f32 $8.000000000e+00, v5;
	v5 =	vld [tilespmem:s26+$0xC4B0]  }
0x151: {  	[tilespmem:s26+$0x18410] =	vst v0;
	v0 =	vmul.f32 $8.000000000e+00, v3;
	v3 =	vld [tilespmem:s26+$0xC500]  }
0x152: {  	[tilespmem:s26+$0x18420] =	vst v1;
	v1 =	vmul.f32 $8.000000000e+00, v2;
	v2 =	vld [tilespmem:s26+$0xC510]  }
0x153: {  	[tilespmem:s26+$0x18430] =	vst v0;
	v0 =	vmul.f32 $8.000000000e+00, v4;
	v4 =	vld [tilespmem:s26+$0xC520]  }
0x154: {  	[tilespmem:s26+$0x18480] =	vst v1;
	v1 =	vmul.f32 $8.000000000e+00, v6;
	v6 =	vld [tilespmem:s26+$0xC530]  }
0x155: {  	[tilespmem:s26+$0x18490] =	vst v0;
	v0 =	vmul.f32 $8.000000000e+00, v5;
	v5 =	vld [tilespmem:s26+$0xC580]  }
0x156: {  	[tilespmem:s26+$0x184A0] =	vst v1;
	v1 =	vmul.f32 $8.000000000e+00, v3;
	v7 =	vld [tilespmem:s26+$0xC590]  }
0x157: {  	[tilespmem:s26+$0x184B0] =	vst v0;
	v0 =	vmul.f32 $8.000000000e+00, v2;
	v2 =	vld [tilespmem:s26+$0xC5A0]  }
0x158: {  	[tilespmem:s26+$0x18500] =	vst v1;
	v1 =	vmul.f32 $8.000000000e+00, v4;
	v4 =	vld [tilespmem:s26+$0xC5B0]  }
0x159: {  	[tilespmem:s26+$0x18510] =	vst v0;
	v0 =	vmul.f32 $8.000000000e+00, v6;
	v8 =	vld [tilespmem:s26+$0xC600]  }
.Ltmp3:
0x15a: {  	[tilespmem:s26+$0x18520] =	vst v1;
	v1 =	vmul.f32 $8.000000000e+00, v5;
	v3 =	vld [tilespmem:s26+$0xC610];
	(pc) =	sbr.rel @p1 .LBB2_9-.Ltmp3, $4  }
0x15b: {  	[tilespmem:s26+$0x18530] =	vst v0;
	v5 =	vmul.f32 $8.000000000e+00, v7;
	v0 =	vld [tilespmem:s26+$0xC620]  }
0x15c: {  	[tilespmem:s26+$0x18580] =	vst v1;
	v7 =	vmul.f32 $8.000000000e+00, v2;
	v1 =	vld [tilespmem:s26+$0xC630]  }
0x15d: {  	[tilespmem:s26+$0x18590] =	vst v5;
	v6 =	vmul.f32 $8.000000000e+00, v4;
	v2 =	vld [tilespmem:s26+$0xC680]  }
0x15e: {  	s9 =	sadd.s32 $0x1000, s9;
	[tilespmem:s26+$0x185A0] =	vst v7;
	v5 =	vmul.f32 $8.000000000e+00, v8;
	v4 =	vld [tilespmem:s26+$0xC690]  }
0x15f: {  	[tilespmem:s26+$0x185B0] =	vst v6;
	v3 =	vmul.f32 $8.000000000e+00, v3;
	v6 =	vld [tilespmem:s26+$0xC6A0]  }
0x160: {  	[tilespmem:s26+$0x18600] =	vst v5;
	v0 =	vmul.f32 $8.000000000e+00, v0  }
0x161: {  	[tilespmem:s26+$0x18610] =	vst v3;
	v1 =	vmul.f32 $8.000000000e+00, v1  }
0x162: {  	[tilespmem:s26+$0x18620] =	vst v0;
	v0 =	vmul.f32 $8.000000000e+00, v2  }
0x163: {  	[tilespmem:s26+$0x18630] =	vst v1;
	v1 =	vmul.f32 $8.000000000e+00, v4  }
0x164: {  	[tilespmem:s26+$0x18680] =	vst v0;
	v0 =	vmul.f32 $8.000000000e+00, v6  }
0x165: {  	[tilespmem:s26+$0x18690] =	vst v1  }
0x166: {  	s8 =	simm.s32 @!p0 $0x5;
	[tilespmem:s26+$0x186A0] =	vst v0  }
0x167: {  	_ =	swait.ge @!p0 [sflag:s8], $0x100  }
0x168: {  	s9 =	simm.s32 @!p0 $0x100;
	[sflag:s8] =	ssyncset.done @!p0 $0x0  }
0x169: {  	s14 =	simm.s32 @!p0 $0x8300;
	[sflag:s8] =	ssyncadd.s32 @!p0 $0xFFFFFF00;
	s8 =	simm.s32 @!p0 $0x80  }
0x16a: {  	[tilespmem:s14], [sflag:$0x2] =	stream.indirect.gather @!p0 [hbm4b:s3+s8], $0x80, s9, s8, $0xb8;
	[tilespmem:$0x1C300] =	vst v63  }
0x16b: {  	s9 =	simm.s32 @!p0 $0x180;
	s14 =	simm.s32 @!p0 $0xC300  }
0x16c: {  	[tilespmem:s14], [sflag:$0x2] =	stream.indirect.gather @!p0 [hbm4b:s3+s8], $0x80, s9, s8, $0xb8;
	[tilespmem:$0x1C300] =	vst v63  }
0x16d: {  	s14 =	sand.u32 $0x1FFFF000, s21  }
0x16e: {  	s8 =	sadd.s32 s14, s10  }
0x16f: {  	[hbm4b:s8+s4] =	stream.linear.scatter [tilespmem:s2], [sflag:$0x7], $0x4000, $0x38;
	[tilespmem:$0x1C300] =	vst v63  }
0x170: {  	_ =	swait.ge [sflag:s23], $0x4000  }
0x171: {  	[sflag:s23] =	ssyncset.done $0x0  }
0x172: {  	[sflag:s23] =	ssyncadd.s32 $0xFFFFC000  }
0x173: {  	s8 =	sadd.s32 @!p0 $0x500, s31;
	_ =	swait.ge [sflag:s25], $0x4000  }
0x174: {  	s9 =	sadd.s32 @!p0 s6, s8;
	[sflag:s25] =	ssyncset.done $0x0  }
0x175: {  	s8 =	sand.u32 @!p0 $0x300, s8;
	s9 =	sand.u32 @!p0 $0x1FFC00, s9;
	[sflag:s25] =	ssyncadd.s32 $0xFFFFC000  }
0x176: {  	s21 =	simm.s32 $0x10500;
	s8 =	sor.u32 @!p0 s8, s9;
	_ =	swait.ge [sflag:s25], $0x4000  }
0x177: {  	s14 =	simm.s32 @!p0 $0x200;
	s8 =	sshrl.u32 @!p0 s8, $0x3;
	[sflag:s25] =	ssyncset.done $0x0  }
0x178: {  	s9 =	simm.s32 @!p0 $0x0;
	s8 =	sadd.s32 @!p0 s1, s8;
	[sflag:s25] =	ssyncadd.s32 $0xFFFFC000  }
0x179: {  	[tilespmem:s14], [sflag:$0x6] =	stream.linear.gather @!p0 [hbm4b:s8+s9], $0x100, $0x38;
	[tilespmem:$0x1C300] =	vst v63  }
0x17a: {  	v0 =	vld [tilespmem:s21+$0x180]  }
0x17b: {  	v1 =	vld [tilespmem:s21+$0xFFFFFE80]  }
0x17c: {  	v2 =	vld [tilespmem:s21+$0xFFFFFF00]  }
0x17d: {  	v3 =	vld [tilespmem:s21+$0xFFFFFF80]  }
0x17e: {  	v4 =	vld [tilespmem:s21+$0x0]  }
0x17f: {  	v5 =	vld [tilespmem:s21+$0x80];
	v0 =	vmul.f32 $8.000000000e+00, v0  }
0x180: {  	s26 =	simm.s32 $0x18500;
	v6 =	vld [tilespmem:s21+$0x100];
	v1 =	vmul.f32 $8.000000000e+00, v1  }
0x181: {  	v7 =	vld [tilespmem:s21+$0xFFFFFE00];
	v2 =	vmul.f32 $8.000000000e+00, v2;
	[tilespmem:s26+$0x180] =	vst v0  }
0x182: {  	[tilespmem:s26+$0xFFFFFE80] =	vst v1;
	v0 =	vmul.f32 $8.000000000e+00, v3;
	v1 =	vld [tilespmem:s21+$0x190]  }
0x183: {  	[tilespmem:s26+$0xFFFFFF00] =	vst v2;
	v2 =	vmul.f32 $8.000000000e+00, v4;
	v3 =	vld [tilespmem:s21+$0xFFFFFE90]  }
0x184: {  	v4 =	vld [tilespmem:s21+$0xFFFFFF10];
	[tilespmem:s26+$0xFFFFFF80] =	vst v0;
	v0 =	vmul.f32 $8.000000000e+00, v5  }
0x185: {  	[tilespmem:s26+$0x0] =	vst v2;
	v2 =	vmul.f32 $8.000000000e+00, v6;
	v5 =	vld [tilespmem:s21+$0xFFFFFF90]  }
0x186: {  	v6 =	vmul.f32 $8.000000000e+00, v7;
	v7 =	vld [tilespmem:s21+$0x10];
	[tilespmem:s26+$0x80] =	vst v0  }
0x187: {  	[tilespmem:s26+$0x100] =	vst v2;
	v0 =	vld [tilespmem:s21+$0x90];
	v1 =	vmul.f32 $8.000000000e+00, v1  }
0x188: {  	[tilespmem:s26+$0xFFFFFE00] =	vst v6;
	v2 =	vmul.f32 $8.000000000e+00, v3;
	v3 =	vld [tilespmem:s21+$0x110]  }
0x189: {  	v6 =	vld [tilespmem:s21+$0xFFFFFE10];
	v4 =	vmul.f32 $8.000000000e+00, v4;
	[tilespmem:s26+$0x190] =	vst v1  }
0x18a: {  	[tilespmem:s26+$0xFFFFFE90] =	vst v2;
	v1 =	vmul.f32 $8.000000000e+00, v5;
	v2 =	vld [tilespmem:s21+$0x1A0]  }
0x18b: {  	[tilespmem:s26+$0xFFFFFF10] =	vst v4;
	v4 =	vmul.f32 $8.000000000e+00, v7;
	v5 =	vld [tilespmem:s21+$0xFFFFFEA0]  }
0x18c: {  	v7 =	vld [tilespmem:s21+$0xFFFFFF20];
	[tilespmem:s26+$0xFFFFFF90] =	vst v1;
	v0 =	vmul.f32 $8.000000000e+00, v0  }
0x18d: {  	[tilespmem:s26+$0x10] =	vst v4;
	v1 =	vld [tilespmem:s21+$0xFFFFFFA0];
	v3 =	vmul.f32 $8.000000000e+00, v3  }
0x18e: {  	v4 =	vmul.f32 $8.000000000e+00, v6;
	v6 =	vld [tilespmem:s21+$0x20];
	[tilespmem:s26+$0x90] =	vst v0  }
0x18f: {  	v0 =	vld [tilespmem:s21+$0xA0];
	[tilespmem:s26+$0x110] =	vst v3;
	v2 =	vmul.f32 $8.000000000e+00, v2  }
0x190: {  	[tilespmem:s26+$0xFFFFFE10] =	vst v4;
	v3 =	vmul.f32 $8.000000000e+00, v5;
	v4 =	vld [tilespmem:s21+$0x120]  }
0x191: {  	v5 =	vld [tilespmem:s21+$0xFFFFFE20];
	v7 =	vmul.f32 $8.000000000e+00, v7;
	[tilespmem:s26+$0x1A0] =	vst v2  }
0x192: {  	[tilespmem:s26+$0xFFFFFEA0] =	vst v3;
	v1 =	vmul.f32 $8.000000000e+00, v1;
	v3 =	vld [tilespmem:s21+$0x1B0]  }
0x193: {  	[tilespmem:s26+$0xFFFFFF20] =	vst v7;
	v2 =	vmul.f32 $8.000000000e+00, v6;
	v8 =	vld [tilespmem:s21+$0xFFFFFEB0]  }
0x194: {  	v7 =	vld [tilespmem:s21+$0xFFFFFF30];
	[tilespmem:s26+$0xFFFFFFA0] =	vst v1;
	v1 =	vmul.f32 $8.000000000e+00, v0  }
0x195: {  	[tilespmem:s26+$0x20] =	vst v2;
	v0 =	vld [tilespmem:s21+$0xFFFFFFB0];
	v4 =	vmul.f32 $8.000000000e+00, v4  }
0x196: {  	v5 =	vmul.f32 $8.000000000e+00, v5;
	v2 =	vld [tilespmem:s21+$0x30];
	[tilespmem:s26+$0xA0] =	vst v1  }
0x197: {  	v1 =	vld [tilespmem:s21+$0xB0];
	[tilespmem:s26+$0x120] =	vst v4;
	v9 =	vmul.f32 $8.000000000e+00, v3  }
0x198: {  	[tilespmem:s26+$0xFFFFFE20] =	vst v5;
	v3 =	vld [tilespmem:s21+$0x130];
	v6 =	vmul.f32 $8.000000000e+00, v8  }
0x199: {  	s8 =	simm.s32 $0x0;
	s9 =	simm.s32 $0x10900;
	v4 =	vld [tilespmem:s21+$0xFFFFFE30];
	v5 =	vmul.f32 $8.000000000e+00, v7;
	[tilespmem:s26+$0x1B0] =	vst v9  }
.LBB2_11:
0x19a: {  	v7 =	vld [tilespmem:s9+$0x180];
	s8 =	sadd.s32 $0x8, s8;
	[tilespmem:s26+$0xFFFFFEB0] =	vst v6;
	v0 =	vmul.f32 $8.000000000e+00, v0  }
0x19b: {  	v6 =	vld [tilespmem:s9+$0xFFFFFE80];
	p1 =	slt.u32 s8, $0x78;
	[tilespmem:s26+$0xFFFFFF30] =	vst v5;
	v2 =	vmul.f32 $8.000000000e+00, v2  }
0x19c: {  	v5 =	vld [tilespmem:s9+$0xFFFFFF00];
	[tilespmem:s26+$0xFFFFFFB0] =	vst v0;
	v0 =	vmul.f32 $8.000000000e+00, v1  }
0x19d: {  	v1 =	vld [tilespmem:s9+$0xFFFFFF80];
	[tilespmem:s26+$0x30] =	vst v2;
	v2 =	vmul.f32 $8.000000000e+00, v3  }
0x19e: {  	v3 =	vld [tilespmem:s9+$0x0];
	v4 =	vmul.f32 $8.000000000e+00, v4;
	[tilespmem:s26+$0xB0] =	vst v0  }
0x19f: {  	v0 =	vld [tilespmem:s9+$0x80];
	v7 =	vmul.f32 $8.000000000e+00, v7;
	[tilespmem:s26+$0x130] =	vst v2  }
0x1a0: {  	v2 =	vmul.f32 $8.000000000e+00, v6;
	v6 =	vld [tilespmem:s9+$0x100];
	[tilespmem:s26+$0xFFFFFE30] =	vst v4;
	s26 =	sadd.s32 $0x400, s26  }
0x1a1: {  	v4 =	vld [tilespmem:s9+$0xFFFFFE00];
	v5 =	vmul.f32 $8.000000000e+00, v5;
	[tilespmem:s26+$0x180] =	vst v7  }
0x1a2: {  	[tilespmem:s26+$0xFFFFFE80] =	vst v2;
	v1 =	vmul.f32 $8.000000000e+00, v1;
	v2 =	vld [tilespmem:s9+$0x190]  }
0x1a3: {  	v7 =	vld [tilespmem:s9+$0xFFFFFE90];
	[tilespmem:s26+$0xFFFFFF00] =	vst v5;
	v3 =	vmul.f32 $8.000000000e+00, v3  }
0x1a4: {  	v5 =	vld [tilespmem:s9+$0xFFFFFF10];
	[tilespmem:s26+$0xFFFFFF80] =	vst v1;
	v0 =	vmul.f32 $8.000000000e+00, v0  }
0x1a5: {  	v1 =	vld [tilespmem:s9+$0xFFFFFF90];
	[tilespmem:s26+$0x0] =	vst v3;
	v3 =	vmul.f32 $8.000000000e+00, v6  }
0x1a6: {  	v4 =	vmul.f32 $8.000000000e+00, v4;
	v6 =	vld [tilespmem:s9+$0x10];
	[tilespmem:s26+$0x80] =	vst v0  }
0x1a7: {  	v0 =	vld [tilespmem:s9+$0x90];
	[tilespmem:s26+$0x100] =	vst v3;
	v2 =	vmul.f32 $8.000000000e+00, v2  }
0x1a8: {  	[tilespmem:s26+$0xFFFFFE00] =	vst v4;
	v3 =	vmul.f32 $8.000000000e+00, v7;
	v4 =	vld [tilespmem:s9+$0x110]  }
0x1a9: {  	v7 =	vld [tilespmem:s9+$0xFFFFFE10];
	v5 =	vmul.f32 $8.000000000e+00, v5;
	[tilespmem:s26+$0x190] =	vst v2  }
0x1aa: {  	[tilespmem:s26+$0xFFFFFE90] =	vst v3;
	v1 =	vmul.f32 $8.000000000e+00, v1;
	v2 =	vld [tilespmem:s9+$0x1A0]  }
0x1ab: {  	v3 =	vld [tilespmem:s9+$0xFFFFFEA0];
	[tilespmem:s26+$0xFFFFFF10] =	vst v5;
	v5 =	vmul.f32 $8.000000000e+00, v6  }
0x1ac: {  	v6 =	vld [tilespmem:s9+$0xFFFFFF20];
	[tilespmem:s26+$0xFFFFFF90] =	vst v1;
	v0 =	vmul.f32 $8.000000000e+00, v0  }
0x1ad: {  	v1 =	vld [tilespmem:s9+$0xFFFFFFA0];
	[tilespmem:s26+$0x10] =	vst v5;
	v4 =	vmul.f32 $8.000000000e+00, v4  }
0x1ae: {  	v5 =	vmul.f32 $8.000000000e+00, v7;
	v7 =	vld [tilespmem:s9+$0x20];
	[tilespmem:s26+$0x90] =	vst v0  }
0x1af: {  	v0 =	vld [tilespmem:s9+$0xA0];
	[tilespmem:s26+$0x110] =	vst v4;
	v2 =	vmul.f32 $8.000000000e+00, v2  }
0x1b0: {  	[tilespmem:s26+$0xFFFFFE10] =	vst v5;
	v3 =	vmul.f32 $8.000000000e+00, v3;
	v4 =	vld [tilespmem:s9+$0x120]  }
0x1b1: {  	v5 =	vld [tilespmem:s9+$0xFFFFFE20];
	v6 =	vmul.f32 $8.000000000e+00, v6;
	[tilespmem:s26+$0x1A0] =	vst v2  }
0x1b2: {  	[tilespmem:s26+$0xFFFFFEA0] =	vst v3;
	v1 =	vmul.f32 $8.000000000e+00, v1;
	v3 =	vld [tilespmem:s9+$0x1B0]  }
0x1b3: {  	v8 =	vld [tilespmem:s9+$0xFFFFFEB0];
	[tilespmem:s26+$0xFFFFFF20] =	vst v6;
	v2 =	vmul.f32 $8.000000000e+00, v7  }
0x1b4: {  	v7 =	vld [tilespmem:s9+$0xFFFFFF30];
	[tilespmem:s26+$0xFFFFFFA0] =	vst v1;
	v1 =	vmul.f32 $8.000000000e+00, v0  }
.Ltmp4:
0x1b5: {  	v0 =	vld [tilespmem:s9+$0xFFFFFFB0];
	[tilespmem:s26+$0x20] =	vst v2;
	v4 =	vmul.f32 $8.000000000e+00, v4;
	(pc) =	sbr.rel @p1 .LBB2_11-.Ltmp4, $4  }
0x1b6: {  	v5 =	vmul.f32 $8.000000000e+00, v5;
	v2 =	vld [tilespmem:s9+$0x30];
	[tilespmem:s26+$0xA0] =	vst v1  }
0x1b7: {  	v1 =	vld [tilespmem:s9+$0xB0];
	[tilespmem:s26+$0x120] =	vst v4;
	v9 =	vmul.f32 $8.000000000e+00, v3  }
0x1b8: {  	[tilespmem:s26+$0xFFFFFE20] =	vst v5;
	v6 =	vmul.f32 $8.000000000e+00, v8;
	v3 =	vld [tilespmem:s9+$0x130]  }
0x1b9: {  	v4 =	vld [tilespmem:s9+$0xFFFFFE30];
	v5 =	vmul.f32 $8.000000000e+00, v7;
	[tilespmem:s26+$0x1B0] =	vst v9;
	s9 =	sadd.s32 $0x400, s9  }
0x1ba: {  	[tilespmem:s26+$0xFFFFFEB0] =	vst v6;
	v0 =	vmul.f32 $8.000000000e+00, v0  }
0x1bb: {  	[tilespmem:s26+$0xFFFFFF30] =	vst v5;
	v2 =	vmul.f32 $8.000000000e+00, v2  }
0x1bc: {  	[tilespmem:s26+$0xFFFFFFB0] =	vst v0;
	v0 =	vmul.f32 $8.000000000e+00, v1  }
0x1bd: {  	[tilespmem:s26+$0x30] =	vst v2;
	v1 =	vmul.f32 $8.000000000e+00, v3  }
0x1be: {  	s8 =	sadd.s32 s31, s13;
	v2 =	vmul.f32 $8.000000000e+00, v4;
	[tilespmem:s26+$0xB0] =	vst v0  }
0x1bf: {  	s21 =	sshll.u32 s8, $0x4;
	[tilespmem:s26+$0x130] =	vst v1  }
0x1c0: {  	s9 =	simm.s32 $0x0;
	s8 =	sadd.s32 s5, s21;
	[tilespmem:s26+$0xFFFFFE30] =	vst v2  }
0x1c1: {  	[hbm4b:s8+s9] =	stream.linear.scatter [tilespmem:s2], [sflag:$0x7], $0x4000, $0x38;
	[tilespmem:$0x1C300] =	vst v63  }
0x1c2: {  	_ =	swait.ge [sflag:s23], $0x4000  }
0x1c3: {  	[sflag:s23] =	ssyncset.done $0x0  }
0x1c4: {  	s26 =	simm.s32 $0x0;
	[sflag:s23] =	ssyncadd.s32 $0xFFFFC000  }
0x1c5: {  	v0 =	vld [tilespmem:s26+$0x146B0]  }
0x1c6: {  	v1 =	vld [tilespmem:s26+$0x14300]  }
0x1c7: {  	v2 =	vld [tilespmem:s26+$0x14310]  }
0x1c8: {  	v3 =	vld [tilespmem:s26+$0x14320]  }
0x1c9: {  	v4 =	vld [tilespmem:s26+$0x14330]  }
0x1ca: {  	v5 =	vld [tilespmem:s26+$0x14380];
	v0 =	vmul.f32 $8.000000000e+00, v0  }
0x1cb: {  	v6 =	vld [tilespmem:s26+$0x14390];
	v1 =	vmul.f32 $8.000000000e+00, v1  }
0x1cc: {  	v7 =	vld [tilespmem:s26+$0x143A0];
	v2 =	vmul.f32 $8.000000000e+00, v2;
	[tilespmem:s26+$0x186B0] =	vst v0  }
0x1cd: {  	[tilespmem:s26+$0x18300] =	vst v1;
	v0 =	vmul.f32 $8.000000000e+00, v3;
	v1 =	vld [tilespmem:s26+$0x143B0]  }
0x1ce: {  	[tilespmem:s26+$0x18310] =	vst v2;
	v2 =	vmul.f32 $8.000000000e+00, v4;
	v3 =	vld [tilespmem:s26+$0x14400]  }
0x1cf: {  	v4 =	vld [tilespmem:s26+$0x14410];
	[tilespmem:s26+$0x18320] =	vst v0;
	v0 =	vmul.f32 $8.000000000e+00, v5  }
0x1d0: {  	[tilespmem:s26+$0x18330] =	vst v2;
	v2 =	vmul.f32 $8.000000000e+00, v6;
	v5 =	vld [tilespmem:s26+$0x14420]  }
0x1d1: {  	v6 =	vld [tilespmem:s26+$0x14430];
	[tilespmem:s26+$0x18380] =	vst v0;
	v0 =	vmul.f32 $8.000000000e+00, v7  }
0x1d2: {  	[tilespmem:s26+$0x18390] =	vst v2;
	v2 =	vld [tilespmem:s26+$0x14480];
	v1 =	vmul.f32 $8.000000000e+00, v1  }
0x1d3: {  	[tilespmem:s26+$0x183A0] =	vst v0;
	v0 =	vmul.f32 $8.000000000e+00, v3;
	v3 =	vld [tilespmem:s26+$0x14490]  }
0x1d4: {  	[tilespmem:s26+$0x183B0] =	vst v1;
	v1 =	vmul.f32 $8.000000000e+00, v4;
	v4 =	vld [tilespmem:s26+$0x144A0]  }
0x1d5: {  	[tilespmem:s26+$0x18400] =	vst v0;
	v0 =	vmul.f32 $8.000000000e+00, v5;
	v5 =	vld [tilespmem:s26+$0x144B0]  }
0x1d6: {  	[tilespmem:s26+$0x18410] =	vst v1;
	v1 =	vmul.f32 $8.000000000e+00, v6;
	v6 =	vld [tilespmem:s26+$0x14500]  }
0x1d7: {  	[tilespmem:s26+$0x18420] =	vst v0;
	v0 =	vmul.f32 $8.000000000e+00, v2;
	v2 =	vld [tilespmem:s26+$0x14510]  }
0x1d8: {  	[tilespmem:s26+$0x18430] =	vst v1;
	v1 =	vmul.f32 $8.000000000e+00, v3;
	v3 =	vld [tilespmem:s26+$0x14520]  }
0x1d9: {  	[tilespmem:s26+$0x18480] =	vst v0;
	v0 =	vmul.f32 $8.000000000e+00, v4;
	v4 =	vld [tilespmem:s26+$0x14530]  }
0x1da: {  	[tilespmem:s26+$0x18490] =	vst v1;
	v1 =	vmul.f32 $8.000000000e+00, v5;
	v5 =	vld [tilespmem:s26+$0x14580]  }
0x1db: {  	[tilespmem:s26+$0x184A0] =	vst v0;
	v0 =	vmul.f32 $8.000000000e+00, v6;
	v6 =	vld [tilespmem:s26+$0x14590]  }
0x1dc: {  	[tilespmem:s26+$0x184B0] =	vst v1;
	v1 =	vmul.f32 $8.000000000e+00, v2;
	v2 =	vld [tilespmem:s26+$0x145A0]  }
0x1dd: {  	v7 =	vld [tilespmem:s26+$0x145B0];
	[tilespmem:s26+$0x18500] =	vst v0;
	v0 =	vmul.f32 $8.000000000e+00, v3  }
0x1de: {  	[tilespmem:s26+$0x18510] =	vst v1;
	v1 =	vmul.f32 $8.000000000e+00, v4;
	v4 =	vld [tilespmem:s26+$0x14600]  }
0x1df: {  	v3 =	vld [tilespmem:s26+$0x14610];
	[tilespmem:s26+$0x18520] =	vst v0;
	v5 =	vmul.f32 $8.000000000e+00, v5  }
0x1e0: {  	v0 =	vld [tilespmem:s26+$0x14620];
	[tilespmem:s26+$0x18530] =	vst v1;
	v6 =	vmul.f32 $8.000000000e+00, v6  }
0x1e1: {  	v1 =	vld [tilespmem:s26+$0x14630];
	[tilespmem:s26+$0x18580] =	vst v5;
	v5 =	vmul.f32 $8.000000000e+00, v2  }
0x1e2: {  	v2 =	vld [tilespmem:s26+$0x14680];
	[tilespmem:s26+$0x18590] =	vst v6;
	v6 =	vmul.f32 $8.000000000e+00, v7  }
0x1e3: {  	s8 =	simm.s32 $0x0;
	s9 =	simm.s32 $0x1000;
	[tilespmem:s26+$0x185A0] =	vst v5;
	v5 =	vmul.f32 $8.000000000e+00, v4;
	v4 =	vld [tilespmem:s26+$0x14690]  }
.LBB2_13:
0x1e4: {  	s14 =	sshra.s32 s9, $0x2;
	s8 =	sadd.s32 $0x8, s8;
	[tilespmem:s26+$0x185B0] =	vst v6;
	v3 =	vmul.f32 $8.000000000e+00, v3;
	v6 =	vld [tilespmem:s26+$0x146A0]  }
0x1e5: {  	v7 =	vld [tilespmem:s14+$0x146B0];
	p1 =	slt.u32 s8, $0x78;
	[tilespmem:s26+$0x18600] =	vst v5;
	v0 =	vmul.f32 $8.000000000e+00, v0  }
0x1e6: {  	v5 =	vld [tilespmem:s14+$0x14300];
	[tilespmem:s26+$0x18610] =	vst v3;
	v1 =	vmul.f32 $8.000000000e+00, v1  }
0x1e7: {  	v3 =	vld [tilespmem:s14+$0x14310];
	[tilespmem:s26+$0x18620] =	vst v0;
	v0 =	vmul.f32 $8.000000000e+00, v2  }
0x1e8: {  	v2 =	vld [tilespmem:s14+$0x14320];
	[tilespmem:s26+$0x18630] =	vst v1;
	v1 =	vmul.f32 $8.000000000e+00, v4  }
0x1e9: {  	v4 =	vld [tilespmem:s14+$0x14330];
	[tilespmem:s26+$0x18680] =	vst v0;
	v0 =	vmul.f32 $8.000000000e+00, v6  }
0x1ea: {  	v6 =	vld [tilespmem:s14+$0x14380];
	v7 =	vmul.f32 $8.000000000e+00, v7;
	[tilespmem:s26+$0x18690] =	vst v1  }
0x1eb: {  	v1 =	vmul.f32 $8.000000000e+00, v5;
	v5 =	vld [tilespmem:s14+$0x14390];
	[tilespmem:s26+$0x186A0] =	vst v0;
	s26 =	smov.u32 s14  }
0x1ec: {  	v0 =	vmul.f32 $8.000000000e+00, v3;
	v3 =	vld [tilespmem:s26+$0x143A0];
	[tilespmem:s26+$0x186B0] =	vst v7  }
0x1ed: {  	[tilespmem:s26+$0x18300] =	vst v1;
	v1 =	vmul.f32 $8.000000000e+00, v2;
	v2 =	vld [tilespmem:s26+$0x143B0]  }
0x1ee: {  	[tilespmem:s26+$0x18310] =	vst v0;
	v0 =	vmul.f32 $8.000000000e+00, v4;
	v4 =	vld [tilespmem:s26+$0x14400]  }
0x1ef: {  	[tilespmem:s26+$0x18320] =	vst v1;
	v1 =	vmul.f32 $8.000000000e+00, v6;
	v6 =	vld [tilespmem:s26+$0x14410]  }
0x1f0: {  	[tilespmem:s26+$0x18330] =	vst v0;
	v0 =	vmul.f32 $8.000000000e+00, v5;
	v5 =	vld [tilespmem:s26+$0x14420]  }
0x1f1: {  	[tilespmem:s26+$0x18380] =	vst v1;
	v1 =	vmul.f32 $8.000000000e+00, v3;
	v3 =	vld [tilespmem:s26+$0x14430]  }
0x1f2: {  	[tilespmem:s26+$0x18390] =	vst v0;
	v0 =	vmul.f32 $8.000000000e+00, v2;
	v2 =	vld [tilespmem:s26+$0x14480]  }
0x1f3: {  	[tilespmem:s26+$0x183A0] =	vst v1;
	v1 =	vmul.f32 $8.000000000e+00, v4;
	v4 =	vld [tilespmem:s26+$0x14490]  }
0x1f4: {  	[tilespmem:s26+$0x183B0] =	vst v0;
	v0 =	vmul.f32 $8.000000000e+00, v6;
	v6 =	vld [tilespmem:s26+$0x144A0]  }
0x1f5: {  	[tilespmem:s26+$0x18400] =	vst v1;
	v1 =	vmul.f32 $8.000000000e+00, v5;
	v5 =	vld [tilespmem:s26+$0x144B0]  }
0x1f6: {  	[tilespmem:s26+$0x18410] =	vst v0;
	v0 =	vmul.f32 $8.000000000e+00, v3;
	v3 =	vld [tilespmem:s26+$0x14500]  }
0x1f7: {  	[tilespmem:s26+$0x18420] =	vst v1;
	v1 =	vmul.f32 $8.000000000e+00, v2;
	v2 =	vld [tilespmem:s26+$0x14510]  }
0x1f8: {  	[tilespmem:s26+$0x18430] =	vst v0;
	v0 =	vmul.f32 $8.000000000e+00, v4;
	v4 =	vld [tilespmem:s26+$0x14520]  }
0x1f9: {  	[tilespmem:s26+$0x18480] =	vst v1;
	v1 =	vmul.f32 $8.000000000e+00, v6;
	v6 =	vld [tilespmem:s26+$0x14530]  }
0x1fa: {  	[tilespmem:s26+$0x18490] =	vst v0;
	v0 =	vmul.f32 $8.000000000e+00, v5;
	v5 =	vld [tilespmem:s26+$0x14580]  }
0x1fb: {  	[tilespmem:s26+$0x184A0] =	vst v1;
	v1 =	vmul.f32 $8.000000000e+00, v3;
	v7 =	vld [tilespmem:s26+$0x14590]  }
0x1fc: {  	[tilespmem:s26+$0x184B0] =	vst v0;
	v0 =	vmul.f32 $8.000000000e+00, v2;
	v2 =	vld [tilespmem:s26+$0x145A0]  }
0x1fd: {  	[tilespmem:s26+$0x18500] =	vst v1;
	v1 =	vmul.f32 $8.000000000e+00, v4;
	v4 =	vld [tilespmem:s26+$0x145B0]  }
0x1fe: {  	[tilespmem:s26+$0x18510] =	vst v0;
	v0 =	vmul.f32 $8.000000000e+00, v6;
	v8 =	vld [tilespmem:s26+$0x14600]  }
.Ltmp5:
0x1ff: {  	[tilespmem:s26+$0x18520] =	vst v1;
	v1 =	vmul.f32 $8.000000000e+00, v5;
	v3 =	vld [tilespmem:s26+$0x14610];
	(pc) =	sbr.rel @p1 .LBB2_13-.Ltmp5, $4  }
0x200: {  	[tilespmem:s26+$0x18530] =	vst v0;
	v5 =	vmul.f32 $8.000000000e+00, v7;
	v0 =	vld [tilespmem:s26+$0x14620]  }
0x201: {  	[tilespmem:s26+$0x18580] =	vst v1;
	v7 =	vmul.f32 $8.000000000e+00, v2;
	v1 =	vld [tilespmem:s26+$0x14630]  }
0x202: {  	[tilespmem:s26+$0x18590] =	vst v5;
	v6 =	vmul.f32 $8.000000000e+00, v4;
	v2 =	vld [tilespmem:s26+$0x14680]  }
0x203: {  	s9 =	sadd.s32 $0x1000, s9;
	[tilespmem:s26+$0x185A0] =	vst v7;
	v5 =	vmul.f32 $8.000000000e+00, v8;
	v4 =	vld [tilespmem:s26+$0x14690]  }
0x204: {  	[tilespmem:s26+$0x185B0] =	vst v6;
	v3 =	vmul.f32 $8.000000000e+00, v3;
	v60 =	vld [tilespmem:s26+$0x146A0]  }
0x205: {  	[tilespmem:s26+$0x18600] =	vst v5;
	v0 =	vmul.f32 $8.000000000e+00, v0  }
0x206: {  	[tilespmem:s26+$0x18610] =	vst v3;
	v1 =	vmul.f32 $8.000000000e+00, v1  }
0x207: {  	[tilespmem:s26+$0x18620] =	vst v0;
	v61 =	vmul.f32 $8.000000000e+00, v2  }
0x208: {  	[tilespmem:s26+$0x18630] =	vst v1;
	v62 =	vmul.f32 $8.000000000e+00, v4  }
0x209: {  	[tilespmem:s26+$0x18680] =	vst v61;
	v63 =	vmul.f32 $8.000000000e+00, v60  }
0x20a: {  	[tilespmem:s26+$0x18690] =	vst v62  }
0x20b: {  	s8 =	simm.s32 @!p0 $0x6;
	[tilespmem:s26+$0x186A0] =	vst v63  }
0x20c: {  	_ =	swait.ge @!p0 [sflag:s8], $0x100  }
0x20d: {  	s9 =	simm.s32 @!p0 $0x200;
	[sflag:s8] =	ssyncset.done @!p0 $0x0  }
0x20e: {  	s14 =	simm.s32 @!p0 $0x10300;
	[sflag:s8] =	ssyncadd.s32 @!p0 $0xFFFFFF00;
	s8 =	simm.s32 @!p0 $0x80  }
0x20f: {  	[tilespmem:s14], [sflag:$0x3] =	stream.indirect.gather @!p0 [hbm4b:s3+s8], $0x80, s9, s8, $0xb8;
	[tilespmem:$0x1C300] =	vst v63  }
0x210: {  	s30 =	sadd.s32 $0x1, s30;
	s9 =	simm.s32 @!p0 $0x280;
	s14 =	simm.s32 @!p0 $0x14300  }
0x211: {  	[tilespmem:s14], [sflag:$0x3] =	stream.indirect.gather @!p0 [hbm4b:s3+s8], $0x80, s9, s8, $0xb8;
	[tilespmem:$0x1C300] =	vst v63  }
0x212: {  	s31 =	sand.u32 $0x1FFFF000, s21;
	p0 =	sne.s32 s30, $0x21  }
.Ltmp6:
0x213: {  	s8 =	sadd.s32 s31, s10;
	(pc) =	sbr.rel @p0 .LBB2_2-.Ltmp6, $4  }
0x214: {  	[hbm4b:s8+s4] =	stream.linear.scatter [tilespmem:s2], [sflag:$0x7], $0x4000, $0x38;
	[tilespmem:$0x1C300] =	vst v63  }
0x215: {  	_ =	swait.ge [sflag:s23], $0x4000  }
0x216: {  	[sflag:s23] =	ssyncset.done $0x0  }
0x217: {  	[sflag:s23] =	ssyncadd.s32 $0xFFFFC000  }
0x218: {  	_ =	swait.ge [sflag:s0], $0x4000  }
0x219: {  	[sflag:s0] =	ssyncset.done $0x0  }
0x21a: {  	[sflag:s0] =	ssyncadd.s32 $0xFFFFC000  }
0x21b: {  	_ =	swait.ge [sflag:s0], $0x4000  }
0x21c: {  	[sflag:s0] =	ssyncset.done $0x0  }
0x21d: {  	s9 =	simm.s32 $0x500;
	[sflag:s0] =	ssyncadd.s32 $0xFFFFC000  }
0x21e: {  	v0 =	vld [tilespmem:s9+$0x180]  }
0x21f: {  	v1 =	vld [tilespmem:s9+$0xFFFFFE80]  }
0x220: {  	v2 =	vld [tilespmem:s9+$0xFFFFFF00]  }
0x221: {  	v3 =	vld [tilespmem:s9+$0xFFFFFF80]  }
0x222: {  	v4 =	vld [tilespmem:s9+$0x0]  }
0x223: {  	v5 =	vld [tilespmem:s9+$0x80];
	v0 =	vmul.f32 $8.000000000e+00, v0  }
0x224: {  	s21 =	simm.s32 $0x18500;
	v6 =	vld [tilespmem:s9+$0x100];
	v1 =	vmul.f32 $8.000000000e+00, v1  }
0x225: {  	v7 =	vld [tilespmem:s9+$0xFFFFFE00];
	v2 =	vmul.f32 $8.000000000e+00, v2;
	[tilespmem:s21+$0x180] =	vst v0  }
0x226: {  	[tilespmem:s21+$0xFFFFFE80] =	vst v1;
	v0 =	vmul.f32 $8.000000000e+00, v3;
	v1 =	vld [tilespmem:s9+$0x190]  }
0x227: {  	[tilespmem:s21+$0xFFFFFF00] =	vst v2;
	v2 =	vmul.f32 $8.000000000e+00, v4;
	v3 =	vld [tilespmem:s9+$0xFFFFFE90]  }
0x228: {  	v4 =	vld [tilespmem:s9+$0xFFFFFF10];
	[tilespmem:s21+$0xFFFFFF80] =	vst v0;
	v0 =	vmul.f32 $8.000000000e+00, v5  }
0x229: {  	[tilespmem:s21+$0x0] =	vst v2;
	v2 =	vmul.f32 $8.000000000e+00, v6;
	v5 =	vld [tilespmem:s9+$0xFFFFFF90]  }
0x22a: {  	v6 =	vmul.f32 $8.000000000e+00, v7;
	v7 =	vld [tilespmem:s9+$0x10];
	[tilespmem:s21+$0x80] =	vst v0  }
0x22b: {  	[tilespmem:s21+$0x100] =	vst v2;
	v0 =	vld [tilespmem:s9+$0x90];
	v1 =	vmul.f32 $8.000000000e+00, v1  }
0x22c: {  	[tilespmem:s21+$0xFFFFFE00] =	vst v6;
	v2 =	vmul.f32 $8.000000000e+00, v3;
	v3 =	vld [tilespmem:s9+$0x110]  }
0x22d: {  	v6 =	vld [tilespmem:s9+$0xFFFFFE10];
	v4 =	vmul.f32 $8.000000000e+00, v4;
	[tilespmem:s21+$0x190] =	vst v1  }
0x22e: {  	[tilespmem:s21+$0xFFFFFE90] =	vst v2;
	v1 =	vmul.f32 $8.000000000e+00, v5;
	v2 =	vld [tilespmem:s9+$0x1A0]  }
0x22f: {  	[tilespmem:s21+$0xFFFFFF10] =	vst v4;
	v4 =	vmul.f32 $8.000000000e+00, v7;
	v5 =	vld [tilespmem:s9+$0xFFFFFEA0]  }
0x230: {  	v7 =	vld [tilespmem:s9+$0xFFFFFF20];
	[tilespmem:s21+$0xFFFFFF90] =	vst v1;
	v0 =	vmul.f32 $8.000000000e+00, v0  }
0x231: {  	[tilespmem:s21+$0x10] =	vst v4;
	v1 =	vld [tilespmem:s9+$0xFFFFFFA0];
	v3 =	vmul.f32 $8.000000000e+00, v3  }
0x232: {  	v4 =	vmul.f32 $8.000000000e+00, v6;
	v6 =	vld [tilespmem:s9+$0x20];
	[tilespmem:s21+$0x90] =	vst v0  }
0x233: {  	v0 =	vld [tilespmem:s9+$0xA0];
	[tilespmem:s21+$0x110] =	vst v3;
	v2 =	vmul.f32 $8.000000000e+00, v2  }
0x234: {  	[tilespmem:s21+$0xFFFFFE10] =	vst v4;
	v3 =	vmul.f32 $8.000000000e+00, v5;
	v4 =	vld [tilespmem:s9+$0x120]  }
0x235: {  	v5 =	vld [tilespmem:s9+$0xFFFFFE20];
	v7 =	vmul.f32 $8.000000000e+00, v7;
	[tilespmem:s21+$0x1A0] =	vst v2  }
0x236: {  	[tilespmem:s21+$0xFFFFFEA0] =	vst v3;
	v1 =	vmul.f32 $8.000000000e+00, v1;
	v3 =	vld [tilespmem:s9+$0x1B0]  }
0x237: {  	[tilespmem:s21+$0xFFFFFF20] =	vst v7;
	v2 =	vmul.f32 $8.000000000e+00, v6;
	v8 =	vld [tilespmem:s9+$0xFFFFFEB0]  }
0x238: {  	v7 =	vld [tilespmem:s9+$0xFFFFFF30];
	[tilespmem:s21+$0xFFFFFFA0] =	vst v1;
	v1 =	vmul.f32 $8.000000000e+00, v0  }
0x239: {  	[tilespmem:s21+$0x20] =	vst v2;
	v0 =	vld [tilespmem:s9+$0xFFFFFFB0];
	v4 =	vmul.f32 $8.000000000e+00, v4  }
0x23a: {  	v5 =	vmul.f32 $8.000000000e+00, v5;
	v2 =	vld [tilespmem:s9+$0x30];
	[tilespmem:s21+$0xA0] =	vst v1  }
0x23b: {  	v1 =	vld [tilespmem:s9+$0xB0];
	[tilespmem:s21+$0x120] =	vst v4;
	v9 =	vmul.f32 $8.000000000e+00, v3  }
0x23c: {  	[tilespmem:s21+$0xFFFFFE20] =	vst v5;
	v3 =	vld [tilespmem:s9+$0x130];
	v6 =	vmul.f32 $8.000000000e+00, v8  }
0x23d: {  	s8 =	simm.s32 $0x0;
	v4 =	vld [tilespmem:s9+$0xFFFFFE30];
	v5 =	vmul.f32 $8.000000000e+00, v7;
	s9 =	simm.s32 $0x900;
	[tilespmem:s21+$0x1B0] =	vst v9  }
.LBB2_16:
0x23e: {  	v7 =	vld [tilespmem:s9+$0x180];
	s8 =	sadd.s32 $0x8, s8;
	[tilespmem:s21+$0xFFFFFEB0] =	vst v6;
	v0 =	vmul.f32 $8.000000000e+00, v0  }
0x23f: {  	v6 =	vld [tilespmem:s9+$0xFFFFFE80];
	p0 =	slt.u32 s8, $0x78;
	[tilespmem:s21+$0xFFFFFF30] =	vst v5;
	v2 =	vmul.f32 $8.000000000e+00, v2  }
0x240: {  	v5 =	vld [tilespmem:s9+$0xFFFFFF00];
	[tilespmem:s21+$0xFFFFFFB0] =	vst v0;
	v0 =	vmul.f32 $8.000000000e+00, v1  }
0x241: {  	v1 =	vld [tilespmem:s9+$0xFFFFFF80];
	[tilespmem:s21+$0x30] =	vst v2;
	v2 =	vmul.f32 $8.000000000e+00, v3  }
0x242: {  	v3 =	vld [tilespmem:s9+$0x0];
	v4 =	vmul.f32 $8.000000000e+00, v4;
	[tilespmem:s21+$0xB0] =	vst v0  }
0x243: {  	v0 =	vld [tilespmem:s9+$0x80];
	v7 =	vmul.f32 $8.000000000e+00, v7;
	[tilespmem:s21+$0x130] =	vst v2  }
0x244: {  	v2 =	vmul.f32 $8.000000000e+00, v6;
	v6 =	vld [tilespmem:s9+$0x100];
	[tilespmem:s21+$0xFFFFFE30] =	vst v4;
	s21 =	sadd.s32 $0x400, s21  }
0x245: {  	v4 =	vld [tilespmem:s9+$0xFFFFFE00];
	v5 =	vmul.f32 $8.000000000e+00, v5;
	[tilespmem:s21+$0x180] =	vst v7  }
0x246: {  	[tilespmem:s21+$0xFFFFFE80] =	vst v2;
	v1 =	vmul.f32 $8.000000000e+00, v1;
	v2 =	vld [tilespmem:s9+$0x190]  }
0x247: {  	v7 =	vld [tilespmem:s9+$0xFFFFFE90];
	[tilespmem:s21+$0xFFFFFF00] =	vst v5;
	v3 =	vmul.f32 $8.000000000e+00, v3  }
0x248: {  	v5 =	vld [tilespmem:s9+$0xFFFFFF10];
	[tilespmem:s21+$0xFFFFFF80] =	vst v1;
	v0 =	vmul.f32 $8.000000000e+00, v0  }
0x249: {  	v1 =	vld [tilespmem:s9+$0xFFFFFF90];
	[tilespmem:s21+$0x0] =	vst v3;
	v3 =	vmul.f32 $8.000000000e+00, v6  }
0x24a: {  	v4 =	vmul.f32 $8.000000000e+00, v4;
	v6 =	vld [tilespmem:s9+$0x10];
	[tilespmem:s21+$0x80] =	vst v0  }
0x24b: {  	v0 =	vld [tilespmem:s9+$0x90];
	[tilespmem:s21+$0x100] =	vst v3;
	v2 =	vmul.f32 $8.000000000e+00, v2  }
0x24c: {  	[tilespmem:s21+$0xFFFFFE00] =	vst v4;
	v3 =	vmul.f32 $8.000000000e+00, v7;
	v4 =	vld [tilespmem:s9+$0x110]  }
0x24d: {  	v7 =	vld [tilespmem:s9+$0xFFFFFE10];
	v5 =	vmul.f32 $8.000000000e+00, v5;
	[tilespmem:s21+$0x190] =	vst v2  }
0x24e: {  	[tilespmem:s21+$0xFFFFFE90] =	vst v3;
	v1 =	vmul.f32 $8.000000000e+00, v1;
	v2 =	vld [tilespmem:s9+$0x1A0]  }
0x24f: {  	v3 =	vld [tilespmem:s9+$0xFFFFFEA0];
	[tilespmem:s21+$0xFFFFFF10] =	vst v5;
	v5 =	vmul.f32 $8.000000000e+00, v6  }
0x250: {  	v6 =	vld [tilespmem:s9+$0xFFFFFF20];
	[tilespmem:s21+$0xFFFFFF90] =	vst v1;
	v0 =	vmul.f32 $8.000000000e+00, v0  }
0x251: {  	v1 =	vld [tilespmem:s9+$0xFFFFFFA0];
	[tilespmem:s21+$0x10] =	vst v5;
	v4 =	vmul.f32 $8.000000000e+00, v4  }
0x252: {  	v5 =	vmul.f32 $8.000000000e+00, v7;
	v7 =	vld [tilespmem:s9+$0x20];
	[tilespmem:s21+$0x90] =	vst v0  }
0x253: {  	v0 =	vld [tilespmem:s9+$0xA0];
	[tilespmem:s21+$0x110] =	vst v4;
	v2 =	vmul.f32 $8.000000000e+00, v2  }
0x254: {  	[tilespmem:s21+$0xFFFFFE10] =	vst v5;
	v3 =	vmul.f32 $8.000000000e+00, v3;
	v4 =	vld [tilespmem:s9+$0x120]  }
0x255: {  	v5 =	vld [tilespmem:s9+$0xFFFFFE20];
	v6 =	vmul.f32 $8.000000000e+00, v6;
	[tilespmem:s21+$0x1A0] =	vst v2  }
0x256: {  	[tilespmem:s21+$0xFFFFFEA0] =	vst v3;
	v1 =	vmul.f32 $8.000000000e+00, v1;
	v3 =	vld [tilespmem:s9+$0x1B0]  }
0x257: {  	v8 =	vld [tilespmem:s9+$0xFFFFFEB0];
	[tilespmem:s21+$0xFFFFFF20] =	vst v6;
	v2 =	vmul.f32 $8.000000000e+00, v7  }
0x258: {  	v7 =	vld [tilespmem:s9+$0xFFFFFF30];
	[tilespmem:s21+$0xFFFFFFA0] =	vst v1;
	v1 =	vmul.f32 $8.000000000e+00, v0  }
.Ltmp7:
0x259: {  	v0 =	vld [tilespmem:s9+$0xFFFFFFB0];
	[tilespmem:s21+$0x20] =	vst v2;
	v4 =	vmul.f32 $8.000000000e+00, v4;
	(pc) =	sbr.rel @p0 .LBB2_16-.Ltmp7, $4  }
0x25a: {  	v5 =	vmul.f32 $8.000000000e+00, v5;
	v2 =	vld [tilespmem:s9+$0x30];
	[tilespmem:s21+$0xA0] =	vst v1  }
0x25b: {  	v1 =	vld [tilespmem:s9+$0xB0];
	[tilespmem:s21+$0x120] =	vst v4;
	v9 =	vmul.f32 $8.000000000e+00, v3  }
0x25c: {  	[tilespmem:s21+$0xFFFFFE20] =	vst v5;
	v6 =	vmul.f32 $8.000000000e+00, v8;
	v3 =	vld [tilespmem:s9+$0x130]  }
0x25d: {  	v4 =	vld [tilespmem:s9+$0xFFFFFE30];
	v5 =	vmul.f32 $8.000000000e+00, v7;
	[tilespmem:s21+$0x1B0] =	vst v9;
	s9 =	sadd.s32 $0x400, s9  }
0x25e: {  	[tilespmem:s21+$0xFFFFFEB0] =	vst v6;
	v0 =	vmul.f32 $8.000000000e+00, v0  }
0x25f: {  	[tilespmem:s21+$0xFFFFFF30] =	vst v5;
	v2 =	vmul.f32 $8.000000000e+00, v2  }
0x260: {  	[tilespmem:s21+$0xFFFFFFB0] =	vst v0;
	v0 =	vmul.f32 $8.000000000e+00, v1  }
0x261: {  	[tilespmem:s21+$0x30] =	vst v2;
	v1 =	vmul.f32 $8.000000000e+00, v3  }
0x262: {  	v2 =	vmul.f32 $8.000000000e+00, v4;
	[tilespmem:s21+$0xB0] =	vst v0  }
0x263: {  	[tilespmem:s21+$0x130] =	vst v1  }
0x264: {  	[tilespmem:s21+$0xFFFFFE30] =	vst v2  }
0x265: {  	s8 =	simm.s32 $0x0;
	s9 =	rddreg [dreg:$0x6]  }
0x266: {  	[hbm4b:s9+s8] =	stream.linear.scatter [tilespmem:s2], [sflag:$0x7], $0x4000, $0x38;
	[tilespmem:$0x1C300] =	vst v63  }
0x267: {  	_ =	swait.ge [sflag:s23], $0x4000  }
0x268: {  	[sflag:s23] =	ssyncset.done $0x0  }
0x269: {  	s21 =	simm.s32 $0x0;
	[sflag:s23] =	ssyncadd.s32 $0xFFFFC000  }
0x26a: {  	v0 =	vld [tilespmem:s21+$0x46B0]  }
0x26b: {  	v1 =	vld [tilespmem:s21+$0x4300]  }
0x26c: {  	v2 =	vld [tilespmem:s21+$0x4310]  }
0x26d: {  	v3 =	vld [tilespmem:s21+$0x4320]  }
0x26e: {  	v4 =	vld [tilespmem:s21+$0x4330]  }
0x26f: {  	v5 =	vld [tilespmem:s21+$0x4380];
	v0 =	vmul.f32 $8.000000000e+00, v0  }
0x270: {  	v6 =	vld [tilespmem:s21+$0x4390];
	v1 =	vmul.f32 $8.000000000e+00, v1  }
0x271: {  	v7 =	vld [tilespmem:s21+$0x43A0];
	v2 =	vmul.f32 $8.000000000e+00, v2;
	[tilespmem:s21+$0x186B0] =	vst v0  }
0x272: {  	[tilespmem:s21+$0x18300] =	vst v1;
	v0 =	vmul.f32 $8.000000000e+00, v3;
	v1 =	vld [tilespmem:s21+$0x43B0]  }
0x273: {  	[tilespmem:s21+$0x18310] =	vst v2;
	v2 =	vmul.f32 $8.000000000e+00, v4;
	v3 =	vld [tilespmem:s21+$0x4400]  }
0x274: {  	v4 =	vld [tilespmem:s21+$0x4410];
	[tilespmem:s21+$0x18320] =	vst v0;
	v0 =	vmul.f32 $8.000000000e+00, v5  }
0x275: {  	[tilespmem:s21+$0x18330] =	vst v2;
	v2 =	vmul.f32 $8.000000000e+00, v6;
	v5 =	vld [tilespmem:s21+$0x4420]  }
0x276: {  	v6 =	vld [tilespmem:s21+$0x4430];
	[tilespmem:s21+$0x18380] =	vst v0;
	v0 =	vmul.f32 $8.000000000e+00, v7  }
0x277: {  	[tilespmem:s21+$0x18390] =	vst v2;
	v2 =	vld [tilespmem:s21+$0x4480];
	v1 =	vmul.f32 $8.000000000e+00, v1  }
0x278: {  	[tilespmem:s21+$0x183A0] =	vst v0;
	v0 =	vmul.f32 $8.000000000e+00, v3;
	v3 =	vld [tilespmem:s21+$0x4490]  }
0x279: {  	[tilespmem:s21+$0x183B0] =	vst v1;
	v1 =	vmul.f32 $8.000000000e+00, v4;
	v4 =	vld [tilespmem:s21+$0x44A0]  }
0x27a: {  	[tilespmem:s21+$0x18400] =	vst v0;
	v0 =	vmul.f32 $8.000000000e+00, v5;
	v5 =	vld [tilespmem:s21+$0x44B0]  }
0x27b: {  	[tilespmem:s21+$0x18410] =	vst v1;
	v1 =	vmul.f32 $8.000000000e+00, v6;
	v6 =	vld [tilespmem:s21+$0x4500]  }
0x27c: {  	[tilespmem:s21+$0x18420] =	vst v0;
	v0 =	vmul.f32 $8.000000000e+00, v2;
	v2 =	vld [tilespmem:s21+$0x4510]  }
0x27d: {  	[tilespmem:s21+$0x18430] =	vst v1;
	v1 =	vmul.f32 $8.000000000e+00, v3;
	v3 =	vld [tilespmem:s21+$0x4520]  }
0x27e: {  	[tilespmem:s21+$0x18480] =	vst v0;
	v0 =	vmul.f32 $8.000000000e+00, v4;
	v4 =	vld [tilespmem:s21+$0x4530]  }
0x27f: {  	[tilespmem:s21+$0x18490] =	vst v1;
	v1 =	vmul.f32 $8.000000000e+00, v5;
	v5 =	vld [tilespmem:s21+$0x4580]  }
0x280: {  	[tilespmem:s21+$0x184A0] =	vst v0;
	v0 =	vmul.f32 $8.000000000e+00, v6;
	v6 =	vld [tilespmem:s21+$0x4590]  }
0x281: {  	[tilespmem:s21+$0x184B0] =	vst v1;
	v1 =	vmul.f32 $8.000000000e+00, v2;
	v2 =	vld [tilespmem:s21+$0x45A0]  }
0x282: {  	v7 =	vld [tilespmem:s21+$0x45B0];
	[tilespmem:s21+$0x18500] =	vst v0;
	v0 =	vmul.f32 $8.000000000e+00, v3  }
0x283: {  	[tilespmem:s21+$0x18510] =	vst v1;
	v1 =	vmul.f32 $8.000000000e+00, v4;
	v4 =	vld [tilespmem:s21+$0x4600]  }
0x284: {  	v3 =	vld [tilespmem:s21+$0x4610];
	[tilespmem:s21+$0x18520] =	vst v0;
	v5 =	vmul.f32 $8.000000000e+00, v5  }
0x285: {  	v0 =	vld [tilespmem:s21+$0x4620];
	[tilespmem:s21+$0x18530] =	vst v1;
	v6 =	vmul.f32 $8.000000000e+00, v6  }
0x286: {  	v1 =	vld [tilespmem:s21+$0x4630];
	[tilespmem:s21+$0x18580] =	vst v5;
	v5 =	vmul.f32 $8.000000000e+00, v2  }
0x287: {  	v2 =	vld [tilespmem:s21+$0x4680];
	[tilespmem:s21+$0x18590] =	vst v6;
	v6 =	vmul.f32 $8.000000000e+00, v7  }
0x288: {  	s8 =	simm.s32 $0x0;
	s9 =	simm.s32 $0x1000;
	[tilespmem:s21+$0x185A0] =	vst v5;
	v5 =	vmul.f32 $8.000000000e+00, v4;
	v4 =	vld [tilespmem:s21+$0x4690]  }
.LBB2_18:
0x289: {  	s14 =	sshra.s32 s9, $0x2;
	s8 =	sadd.s32 $0x8, s8;
	[tilespmem:s21+$0x185B0] =	vst v6;
	v3 =	vmul.f32 $8.000000000e+00, v3;
	v6 =	vld [tilespmem:s21+$0x46A0]  }
0x28a: {  	v7 =	vld [tilespmem:s14+$0x46B0];
	p0 =	slt.u32 s8, $0x78;
	[tilespmem:s21+$0x18600] =	vst v5;
	v0 =	vmul.f32 $8.000000000e+00, v0  }
0x28b: {  	v5 =	vld [tilespmem:s14+$0x4300];
	[tilespmem:s21+$0x18610] =	vst v3;
	v1 =	vmul.f32 $8.000000000e+00, v1  }
0x28c: {  	v3 =	vld [tilespmem:s14+$0x4310];
	[tilespmem:s21+$0x18620] =	vst v0;
	v0 =	vmul.f32 $8.000000000e+00, v2  }
0x28d: {  	v2 =	vld [tilespmem:s14+$0x4320];
	[tilespmem:s21+$0x18630] =	vst v1;
	v1 =	vmul.f32 $8.000000000e+00, v4  }
0x28e: {  	v4 =	vld [tilespmem:s14+$0x4330];
	[tilespmem:s21+$0x18680] =	vst v0;
	v0 =	vmul.f32 $8.000000000e+00, v6  }
0x28f: {  	v6 =	vld [tilespmem:s14+$0x4380];
	v7 =	vmul.f32 $8.000000000e+00, v7;
	[tilespmem:s21+$0x18690] =	vst v1  }
0x290: {  	v1 =	vmul.f32 $8.000000000e+00, v5;
	v5 =	vld [tilespmem:s14+$0x4390];
	[tilespmem:s21+$0x186A0] =	vst v0;
	s21 =	smov.u32 s14  }
0x291: {  	v0 =	vmul.f32 $8.000000000e+00, v3;
	v3 =	vld [tilespmem:s21+$0x43A0];
	[tilespmem:s21+$0x186B0] =	vst v7  }
0x292: {  	[tilespmem:s21+$0x18300] =	vst v1;
	v1 =	vmul.f32 $8.000000000e+00, v2;
	v2 =	vld [tilespmem:s21+$0x43B0]  }
0x293: {  	[tilespmem:s21+$0x18310] =	vst v0;
	v0 =	vmul.f32 $8.000000000e+00, v4;
	v4 =	vld [tilespmem:s21+$0x4400]  }
0x294: {  	[tilespmem:s21+$0x18320] =	vst v1;
	v1 =	vmul.f32 $8.000000000e+00, v6;
	v6 =	vld [tilespmem:s21+$0x4410]  }
0x295: {  	[tilespmem:s21+$0x18330] =	vst v0;
	v0 =	vmul.f32 $8.000000000e+00, v5;
	v5 =	vld [tilespmem:s21+$0x4420]  }
0x296: {  	[tilespmem:s21+$0x18380] =	vst v1;
	v1 =	vmul.f32 $8.000000000e+00, v3;
	v3 =	vld [tilespmem:s21+$0x4430]  }
0x297: {  	[tilespmem:s21+$0x18390] =	vst v0;
	v0 =	vmul.f32 $8.000000000e+00, v2;
	v2 =	vld [tilespmem:s21+$0x4480]  }
0x298: {  	[tilespmem:s21+$0x183A0] =	vst v1;
	v1 =	vmul.f32 $8.000000000e+00, v4;
	v4 =	vld [tilespmem:s21+$0x4490]  }
0x299: {  	[tilespmem:s21+$0x183B0] =	vst v0;
	v0 =	vmul.f32 $8.000000000e+00, v6;
	v6 =	vld [tilespmem:s21+$0x44A0]  }
0x29a: {  	[tilespmem:s21+$0x18400] =	vst v1;
	v1 =	vmul.f32 $8.000000000e+00, v5;
	v5 =	vld [tilespmem:s21+$0x44B0]  }
0x29b: {  	[tilespmem:s21+$0x18410] =	vst v0;
	v0 =	vmul.f32 $8.000000000e+00, v3;
	v3 =	vld [tilespmem:s21+$0x4500]  }
0x29c: {  	[tilespmem:s21+$0x18420] =	vst v1;
	v1 =	vmul.f32 $8.000000000e+00, v2;
	v2 =	vld [tilespmem:s21+$0x4510]  }
0x29d: {  	[tilespmem:s21+$0x18430] =	vst v0;
	v0 =	vmul.f32 $8.000000000e+00, v4;
	v4 =	vld [tilespmem:s21+$0x4520]  }
0x29e: {  	[tilespmem:s21+$0x18480] =	vst v1;
	v1 =	vmul.f32 $8.000000000e+00, v6;
	v6 =	vld [tilespmem:s21+$0x4530]  }
0x29f: {  	[tilespmem:s21+$0x18490] =	vst v0;
	v0 =	vmul.f32 $8.000000000e+00, v5;
	v5 =	vld [tilespmem:s21+$0x4580]  }
0x2a0: {  	[tilespmem:s21+$0x184A0] =	vst v1;
	v1 =	vmul.f32 $8.000000000e+00, v3;
	v7 =	vld [tilespmem:s21+$0x4590]  }
0x2a1: {  	[tilespmem:s21+$0x184B0] =	vst v0;
	v0 =	vmul.f32 $8.000000000e+00, v2;
	v2 =	vld [tilespmem:s21+$0x45A0]  }
0x2a2: {  	[tilespmem:s21+$0x18500] =	vst v1;
	v1 =	vmul.f32 $8.000000000e+00, v4;
	v4 =	vld [tilespmem:s21+$0x45B0]  }
0x2a3: {  	[tilespmem:s21+$0x18510] =	vst v0;
	v0 =	vmul.f32 $8.000000000e+00, v6;
	v8 =	vld [tilespmem:s21+$0x4600]  }
.Ltmp8:
0x2a4: {  	[tilespmem:s21+$0x18520] =	vst v1;
	v1 =	vmul.f32 $8.000000000e+00, v5;
	v3 =	vld [tilespmem:s21+$0x4610];
	(pc) =	sbr.rel @p0 .LBB2_18-.Ltmp8, $4  }
0x2a5: {  	[tilespmem:s21+$0x18530] =	vst v0;
	v5 =	vmul.f32 $8.000000000e+00, v7;
	v0 =	vld [tilespmem:s21+$0x4620]  }
0x2a6: {  	[tilespmem:s21+$0x18580] =	vst v1;
	v7 =	vmul.f32 $8.000000000e+00, v2;
	v1 =	vld [tilespmem:s21+$0x4630]  }
0x2a7: {  	[tilespmem:s21+$0x18590] =	vst v5;
	v6 =	vmul.f32 $8.000000000e+00, v4;
	v2 =	vld [tilespmem:s21+$0x4680]  }
0x2a8: {  	s9 =	sadd.s32 $0x1000, s9;
	[tilespmem:s21+$0x185A0] =	vst v7;
	v5 =	vmul.f32 $8.000000000e+00, v8;
	v4 =	vld [tilespmem:s21+$0x4690]  }
0x2a9: {  	[tilespmem:s21+$0x185B0] =	vst v6;
	v3 =	vmul.f32 $8.000000000e+00, v3;
	v60 =	vld [tilespmem:s21+$0x46A0]  }
0x2aa: {  	[tilespmem:s21+$0x18600] =	vst v5;
	v0 =	vmul.f32 $8.000000000e+00, v0  }
0x2ab: {  	[tilespmem:s21+$0x18610] =	vst v3;
	v1 =	vmul.f32 $8.000000000e+00, v1  }
0x2ac: {  	[tilespmem:s21+$0x18620] =	vst v0;
	v61 =	vmul.f32 $8.000000000e+00, v2  }
0x2ad: {  	[tilespmem:s21+$0x18630] =	vst v1;
	v62 =	vmul.f32 $8.000000000e+00, v4  }
0x2ae: {  	s29 =	sadd.s32 $0x1, s29;
	[tilespmem:s21+$0x18680] =	vst v61;
	v63 =	vmul.f32 $8.000000000e+00, v60  }
0x2af: {  	p0 =	sne.s32 s29, s16;
	[tilespmem:s21+$0x18690] =	vst v62  }
.Ltmp9:
0x2b0: {  	[tilespmem:s21+$0x186A0] =	vst v63;
	(pc) =	sbr.rel @p0 .LBB2_1-.Ltmp9, $4  }
0x2b1: {  	[hbm4b:s15+s4] =	stream.linear.scatter [tilespmem:s2], [sflag:$0x7], $0x4000, $0x38;
	[tilespmem:$0x1C300] =	vst v63  }
0x2b2: {  	_ =	swait.ge [sflag:s23], $0x4000  }
0x2b3: {  	[sflag:s23] =	ssyncset.done $0x0  }
0x2b4: {  	[sflag:s23] =	ssyncadd.s32 $0xFFFFC000  }
0x2b5: {  	_ =	sfence.sel $0x180000  }
0x2b6: {  	[bflag:$0x0] =	sbarrier.arrive $0xFFFF  }
0x2b7: {  	_ =	strace $0x90000047  }
0x2b8: {  	s0 =	stileid.u32;
	[bflag:$0x2] =	sbarrier.arrive $0xFFFF  }
0x2b9: {  	p0 =	sne.s32 s0, $0x0;
	s0 =	rddreg [dreg:$0x3]  }
0x2ba: {  	s0 =	sadd.s32 @!p0 $0x100000, s0  }
0x2bb: {  	[sflag:s0] =	ssyncadd.tile.s32 @!p0 $0x1;
	_ =	shalt  }
.Lfunc_end2:
_tile_overlayer_lowered:
.L_overlay_start_2:
0x2bc: {  	(tag) =	ssettag $0x2  }
0x2bd: {  	s0 =	rddreg [dreg:$0x0];
	s2 =	stileid.u32  }
0x2be: {  	s1 =	rddreg [dreg:$0x1];
	p0 =	sne.s32 s2, $0x0  }
0x2bf: {  	s3 =	rddreg [dreg:$0x2];
	[bflag:$0x3] =	sbarrier.arrive $0xFFFF;
	s2 =	simm.s32 @!p0 $0x1C07  }
0x2c0: {  	[timem:s3], [sflag:s2] =	dma.local @!p0 [hbm:s0], s1  }
0x2c1: {  	s0 =	simm.s32 @!p0 $0x7  }
0x2c2: {  	_ =	swait.ge @!p0 [sflag:s0], s1  }
0x2c3: {  	s1 =	ssub.s32 @!p0 $0x0, s1;
	[sflag:s0] =	ssyncset.done @!p0 $0x0  }
0x2c4: {  	[sflag:s0] =	ssyncadd.s32 @!p0 s1  }
0x2c5: {  	[bflag:$0x3] =	sbarrier.arrive $0xFFFF  }
0x2c6: {  	_ =	shalt  }

</sc_bundles>
